<compile_context>
chip_gen: v7x
topology: tpu7x:2x2x1
jax: 0.10.2.dev20260603
libtpu: 0.0.44.dev20260713+nightly
codegen_flags: <defaults>
</compile_context>

<pallas_src>
import functools

import jax
import jax.numpy as jnp
from jax import lax
from jax.experimental import pallas as pl
from jax.experimental.pallas import tpu as pltpu
from jax.experimental.pallas import tpu_sc as plsc

_WIN_BASES = (560, 350, 120)
_NWIN = 3
_WLEN = 20
_NC = 2
_NS = 16
_NW = _NC * _NS
_LANES = 16
_WCH = 112
_HOCT = 8

_SLABS = ((0, 256, 0), (256, 128, 256), (512, 128, 384))
_DST_BASE = (432, 350, 120)


def _sc_body(y_hbm, out_hbm, buf_v, res_v, sem0, sem1, osem):
    B, H, W, C = y_hbm.shape
    noct = H // _HOCT
    ntask = B * noct
    kmax = (ntask + _NW - 1) // _NW
    nwc = W // _WCH
    nsub = _HOCT * nwc
    ng = _WCH // _LANES
    inv = jnp.float32(1.0 / _WLEN)
    sems = (sem0, sem1)

    c = lax.axis_index("c")
    s = lax.axis_index("s")
    wid = s * _NC + c

    def coords(m):
        k = m // nsub
        i = m % nsub
        t = k * _NW + wid
        b = t // noct
        h0 = pl.multiple_of((t % noct) * _HOCT, _HOCT)
        hof = i // nwc
        wc = i % nwc
        return t, k, b, h0, hof, wc

    def copies(m):
        t, k, b, h0, hof, wc = coords(m)
        w0 = pl.multiple_of(wc * _WCH, _WCH)
        for (so, width, do) in _SLABS:
            yield (
                y_hbm.at[b, h0 + hof, pl.ds(w0, _WCH), pl.ds(so, width)],
                buf_v.at[m % 2, :, pl.ds(do, width)],
                sems,
                m % 2,
            ), t

    def issue(m):
        for (src, dst, ss, par), t in copies(m):

            @pl.when(t < ntask)
            def _():
                @pl.when(par == 0)
                def _():
                    pltpu.async_copy(src, dst, ss[0])

                @pl.when(par == 1)
                def _():
                    pltpu.async_copy(src, dst, ss[1])

    def drain_in(m):
        for (src, dst, ss, par), t in copies(m):

            @pl.when(t < ntask)
            def _():
                @pl.when(par == 0)
                def _():
                    pltpu.make_async_copy(src, dst, ss[0]).wait()

                @pl.when(par == 1)
                def _():
                    pltpu.make_async_copy(src, dst, ss[1]).wait()

    iota = lax.iota(jnp.int32, _LANES)
    nm = kmax * nsub

    issue(0)

    def step(m, carry):
        t, k, b, h0, hof, wc = coords(m)
        issue(m + 1)
        drain_in(m)

        @pl.when(t < ntask)
        def _():
            def group(g, carry2):
                idx_w = g * _LANES + iota
                for wi in range(_NWIN):
                    acc = plsc.load_gather(
                        buf_v.at[m % 2],
                        [idx_w, jnp.full((_LANES,), _DST_BASE[wi], jnp.int32)],
                    )
                    for j in range(1, _WLEN):
                        acc = acc + plsc.load_gather(
                            buf_v.at[m % 2],
                            [idx_w,
                             jnp.full((_LANES,), _DST_BASE[wi] + j, jnp.int32)],
                        )
                    res_v[k, wi, hof,
                          pl.ds(wc * _WCH + g * _LANES, _LANES)] = acc * inv
                return carry2

            lax.fori_loop(0, ng, group, 0)

            @pl.when((m + 1) % nsub == 0)
            def _():
                for wi in range(_NWIN):
                    pltpu.async_copy(
                        res_v.at[k, wi],
                        out_hbm.at[b, wi, pl.ds(h0, _HOCT), :],
                        osem,
                    )

        return carry

    lax.fori_loop(0, nm, step, 0)

    for kk in range(kmax):
        t, k, b, h0, _, _ = coords(kk * nsub)

        @pl.when(t < ntask)
        def _():
            for wi in range(_NWIN):
                pltpu.make_async_copy(
                    res_v.at[k, wi],
                    out_hbm.at[b, wi, pl.ds(h0, _HOCT), :],
                    osem,
                ).wait()


def kernel(x):
    B, C, H, W = x.shape
    y = jnp.transpose(x, (0, 2, 3, 1))

    run = functools.partial(
        pl.kernel,
        out_type=jax.ShapeDtypeStruct((B, _NWIN, H, W), jnp.float32),
        mesh=plsc.VectorSubcoreMesh(core_axis_name="c", subcore_axis_name="s"),
        compiler_params=pltpu.CompilerParams(needs_layout_passes=False),
        scratch_types=[
            pltpu.VMEM((2, _WCH, 512), jnp.float32),
            pltpu.VMEM((2, _NWIN, _HOCT, W), jnp.float32),
            pltpu.SemaphoreType.DMA,
            pltpu.SemaphoreType.DMA,
            pltpu.SemaphoreType.DMA,
        ],
    )(_sc_body)

    return run(y)

# --- scband reference (transcript-rebuilt; emitter-appended) ---
"""Pipeline reference for scband-window-channel-reducer-25400436589162 (READ-ONLY COPY).

The authoritative reference and input builder live on the scoring server;
editing this copy changes nothing except your own understanding.
"""

import jax, jax.numpy as jnp
import numpy as np

WINDOWS = [
    [560, 561, 562, 563, 564, 565, 566, 567, 568, 569, 570, 571, 572, 573, 574, 575, 576, 577, 578, 579],
    [350, 351, 352, 353, 354, 355, 356, 357, 358, 359, 360, 361, 362, 363, 364, 365, 366, 367, 368, 369],
    [120, 121, 122, 123, 124, 125, 126, 127, 128, 129, 130, 131, 132, 133, 134, 135, 136, 137, 138, 139],
]

def setup_inputs(seed: int = 0) -> dict:
    key = jax.random.key(seed)
    x = jax.random.normal(key, (2, 826, 224, 224), dtype=jnp.float32)
    return {"x": x}

def reference(x):
    reduced_channels = []
    for window in WINDOWS:
        idx = jnp.asarray(window, dtype=jnp.int32)
        selected = jnp.take(x, idx, axis=1)  # (B, len(window), H, W)
        mean = jnp.mean(selected, axis=1, keepdims=True)  # (B, 1, H, W)
        reduced_channels.append(mean)
    out = jnp.concatenate(reduced_channels, axis=1)  # (B, 3, H, W)
    return out

if __name__ == "__main__":
    import jax
    _d = setup_inputs()
    print(jax.jit(kernel)(*tuple(_d.values())))

</pallas_src>

<mosaic_0001>
#map = affine_map<(d0, d1) -> (0, 0, 0, 0)>
module attributes {stable_mosaic.version = 14 : i64} {
  func.func @_sc_body(%arg0: i32, %arg1: i32, %arg2: memref<2x224x224x826xf32, #tpu.memory_space<hbm>>, %arg3: memref<2x3x224x224xf32, #tpu.memory_space<hbm>>, %arg4: memref<2x112x512xf32, #tpu.memory_space<vmem>>, %arg5: memref<2x3x8x224xf32, #tpu.memory_space<vmem>>, %arg6: memref<!tpu.dma_semaphore, #tpu.memory_space<semaphore_mem>>, %arg7: memref<!tpu.dma_semaphore, #tpu.memory_space<semaphore_mem>>, %arg8: memref<!tpu.dma_semaphore, #tpu.memory_space<semaphore_mem>>) attributes {dimension_semantics = [#tpu.dimension_semantics<core_parallel>, #tpu.dimension_semantics<subcore_parallel>], iteration_bounds = array<i64: 2, 16>, scalar_prefetch = 0 : i64, scratch_operands = 5 : i64, tpu.core_type = #tpu.core_type<sc_vector_subcore>, window_params = [{transform_indices = #map}, {transform_indices = #map}]} {
    %mul3A = arith.constant 2 : i32
    %mul3A_0 = arith.muli %arg1, %mul3A : i32
    %add3A = arith.addi %mul3A_0, %arg0 : i32
    %iota3A = tpu.iota {dimensions = array<i32: 0>} : vector<16xi32>
    %add3A_1 = arith.constant 0 : i32
    %add3A_2 = arith.addi %add3A_1, %add3A : i32
    %jit3A = arith.constant 28 : i32
    %div3A = arith.divsi %add3A_2, %jit3A : i32
    %sign3A = arith.constant 0 : i32
    %sign3A_3 = arith.cmpi sgt, %add3A_2, %sign3A : i32
    %sign3A_4 = arith.extui %sign3A_3 : i1 to i32
    %sign3A_5 = arith.constant 0 : i32
    %sign3A_6 = arith.cmpi slt, %add3A_2, %sign3A_5 : i32
    %sign3A_7 = arith.extui %sign3A_6 : i1 to i32
    %sign3A_8 = arith.subi %sign3A_4, %sign3A_7 : i32
    %sign3A_9 = arith.constant 0 : i32
    %sign3A_10 = arith.cmpi sgt, %jit3A, %sign3A_9 : i32
    %sign3A_11 = arith.extui %sign3A_10 : i1 to i32
    %sign3A_12 = arith.constant 0 : i32
    %sign3A_13 = arith.cmpi slt, %jit3A, %sign3A_12 : i32
    %sign3A_14 = arith.extui %sign3A_13 : i1 to i32
    %sign3A_15 = arith.subi %sign3A_11, %sign3A_14 : i32
    %ne3A = arith.cmpi ne, %sign3A_8, %sign3A_15 : i32
    %rem3A = arith.remsi %add3A_2, %jit3A : i32
    %ne3A_16 = arith.constant 0 : i32
    %ne3A_17 = arith.cmpi ne, %rem3A, %ne3A_16 : i32
    %and3A = arith.andi %ne3A, %ne3A_17 : i1
    %sub3A = arith.constant 1 : i32
    %sub3A_18 = arith.subi %div3A, %sub3A : i32
    %select_n3A = arith.select %and3A, %sub3A_18, %div3A : i32
    %jit3A_19 = arith.constant 28 : i32
    %eq3A = arith.constant 0 : i32
    %eq3A_20 = arith.cmpi eq, %jit3A_19, %eq3A : i32
    %jit3A_21 = arith.constant 1 : i32
    %select_n3A_22 = arith.select %eq3A_20, %jit3A_21, %jit3A_19 : i32
    %rem3A_23 = arith.remsi %add3A_2, %select_n3A_22 : i32
    %ne3A_24 = arith.constant 0 : i32
    %ne3A_25 = arith.cmpi ne, %rem3A_23, %ne3A_24 : i32
    %lt3A = arith.constant 0 : i32
    %lt3A_26 = arith.cmpi slt, %rem3A_23, %lt3A : i32
    %lt3A_27 = arith.constant 0 : i32
    %lt3A_28 = arith.cmpi slt, %select_n3A_22, %lt3A_27 : i32
    %ne3A_29 = arith.xori %lt3A_26, %lt3A_28 : i1
    %and3A_30 = arith.andi %ne3A_29, %ne3A_25 : i1
    %add3A_31 = arith.addi %rem3A_23, %select_n3A_22 : i32
    %select_n3A_32 = arith.select %and3A_30, %add3A_31, %rem3A_23 : i32
    %mul3A_33 = arith.constant 8 : i32
    %mul3A_34 = arith.muli %select_n3A_32, %mul3A_33 : i32
    %multiple_of3A = tpu.assume_multiple %mul3A_34, 8 : i32
    %multiple_of3A_35 = arith.constant 0 : i32
    %multiple_of3A_36 = tpu.assume_multiple %multiple_of3A_35, 112 : i32
    %add3A_37 = arith.constant 0 : i32
    %add3A_38 = arith.addi %multiple_of3A, %add3A_37 : i32
    %lt3A_39 = arith.constant 56 : i32
    %lt3A_40 = arith.cmpi slt, %add3A_2, %lt3A_39 : i32
    %convert_element_type3A = arith.extui %lt3A_40 : i1 to i32
    %cond3A = arith.constant 0 : i32
    %cond3A_41 = arith.constant 0 : i32
    %cond3A_42 = arith.cmpi ne, %convert_element_type3A, %cond3A_41 : i32
    scf.if %cond3A_42 {
      %dma_start3A = arith.constant 0 : i32
      %dma_start3A_165 = arith.constant 0 : i32
      %dma_start3A_166 = tpu.memref_slice %arg4[%cond3A, %dma_start3A, %dma_start3A_165] : memref<2x112x512xf32, #tpu.memory_space<vmem>> -> memref<1x112x256xf32, #tpu.memory_space<vmem>>
      %dma_start3A_167 = tpu.memref_squeeze %dma_start3A_166 : memref<1x112x256xf32, #tpu.memory_space<vmem>> -> memref<112x256xf32, #tpu.memory_space<vmem>>
      %dma_start3A_168 = arith.constant 0 : i32
      %dma_start3A_169 = tpu.memref_slice %arg2[%select_n3A, %add3A_38, %multiple_of3A_36, %dma_start3A_168] : memref<2x224x224x826xf32, #tpu.memory_space<hbm>> -> memref<1x1x112x256xf32, #tpu.memory_space<hbm>>
      %dma_start3A_170 = tpu.memref_squeeze %dma_start3A_169 : memref<1x1x112x256xf32, #tpu.memory_space<hbm>> -> memref<112x256xf32, #tpu.memory_space<hbm>>
      %dma_start3A_171 = arith.constant 0 : i32
      %dma_start3A_172 = arith.constant 0 : i32
      %dma_start3A_173 = tpu.memref_slice %arg4[%cond3A, %dma_start3A_171, %dma_start3A_172] : memref<2x112x512xf32, #tpu.memory_space<vmem>> -> memref<1x112x256xf32, #tpu.memory_space<vmem>>
      %dma_start3A_174 = tpu.memref_squeeze %dma_start3A_173 : memref<1x112x256xf32, #tpu.memory_space<vmem>> -> memref<112x256xf32, #tpu.memory_space<vmem>>
      %dma_start3A_175 = arith.constant 0 : i32
      %dma_start3A_176 = tpu.memref_slice %arg2[%select_n3A, %add3A_38, %multiple_of3A_36, %dma_start3A_175] : memref<2x224x224x826xf32, #tpu.memory_space<hbm>> -> memref<1x1x112x256xf32, #tpu.memory_space<hbm>>
      %dma_start3A_177 = tpu.memref_squeeze %dma_start3A_176 : memref<1x1x112x256xf32, #tpu.memory_space<hbm>> -> memref<112x256xf32, #tpu.memory_space<hbm>>
      tpu.enqueue_dma source(%dma_start3A_177 : memref<112x256xf32, #tpu.memory_space<hbm>>) target(%dma_start3A_174 : memref<112x256xf32, #tpu.memory_space<vmem>>) target_semaphore(%arg6 : memref<!tpu.dma_semaphore, #tpu.memory_space<semaphore_mem>>)
    } else {
    }
    %add3A_43 = arith.constant 0 : i32
    %add3A_44 = arith.addi %multiple_of3A, %add3A_43 : i32
    %lt3A_45 = arith.constant 56 : i32
    %lt3A_46 = arith.cmpi slt, %add3A_2, %lt3A_45 : i32
    %convert_element_type3A_47 = arith.extui %lt3A_46 : i1 to i32
    %cond3A_48 = arith.constant 0 : i32
    %cond3A_49 = arith.constant 0 : i32
    %cond3A_50 = arith.cmpi ne, %convert_element_type3A_47, %cond3A_49 : i32
    scf.if %cond3A_50 {
      %dma_start3A = arith.constant 0 : i32
      %dma_start3A_165 = arith.constant 256 : i32
      %dma_start3A_166 = tpu.memref_slice %arg4[%cond3A_48, %dma_start3A, %dma_start3A_165] : memref<2x112x512xf32, #tpu.memory_space<vmem>> -> memref<1x112x128xf32, #tpu.memory_space<vmem>>
      %dma_start3A_167 = tpu.memref_squeeze %dma_start3A_166 : memref<1x112x128xf32, #tpu.memory_space<vmem>> -> memref<112x128xf32, #tpu.memory_space<vmem>>
      %dma_start3A_168 = arith.constant 256 : i32
      %dma_start3A_169 = tpu.memref_slice %arg2[%select_n3A, %add3A_44, %multiple_of3A_36, %dma_start3A_168] : memref<2x224x224x826xf32, #tpu.memory_space<hbm>> -> memref<1x1x112x128xf32, #tpu.memory_space<hbm>>
      %dma_start3A_170 = tpu.memref_squeeze %dma_start3A_169 : memref<1x1x112x128xf32, #tpu.memory_space<hbm>> -> memref<112x128xf32, #tpu.memory_space<hbm>>
      %dma_start3A_171 = arith.constant 0 : i32
      %dma_start3A_172 = arith.constant 256 : i32
      %dma_start3A_173 = tpu.memref_slice %arg4[%cond3A_48, %dma_start3A_171, %dma_start3A_172] : memref<2x112x512xf32, #tpu.memory_space<vmem>> -> memref<1x112x128xf32, #tpu.memory_space<vmem>>
      %dma_start3A_174 = tpu.memref_squeeze %dma_start3A_173 : memref<1x112x128xf32, #tpu.memory_space<vmem>> -> memref<112x128xf32, #tpu.memory_space<vmem>>
      %dma_start3A_175 = arith.constant 256 : i32
      %dma_start3A_176 = tpu.memref_slice %arg2[%select_n3A, %add3A_44, %multiple_of3A_36, %dma_start3A_175] : memref<2x224x224x826xf32, #tpu.memory_space<hbm>> -> memref<1x1x112x128xf32, #tpu.memory_space<hbm>>
      %dma_start3A_177 = tpu.memref_squeeze %dma_start3A_176 : memref<1x1x112x128xf32, #tpu.memory_space<hbm>> -> memref<112x128xf32, #tpu.memory_space<hbm>>
      tpu.enqueue_dma source(%dma_start3A_177 : memref<112x128xf32, #tpu.memory_space<hbm>>) target(%dma_start3A_174 : memref<112x128xf32, #tpu.memory_space<vmem>>) target_semaphore(%arg6 : memref<!tpu.dma_semaphore, #tpu.memory_space<semaphore_mem>>)
    } else {
    }
    %add3A_51 = arith.constant 0 : i32
    %add3A_52 = arith.addi %multiple_of3A, %add3A_51 : i32
    %lt3A_53 = arith.constant 56 : i32
    %lt3A_54 = arith.cmpi slt, %add3A_2, %lt3A_53 : i32
    %convert_element_type3A_55 = arith.extui %lt3A_54 : i1 to i32
    %cond3A_56 = arith.constant 0 : i32
    %cond3A_57 = arith.constant 0 : i32
    %cond3A_58 = arith.cmpi ne, %convert_element_type3A_55, %cond3A_57 : i32
    scf.if %cond3A_58 {
      %dma_start3A = arith.constant 0 : i32
      %dma_start3A_165 = arith.constant 384 : i32
      %dma_start3A_166 = tpu.memref_slice %arg4[%cond3A_56, %dma_start3A, %dma_start3A_165] : memref<2x112x512xf32, #tpu.memory_space<vmem>> -> memref<1x112x128xf32, #tpu.memory_space<vmem>>
      %dma_start3A_167 = tpu.memref_squeeze %dma_start3A_166 : memref<1x112x128xf32, #tpu.memory_space<vmem>> -> memref<112x128xf32, #tpu.memory_space<vmem>>
      %dma_start3A_168 = arith.constant 512 : i32
      %dma_start3A_169 = tpu.memref_slice %arg2[%select_n3A, %add3A_52, %multiple_of3A_36, %dma_start3A_168] : memref<2x224x224x826xf32, #tpu.memory_space<hbm>> -> memref<1x1x112x128xf32, #tpu.memory_space<hbm>>
      %dma_start3A_170 = tpu.memref_squeeze %dma_start3A_169 : memref<1x1x112x128xf32, #tpu.memory_space<hbm>> -> memref<112x128xf32, #tpu.memory_space<hbm>>
      %dma_start3A_171 = arith.constant 0 : i32
      %dma_start3A_172 = arith.constant 384 : i32
      %dma_start3A_173 = tpu.memref_slice %arg4[%cond3A_56, %dma_start3A_171, %dma_start3A_172] : memref<2x112x512xf32, #tpu.memory_space<vmem>> -> memref<1x112x128xf32, #tpu.memory_space<vmem>>
      %dma_start3A_174 = tpu.memref_squeeze %dma_start3A_173 : memref<1x112x128xf32, #tpu.memory_space<vmem>> -> memref<112x128xf32, #tpu.memory_space<vmem>>
      %dma_start3A_175 = arith.constant 512 : i32
      %dma_start3A_176 = tpu.memref_slice %arg2[%select_n3A, %add3A_52, %multiple_of3A_36, %dma_start3A_175] : memref<2x224x224x826xf32, #tpu.memory_space<hbm>> -> memref<1x1x112x128xf32, #tpu.memory_space<hbm>>
      %dma_start3A_177 = tpu.memref_squeeze %dma_start3A_176 : memref<1x1x112x128xf32, #tpu.memory_space<hbm>> -> memref<112x128xf32, #tpu.memory_space<hbm>>
      tpu.enqueue_dma source(%dma_start3A_177 : memref<112x128xf32, #tpu.memory_space<hbm>>) target(%dma_start3A_174 : memref<112x128xf32, #tpu.memory_space<vmem>>) target_semaphore(%arg6 : memref<!tpu.dma_semaphore, #tpu.memory_space<semaphore_mem>>)
    } else {
    }
    %scan3A = arith.constant 0 : i32
    %scan3A_59 = arith.constant 5.000000e-02 : f32
    %scan3A_60 = arith.constant 0 : i32
    %scan3A_61 = arith.constant 32 : i32
    %scan3A_62 = arith.addi %scan3A_60, %scan3A_61 : i32
    %scan3A_63 = arith.constant 1 : i32
    scf.for %scan3A_165 = %scan3A_60 to %scan3A_62 step %scan3A_63  : i32 {
      %jit3A_166 = arith.constant 16 : i32
      %div3A_167 = arith.divsi %scan3A_165, %jit3A_166 : i32
      %sign3A_168 = arith.constant 0 : i32
      %sign3A_169 = arith.cmpi sgt, %scan3A_165, %sign3A_168 : i32
      %sign3A_170 = arith.extui %sign3A_169 : i1 to i32
      %sign3A_171 = arith.constant 0 : i32
      %sign3A_172 = arith.cmpi slt, %scan3A_165, %sign3A_171 : i32
      %sign3A_173 = arith.extui %sign3A_172 : i1 to i32
      %sign3A_174 = arith.subi %sign3A_170, %sign3A_173 : i32
      %sign3A_175 = arith.constant 0 : i32
      %sign3A_176 = arith.cmpi sgt, %jit3A_166, %sign3A_175 : i32
      %sign3A_177 = arith.extui %sign3A_176 : i1 to i32
      %sign3A_178 = arith.constant 0 : i32
      %sign3A_179 = arith.cmpi slt, %jit3A_166, %sign3A_178 : i32
      %sign3A_180 = arith.extui %sign3A_179 : i1 to i32
      %sign3A_181 = arith.subi %sign3A_177, %sign3A_180 : i32
      %ne3A_182 = arith.cmpi ne, %sign3A_174, %sign3A_181 : i32
      %rem3A_183 = arith.remsi %scan3A_165, %jit3A_166 : i32
      %ne3A_184 = arith.constant 0 : i32
      %ne3A_185 = arith.cmpi ne, %rem3A_183, %ne3A_184 : i32
      %and3A_186 = arith.andi %ne3A_182, %ne3A_185 : i1
      %sub3A_187 = arith.constant 1 : i32
      %sub3A_188 = arith.subi %div3A_167, %sub3A_187 : i32
      %select_n3A_189 = arith.select %and3A_186, %sub3A_188, %div3A_167 : i32
      %jit3A_190 = arith.constant 16 : i32
      %eq3A_191 = arith.constant 0 : i32
      %eq3A_192 = arith.cmpi eq, %jit3A_190, %eq3A_191 : i32
      %jit3A_193 = arith.constant 1 : i32
      %select_n3A_194 = arith.select %eq3A_192, %jit3A_193, %jit3A_190 : i32
      %rem3A_195 = arith.remsi %scan3A_165, %select_n3A_194 : i32
      %ne3A_196 = arith.constant 0 : i32
      %ne3A_197 = arith.cmpi ne, %rem3A_195, %ne3A_196 : i32
      %lt3A_198 = arith.constant 0 : i32
      %lt3A_199 = arith.cmpi slt, %rem3A_195, %lt3A_198 : i32
      %lt3A_200 = arith.constant 0 : i32
      %lt3A_201 = arith.cmpi slt, %select_n3A_194, %lt3A_200 : i32
      %ne3A_202 = arith.xori %lt3A_199, %lt3A_201 : i1
      %and3A_203 = arith.andi %ne3A_202, %ne3A_197 : i1
      %add3A_204 = arith.addi %rem3A_195, %select_n3A_194 : i32
      %select_n3A_205 = arith.select %and3A_203, %add3A_204, %rem3A_195 : i32
      %mul3A_206 = arith.constant 32 : i32
      %mul3A_207 = arith.muli %select_n3A_189, %mul3A_206 : i32
      %add3A_208 = arith.addi %mul3A_207, %add3A : i32
      %jit3A_209 = arith.constant 28 : i32
      %div3A_210 = arith.divsi %add3A_208, %jit3A_209 : i32
      %sign3A_211 = arith.constant 0 : i32
      %sign3A_212 = arith.cmpi sgt, %add3A_208, %sign3A_211 : i32
      %sign3A_213 = arith.extui %sign3A_212 : i1 to i32
      %sign3A_214 = arith.constant 0 : i32
      %sign3A_215 = arith.cmpi slt, %add3A_208, %sign3A_214 : i32
      %sign3A_216 = arith.extui %sign3A_215 : i1 to i32
      %sign3A_217 = arith.subi %sign3A_213, %sign3A_216 : i32
      %sign3A_218 = arith.constant 0 : i32
      %sign3A_219 = arith.cmpi sgt, %jit3A_209, %sign3A_218 : i32
      %sign3A_220 = arith.extui %sign3A_219 : i1 to i32
      %sign3A_221 = arith.constant 0 : i32
      %sign3A_222 = arith.cmpi slt, %jit3A_209, %sign3A_221 : i32
      %sign3A_223 = arith.extui %sign3A_222 : i1 to i32
      %sign3A_224 = arith.subi %sign3A_220, %sign3A_223 : i32
      %ne3A_225 = arith.cmpi ne, %sign3A_217, %sign3A_224 : i32
      %rem3A_226 = arith.remsi %add3A_208, %jit3A_209 : i32
      %ne3A_227 = arith.constant 0 : i32
      %ne3A_228 = arith.cmpi ne, %rem3A_226, %ne3A_227 : i32
      %and3A_229 = arith.andi %ne3A_225, %ne3A_228 : i1
      %sub3A_230 = arith.constant 1 : i32
      %sub3A_231 = arith.subi %div3A_210, %sub3A_230 : i32
      %select_n3A_232 = arith.select %and3A_229, %sub3A_231, %div3A_210 : i32
      %jit3A_233 = arith.constant 28 : i32
      %eq3A_234 = arith.constant 0 : i32
      %eq3A_235 = arith.cmpi eq, %jit3A_233, %eq3A_234 : i32
      %jit3A_236 = arith.constant 1 : i32
      %select_n3A_237 = arith.select %eq3A_235, %jit3A_236, %jit3A_233 : i32
      %rem3A_238 = arith.remsi %add3A_208, %select_n3A_237 : i32
      %ne3A_239 = arith.constant 0 : i32
      %ne3A_240 = arith.cmpi ne, %rem3A_238, %ne3A_239 : i32
      %lt3A_241 = arith.constant 0 : i32
      %lt3A_242 = arith.cmpi slt, %rem3A_238, %lt3A_241 : i32
      %lt3A_243 = arith.constant 0 : i32
      %lt3A_244 = arith.cmpi slt, %select_n3A_237, %lt3A_243 : i32
      %ne3A_245 = arith.xori %lt3A_242, %lt3A_244 : i1
      %and3A_246 = arith.andi %ne3A_245, %ne3A_240 : i1
      %add3A_247 = arith.addi %rem3A_238, %select_n3A_237 : i32
      %select_n3A_248 = arith.select %and3A_246, %add3A_247, %rem3A_238 : i32
      %mul3A_249 = arith.constant 8 : i32
      %mul3A_250 = arith.muli %select_n3A_248, %mul3A_249 : i32
      %multiple_of3A_251 = tpu.assume_multiple %mul3A_250, 8 : i32
      %jit3A_252 = arith.constant 2 : i32
      %div3A_253 = arith.divsi %select_n3A_205, %jit3A_252 : i32
      %sign3A_254 = arith.constant 0 : i32
      %sign3A_255 = arith.cmpi sgt, %select_n3A_205, %sign3A_254 : i32
      %sign3A_256 = arith.extui %sign3A_255 : i1 to i32
      %sign3A_257 = arith.constant 0 : i32
      %sign3A_258 = arith.cmpi slt, %select_n3A_205, %sign3A_257 : i32
      %sign3A_259 = arith.extui %sign3A_258 : i1 to i32
      %sign3A_260 = arith.subi %sign3A_256, %sign3A_259 : i32
      %sign3A_261 = arith.constant 0 : i32
      %sign3A_262 = arith.cmpi sgt, %jit3A_252, %sign3A_261 : i32
      %sign3A_263 = arith.extui %sign3A_262 : i1 to i32
      %sign3A_264 = arith.constant 0 : i32
      %sign3A_265 = arith.cmpi slt, %jit3A_252, %sign3A_264 : i32
      %sign3A_266 = arith.extui %sign3A_265 : i1 to i32
      %sign3A_267 = arith.subi %sign3A_263, %sign3A_266 : i32
      %ne3A_268 = arith.cmpi ne, %sign3A_260, %sign3A_267 : i32
      %rem3A_269 = arith.remsi %select_n3A_205, %jit3A_252 : i32
      %ne3A_270 = arith.constant 0 : i32
      %ne3A_271 = arith.cmpi ne, %rem3A_269, %ne3A_270 : i32
      %and3A_272 = arith.andi %ne3A_268, %ne3A_271 : i1
      %sub3A_273 = arith.constant 1 : i32
      %sub3A_274 = arith.subi %div3A_253, %sub3A_273 : i32
      %select_n3A_275 = arith.select %and3A_272, %sub3A_274, %div3A_253 : i32
      %jit3A_276 = arith.constant 2 : i32
      %eq3A_277 = arith.constant 0 : i32
      %eq3A_278 = arith.cmpi eq, %jit3A_276, %eq3A_277 : i32
      %jit3A_279 = arith.constant 1 : i32
      %select_n3A_280 = arith.select %eq3A_278, %jit3A_279, %jit3A_276 : i32
      %rem3A_281 = arith.remsi %select_n3A_205, %select_n3A_280 : i32
      %ne3A_282 = arith.constant 0 : i32
      %ne3A_283 = arith.cmpi ne, %rem3A_281, %ne3A_282 : i32
      %lt3A_284 = arith.constant 0 : i32
      %lt3A_285 = arith.cmpi slt, %rem3A_281, %lt3A_284 : i32
      %lt3A_286 = arith.constant 0 : i32
      %lt3A_287 = arith.cmpi slt, %select_n3A_280, %lt3A_286 : i32
      %ne3A_288 = arith.xori %lt3A_285, %lt3A_287 : i1
      %and3A_289 = arith.andi %ne3A_288, %ne3A_283 : i1
      %add3A_290 = arith.addi %rem3A_281, %select_n3A_280 : i32
      %select_n3A_291 = arith.select %and3A_289, %add3A_290, %rem3A_281 : i32
      %add3A_292 = arith.constant 1 : i32
      %add3A_293 = arith.addi %scan3A_165, %add3A_292 : i32
      %jit3A_294 = arith.constant 16 : i32
      %div3A_295 = arith.divsi %add3A_293, %jit3A_294 : i32
      %sign3A_296 = arith.constant 0 : i32
      %sign3A_297 = arith.cmpi sgt, %add3A_293, %sign3A_296 : i32
      %sign3A_298 = arith.extui %sign3A_297 : i1 to i32
      %sign3A_299 = arith.constant 0 : i32
      %sign3A_300 = arith.cmpi slt, %add3A_293, %sign3A_299 : i32
      %sign3A_301 = arith.extui %sign3A_300 : i1 to i32
      %sign3A_302 = arith.subi %sign3A_298, %sign3A_301 : i32
      %sign3A_303 = arith.constant 0 : i32
      %sign3A_304 = arith.cmpi sgt, %jit3A_294, %sign3A_303 : i32
      %sign3A_305 = arith.extui %sign3A_304 : i1 to i32
      %sign3A_306 = arith.constant 0 : i32
      %sign3A_307 = arith.cmpi slt, %jit3A_294, %sign3A_306 : i32
      %sign3A_308 = arith.extui %sign3A_307 : i1 to i32
      %sign3A_309 = arith.subi %sign3A_305, %sign3A_308 : i32
      %ne3A_310 = arith.cmpi ne, %sign3A_302, %sign3A_309 : i32
      %rem3A_311 = arith.remsi %add3A_293, %jit3A_294 : i32
      %ne3A_312 = arith.constant 0 : i32
      %ne3A_313 = arith.cmpi ne, %rem3A_311, %ne3A_312 : i32
      %and3A_314 = arith.andi %ne3A_310, %ne3A_313 : i1
      %sub3A_315 = arith.constant 1 : i32
      %sub3A_316 = arith.subi %div3A_295, %sub3A_315 : i32
      %select_n3A_317 = arith.select %and3A_314, %sub3A_316, %div3A_295 : i32
      %jit3A_318 = arith.constant 16 : i32
      %eq3A_319 = arith.constant 0 : i32
      %eq3A_320 = arith.cmpi eq, %jit3A_318, %eq3A_319 : i32
      %jit3A_321 = arith.constant 1 : i32
      %select_n3A_322 = arith.select %eq3A_320, %jit3A_321, %jit3A_318 : i32
      %rem3A_323 = arith.remsi %add3A_293, %select_n3A_322 : i32
      %ne3A_324 = arith.constant 0 : i32
      %ne3A_325 = arith.cmpi ne, %rem3A_323, %ne3A_324 : i32
      %lt3A_326 = arith.constant 0 : i32
      %lt3A_327 = arith.cmpi slt, %rem3A_323, %lt3A_326 : i32
      %lt3A_328 = arith.constant 0 : i32
      %lt3A_329 = arith.cmpi slt, %select_n3A_322, %lt3A_328 : i32
      %ne3A_330 = arith.xori %lt3A_327, %lt3A_329 : i1
      %and3A_331 = arith.andi %ne3A_330, %ne3A_325 : i1
      %add3A_332 = arith.addi %rem3A_323, %select_n3A_322 : i32
      %select_n3A_333 = arith.select %and3A_331, %add3A_332, %rem3A_323 : i32
      %mul3A_334 = arith.constant 32 : i32
      %mul3A_335 = arith.muli %select_n3A_317, %mul3A_334 : i32
      %add3A_336 = arith.addi %mul3A_335, %add3A : i32
      %jit3A_337 = arith.constant 28 : i32
      %div3A_338 = arith.divsi %add3A_336, %jit3A_337 : i32
      %sign3A_339 = arith.constant 0 : i32
      %sign3A_340 = arith.cmpi sgt, %add3A_336, %sign3A_339 : i32
      %sign3A_341 = arith.extui %sign3A_340 : i1 to i32
      %sign3A_342 = arith.constant 0 : i32
      %sign3A_343 = arith.cmpi slt, %add3A_336, %sign3A_342 : i32
      %sign3A_344 = arith.extui %sign3A_343 : i1 to i32
      %sign3A_345 = arith.subi %sign3A_341, %sign3A_344 : i32
      %sign3A_346 = arith.constant 0 : i32
      %sign3A_347 = arith.cmpi sgt, %jit3A_337, %sign3A_346 : i32
      %sign3A_348 = arith.extui %sign3A_347 : i1 to i32
      %sign3A_349 = arith.constant 0 : i32
      %sign3A_350 = arith.cmpi slt, %jit3A_337, %sign3A_349 : i32
      %sign3A_351 = arith.extui %sign3A_350 : i1 to i32
      %sign3A_352 = arith.subi %sign3A_348, %sign3A_351 : i32
      %ne3A_353 = arith.cmpi ne, %sign3A_345, %sign3A_352 : i32
      %rem3A_354 = arith.remsi %add3A_336, %jit3A_337 : i32
      %ne3A_355 = arith.constant 0 : i32
      %ne3A_356 = arith.cmpi ne, %rem3A_354, %ne3A_355 : i32
      %and3A_357 = arith.andi %ne3A_353, %ne3A_356 : i1
      %sub3A_358 = arith.constant 1 : i32
      %sub3A_359 = arith.subi %div3A_338, %sub3A_358 : i32
      %select_n3A_360 = arith.select %and3A_357, %sub3A_359, %div3A_338 : i32
      %jit3A_361 = arith.constant 28 : i32
      %eq3A_362 = arith.constant 0 : i32
      %eq3A_363 = arith.cmpi eq, %jit3A_361, %eq3A_362 : i32
      %jit3A_364 = arith.constant 1 : i32
      %select_n3A_365 = arith.select %eq3A_363, %jit3A_364, %jit3A_361 : i32
      %rem3A_366 = arith.remsi %add3A_336, %select_n3A_365 : i32
      %ne3A_367 = arith.constant 0 : i32
      %ne3A_368 = arith.cmpi ne, %rem3A_366, %ne3A_367 : i32
      %lt3A_369 = arith.constant 0 : i32
      %lt3A_370 = arith.cmpi slt, %rem3A_366, %lt3A_369 : i32
      %lt3A_371 = arith.constant 0 : i32
      %lt3A_372 = arith.cmpi slt, %select_n3A_365, %lt3A_371 : i32
      %ne3A_373 = arith.xori %lt3A_370, %lt3A_372 : i1
      %and3A_374 = arith.andi %ne3A_373, %ne3A_368 : i1
      %add3A_375 = arith.addi %rem3A_366, %select_n3A_365 : i32
      %select_n3A_376 = arith.select %and3A_374, %add3A_375, %rem3A_366 : i32
      %mul3A_377 = arith.constant 8 : i32
      %mul3A_378 = arith.muli %select_n3A_376, %mul3A_377 : i32
      %multiple_of3A_379 = tpu.assume_multiple %mul3A_378, 8 : i32
      %jit3A_380 = arith.constant 2 : i32
      %div3A_381 = arith.divsi %select_n3A_333, %jit3A_380 : i32
      %sign3A_382 = arith.constant 0 : i32
      %sign3A_383 = arith.cmpi sgt, %select_n3A_333, %sign3A_382 : i32
      %sign3A_384 = arith.extui %sign3A_383 : i1 to i32
      %sign3A_385 = arith.constant 0 : i32
      %sign3A_386 = arith.cmpi slt, %select_n3A_333, %sign3A_385 : i32
      %sign3A_387 = arith.extui %sign3A_386 : i1 to i32
      %sign3A_388 = arith.subi %sign3A_384, %sign3A_387 : i32
      %sign3A_389 = arith.constant 0 : i32
      %sign3A_390 = arith.cmpi sgt, %jit3A_380, %sign3A_389 : i32
      %sign3A_391 = arith.extui %sign3A_390 : i1 to i32
      %sign3A_392 = arith.constant 0 : i32
      %sign3A_393 = arith.cmpi slt, %jit3A_380, %sign3A_392 : i32
      %sign3A_394 = arith.extui %sign3A_393 : i1 to i32
      %sign3A_395 = arith.subi %sign3A_391, %sign3A_394 : i32
      %ne3A_396 = arith.cmpi ne, %sign3A_388, %sign3A_395 : i32
      %rem3A_397 = arith.remsi %select_n3A_333, %jit3A_380 : i32
      %ne3A_398 = arith.constant 0 : i32
      %ne3A_399 = arith.cmpi ne, %rem3A_397, %ne3A_398 : i32
      %and3A_400 = arith.andi %ne3A_396, %ne3A_399 : i1
      %sub3A_401 = arith.constant 1 : i32
      %sub3A_402 = arith.subi %div3A_381, %sub3A_401 : i32
      %select_n3A_403 = arith.select %and3A_400, %sub3A_402, %div3A_381 : i32
      %jit3A_404 = arith.constant 2 : i32
      %eq3A_405 = arith.constant 0 : i32
      %eq3A_406 = arith.cmpi eq, %jit3A_404, %eq3A_405 : i32
      %jit3A_407 = arith.constant 1 : i32
      %select_n3A_408 = arith.select %eq3A_406, %jit3A_407, %jit3A_404 : i32
      %rem3A_409 = arith.remsi %select_n3A_333, %select_n3A_408 : i32
      %ne3A_410 = arith.constant 0 : i32
      %ne3A_411 = arith.cmpi ne, %rem3A_409, %ne3A_410 : i32
      %lt3A_412 = arith.constant 0 : i32
      %lt3A_413 = arith.cmpi slt, %rem3A_409, %lt3A_412 : i32
      %lt3A_414 = arith.constant 0 : i32
      %lt3A_415 = arith.cmpi slt, %select_n3A_408, %lt3A_414 : i32
      %ne3A_416 = arith.xori %lt3A_413, %lt3A_415 : i1
      %and3A_417 = arith.andi %ne3A_416, %ne3A_411 : i1
      %add3A_418 = arith.addi %rem3A_409, %select_n3A_408 : i32
      %select_n3A_419 = arith.select %and3A_417, %add3A_418, %rem3A_409 : i32
      %mul3A_420 = arith.constant 112 : i32
      %mul3A_421 = arith.muli %select_n3A_419, %mul3A_420 : i32
      %multiple_of3A_422 = tpu.assume_multiple %mul3A_421, 112 : i32
      %add3A_423 = arith.addi %multiple_of3A_379, %select_n3A_403 : i32
      %jit3A_424 = arith.constant 2 : i32
      %eq3A_425 = arith.constant 0 : i32
      %eq3A_426 = arith.cmpi eq, %jit3A_424, %eq3A_425 : i32
      %jit3A_427 = arith.constant 1 : i32
      %select_n3A_428 = arith.select %eq3A_426, %jit3A_427, %jit3A_424 : i32
      %rem3A_429 = arith.remsi %add3A_293, %select_n3A_428 : i32
      %ne3A_430 = arith.constant 0 : i32
      %ne3A_431 = arith.cmpi ne, %rem3A_429, %ne3A_430 : i32
      %lt3A_432 = arith.constant 0 : i32
      %lt3A_433 = arith.cmpi slt, %rem3A_429, %lt3A_432 : i32
      %lt3A_434 = arith.constant 0 : i32
      %lt3A_435 = arith.cmpi slt, %select_n3A_428, %lt3A_434 : i32
      %ne3A_436 = arith.xori %lt3A_433, %lt3A_435 : i1
      %and3A_437 = arith.andi %ne3A_436, %ne3A_431 : i1
      %add3A_438 = arith.addi %rem3A_429, %select_n3A_428 : i32
      %select_n3A_439 = arith.select %and3A_437, %add3A_438, %rem3A_429 : i32
      %jit3A_440 = arith.constant 2 : i32
      %eq3A_441 = arith.constant 0 : i32
      %eq3A_442 = arith.cmpi eq, %jit3A_440, %eq3A_441 : i32
      %jit3A_443 = arith.constant 1 : i32
      %select_n3A_444 = arith.select %eq3A_442, %jit3A_443, %jit3A_440 : i32
      %rem3A_445 = arith.remsi %add3A_293, %select_n3A_444 : i32
      %ne3A_446 = arith.constant 0 : i32
      %ne3A_447 = arith.cmpi ne, %rem3A_445, %ne3A_446 : i32
      %lt3A_448 = arith.constant 0 : i32
      %lt3A_449 = arith.cmpi slt, %rem3A_445, %lt3A_448 : i32
      %lt3A_450 = arith.constant 0 : i32
      %lt3A_451 = arith.cmpi slt, %select_n3A_444, %lt3A_450 : i32
      %ne3A_452 = arith.xori %lt3A_449, %lt3A_451 : i1
      %and3A_453 = arith.andi %ne3A_452, %ne3A_447 : i1
      %add3A_454 = arith.addi %rem3A_445, %select_n3A_444 : i32
      %select_n3A_455 = arith.select %and3A_453, %add3A_454, %rem3A_445 : i32
      %lt3A_456 = arith.constant 56 : i32
      %lt3A_457 = arith.cmpi slt, %add3A_336, %lt3A_456 : i32
      %convert_element_type3A_458 = arith.extui %lt3A_457 : i1 to i32
      %cond3A_459 = arith.constant 0 : i32
      %cond3A_460 = arith.cmpi ne, %convert_element_type3A_458, %cond3A_459 : i32
      scf.if %cond3A_460 {
        %eq3A_785 = arith.constant 0 : i32
        %eq3A_786 = arith.cmpi eq, %select_n3A_455, %eq3A_785 : i32
        %convert_element_type3A_787 = arith.extui %eq3A_786 : i1 to i32
        %cond3A_788 = arith.constant 0 : i32
        %cond3A_789 = arith.cmpi ne, %convert_element_type3A_787, %cond3A_788 : i32
        scf.if %cond3A_789 {
          %dma_start3A = arith.constant 0 : i32
          %dma_start3A_795 = arith.constant 0 : i32
          %dma_start3A_796 = tpu.memref_slice %arg4[%select_n3A_439, %dma_start3A, %dma_start3A_795] : memref<2x112x512xf32, #tpu.memory_space<vmem>> -> memref<1x112x256xf32, #tpu.memory_space<vmem>>
          %dma_start3A_797 = tpu.memref_squeeze %dma_start3A_796 : memref<1x112x256xf32, #tpu.memory_space<vmem>> -> memref<112x256xf32, #tpu.memory_space<vmem>>
          %dma_start3A_798 = arith.constant 0 : i32
          %dma_start3A_799 = tpu.memref_slice %arg2[%select_n3A_360, %add3A_423, %multiple_of3A_422, %dma_start3A_798] : memref<2x224x224x826xf32, #tpu.memory_space<hbm>> -> memref<1x1x112x256xf32, #tpu.memory_space<hbm>>
          %dma_start3A_800 = tpu.memref_squeeze %dma_start3A_799 : memref<1x1x112x256xf32, #tpu.memory_space<hbm>> -> memref<112x256xf32, #tpu.memory_space<hbm>>
          %dma_start3A_801 = arith.constant 0 : i32
          %dma_start3A_802 = arith.constant 0 : i32
          %dma_start3A_803 = tpu.memref_slice %arg4[%select_n3A_439, %dma_start3A_801, %dma_start3A_802] : memref<2x112x512xf32, #tpu.memory_space<vmem>> -> memref<1x112x256xf32, #tpu.memory_space<vmem>>
          %dma_start3A_804 = tpu.memref_squeeze %dma_start3A_803 : memref<1x112x256xf32, #tpu.memory_space<vmem>> -> memref<112x256xf32, #tpu.memory_space<vmem>>
          %dma_start3A_805 = arith.constant 0 : i32
          %dma_start3A_806 = tpu.memref_slice %arg2[%select_n3A_360, %add3A_423, %multiple_of3A_422, %dma_start3A_805] : memref<2x224x224x826xf32, #tpu.memory_space<hbm>> -> memref<1x1x112x256xf32, #tpu.memory_space<hbm>>
          %dma_start3A_807 = tpu.memref_squeeze %dma_start3A_806 : memref<1x1x112x256xf32, #tpu.memory_space<hbm>> -> memref<112x256xf32, #tpu.memory_space<hbm>>
          tpu.enqueue_dma source(%dma_start3A_807 : memref<112x256xf32, #tpu.memory_space<hbm>>) target(%dma_start3A_804 : memref<112x256xf32, #tpu.memory_space<vmem>>) target_semaphore(%arg6 : memref<!tpu.dma_semaphore, #tpu.memory_space<semaphore_mem>>)
        } else {
        }
        %eq3A_790 = arith.constant 1 : i32
        %eq3A_791 = arith.cmpi eq, %select_n3A_455, %eq3A_790 : i32
        %convert_element_type3A_792 = arith.extui %eq3A_791 : i1 to i32
        %cond3A_793 = arith.constant 0 : i32
        %cond3A_794 = arith.cmpi ne, %convert_element_type3A_792, %cond3A_793 : i32
        scf.if %cond3A_794 {
          %dma_start3A = arith.constant 0 : i32
          %dma_start3A_795 = arith.constant 0 : i32
          %dma_start3A_796 = tpu.memref_slice %arg4[%select_n3A_439, %dma_start3A, %dma_start3A_795] : memref<2x112x512xf32, #tpu.memory_space<vmem>> -> memref<1x112x256xf32, #tpu.memory_space<vmem>>
          %dma_start3A_797 = tpu.memref_squeeze %dma_start3A_796 : memref<1x112x256xf32, #tpu.memory_space<vmem>> -> memref<112x256xf32, #tpu.memory_space<vmem>>
          %dma_start3A_798 = arith.constant 0 : i32
          %dma_start3A_799 = tpu.memref_slice %arg2[%select_n3A_360, %add3A_423, %multiple_of3A_422, %dma_start3A_798] : memref<2x224x224x826xf32, #tpu.memory_space<hbm>> -> memref<1x1x112x256xf32, #tpu.memory_space<hbm>>
          %dma_start3A_800 = tpu.memref_squeeze %dma_start3A_799 : memref<1x1x112x256xf32, #tpu.memory_space<hbm>> -> memref<112x256xf32, #tpu.memory_space<hbm>>
          %dma_start3A_801 = arith.constant 0 : i32
          %dma_start3A_802 = arith.constant 0 : i32
          %dma_start3A_803 = tpu.memref_slice %arg4[%select_n3A_439, %dma_start3A_801, %dma_start3A_802] : memref<2x112x512xf32, #tpu.memory_space<vmem>> -> memref<1x112x256xf32, #tpu.memory_space<vmem>>
          %dma_start3A_804 = tpu.memref_squeeze %dma_start3A_803 : memref<1x112x256xf32, #tpu.memory_space<vmem>> -> memref<112x256xf32, #tpu.memory_space<vmem>>
          %dma_start3A_805 = arith.constant 0 : i32
          %dma_start3A_806 = tpu.memref_slice %arg2[%select_n3A_360, %add3A_423, %multiple_of3A_422, %dma_start3A_805] : memref<2x224x224x826xf32, #tpu.memory_space<hbm>> -> memref<1x1x112x256xf32, #tpu.memory_space<hbm>>
          %dma_start3A_807 = tpu.memref_squeeze %dma_start3A_806 : memref<1x1x112x256xf32, #tpu.memory_space<hbm>> -> memref<112x256xf32, #tpu.memory_space<hbm>>
          tpu.enqueue_dma source(%dma_start3A_807 : memref<112x256xf32, #tpu.memory_space<hbm>>) target(%dma_start3A_804 : memref<112x256xf32, #tpu.memory_space<vmem>>) target_semaphore(%arg7 : memref<!tpu.dma_semaphore, #tpu.memory_space<semaphore_mem>>)
        } else {
        }
      } else {
      }
      %add3A_461 = arith.addi %multiple_of3A_379, %select_n3A_403 : i32
      %jit3A_462 = arith.constant 2 : i32
      %eq3A_463 = arith.constant 0 : i32
      %eq3A_464 = arith.cmpi eq, %jit3A_462, %eq3A_463 : i32
      %jit3A_465 = arith.constant 1 : i32
      %select_n3A_466 = arith.select %eq3A_464, %jit3A_465, %jit3A_462 : i32
      %rem3A_467 = arith.remsi %add3A_293, %select_n3A_466 : i32
      %ne3A_468 = arith.constant 0 : i32
      %ne3A_469 = arith.cmpi ne, %rem3A_467, %ne3A_468 : i32
      %lt3A_470 = arith.constant 0 : i32
      %lt3A_471 = arith.cmpi slt, %rem3A_467, %lt3A_470 : i32
      %lt3A_472 = arith.constant 0 : i32
      %lt3A_473 = arith.cmpi slt, %select_n3A_466, %lt3A_472 : i32
      %ne3A_474 = arith.xori %lt3A_471, %lt3A_473 : i1
      %and3A_475 = arith.andi %ne3A_474, %ne3A_469 : i1
      %add3A_476 = arith.addi %rem3A_467, %select_n3A_466 : i32
      %select_n3A_477 = arith.select %and3A_475, %add3A_476, %rem3A_467 : i32
      %jit3A_478 = arith.constant 2 : i32
      %eq3A_479 = arith.constant 0 : i32
      %eq3A_480 = arith.cmpi eq, %jit3A_478, %eq3A_479 : i32
      %jit3A_481 = arith.constant 1 : i32
      %select_n3A_482 = arith.select %eq3A_480, %jit3A_481, %jit3A_478 : i32
      %rem3A_483 = arith.remsi %add3A_293, %select_n3A_482 : i32
      %ne3A_484 = arith.constant 0 : i32
      %ne3A_485 = arith.cmpi ne, %rem3A_483, %ne3A_484 : i32
      %lt3A_486 = arith.constant 0 : i32
      %lt3A_487 = arith.cmpi slt, %rem3A_483, %lt3A_486 : i32
      %lt3A_488 = arith.constant 0 : i32
      %lt3A_489 = arith.cmpi slt, %select_n3A_482, %lt3A_488 : i32
      %ne3A_490 = arith.xori %lt3A_487, %lt3A_489 : i1
      %and3A_491 = arith.andi %ne3A_490, %ne3A_485 : i1
      %add3A_492 = arith.addi %rem3A_483, %select_n3A_482 : i32
      %select_n3A_493 = arith.select %and3A_491, %add3A_492, %rem3A_483 : i32
      %lt3A_494 = arith.constant 56 : i32
      %lt3A_495 = arith.cmpi slt, %add3A_336, %lt3A_494 : i32
      %convert_element_type3A_496 = arith.extui %lt3A_495 : i1 to i32
      %cond3A_497 = arith.constant 0 : i32
      %cond3A_498 = arith.cmpi ne, %convert_element_type3A_496, %cond3A_497 : i32
      scf.if %cond3A_498 {
        %eq3A_785 = arith.constant 0 : i32
        %eq3A_786 = arith.cmpi eq, %select_n3A_493, %eq3A_785 : i32
        %convert_element_type3A_787 = arith.extui %eq3A_786 : i1 to i32
        %cond3A_788 = arith.constant 0 : i32
        %cond3A_789 = arith.cmpi ne, %convert_element_type3A_787, %cond3A_788 : i32
        scf.if %cond3A_789 {
          %dma_start3A = arith.constant 0 : i32
          %dma_start3A_795 = arith.constant 256 : i32
          %dma_start3A_796 = tpu.memref_slice %arg4[%select_n3A_477, %dma_start3A, %dma_start3A_795] : memref<2x112x512xf32, #tpu.memory_space<vmem>> -> memref<1x112x128xf32, #tpu.memory_space<vmem>>
          %dma_start3A_797 = tpu.memref_squeeze %dma_start3A_796 : memref<1x112x128xf32, #tpu.memory_space<vmem>> -> memref<112x128xf32, #tpu.memory_space<vmem>>
          %dma_start3A_798 = arith.constant 256 : i32
          %dma_start3A_799 = tpu.memref_slice %arg2[%select_n3A_360, %add3A_461, %multiple_of3A_422, %dma_start3A_798] : memref<2x224x224x826xf32, #tpu.memory_space<hbm>> -> memref<1x1x112x128xf32, #tpu.memory_space<hbm>>
          %dma_start3A_800 = tpu.memref_squeeze %dma_start3A_799 : memref<1x1x112x128xf32, #tpu.memory_space<hbm>> -> memref<112x128xf32, #tpu.memory_space<hbm>>
          %dma_start3A_801 = arith.constant 0 : i32
          %dma_start3A_802 = arith.constant 256 : i32
          %dma_start3A_803 = tpu.memref_slice %arg4[%select_n3A_477, %dma_start3A_801, %dma_start3A_802] : memref<2x112x512xf32, #tpu.memory_space<vmem>> -> memref<1x112x128xf32, #tpu.memory_space<vmem>>
          %dma_start3A_804 = tpu.memref_squeeze %dma_start3A_803 : memref<1x112x128xf32, #tpu.memory_space<vmem>> -> memref<112x128xf32, #tpu.memory_space<vmem>>
          %dma_start3A_805 = arith.constant 256 : i32
          %dma_start3A_806 = tpu.memref_slice %arg2[%select_n3A_360, %add3A_461, %multiple_of3A_422, %dma_start3A_805] : memref<2x224x224x826xf32, #tpu.memory_space<hbm>> -> memref<1x1x112x128xf32, #tpu.memory_space<hbm>>
          %dma_start3A_807 = tpu.memref_squeeze %dma_start3A_806 : memref<1x1x112x128xf32, #tpu.memory_space<hbm>> -> memref<112x128xf32, #tpu.memory_space<hbm>>
          tpu.enqueue_dma source(%dma_start3A_807 : memref<112x128xf32, #tpu.memory_space<hbm>>) target(%dma_start3A_804 : memref<112x128xf32, #tpu.memory_space<vmem>>) target_semaphore(%arg6 : memref<!tpu.dma_semaphore, #tpu.memory_space<semaphore_mem>>)
        } else {
        }
        %eq3A_790 = arith.constant 1 : i32
        %eq3A_791 = arith.cmpi eq, %select_n3A_493, %eq3A_790 : i32
        %convert_element_type3A_792 = arith.extui %eq3A_791 : i1 to i32
        %cond3A_793 = arith.constant 0 : i32
        %cond3A_794 = arith.cmpi ne, %convert_element_type3A_792, %cond3A_793 : i32
        scf.if %cond3A_794 {
          %dma_start3A = arith.constant 0 : i32
          %dma_start3A_795 = arith.constant 256 : i32
          %dma_start3A_796 = tpu.memref_slice %arg4[%select_n3A_477, %dma_start3A, %dma_start3A_795] : memref<2x112x512xf32, #tpu.memory_space<vmem>> -> memref<1x112x128xf32, #tpu.memory_space<vmem>>
          %dma_start3A_797 = tpu.memref_squeeze %dma_start3A_796 : memref<1x112x128xf32, #tpu.memory_space<vmem>> -> memref<112x128xf32, #tpu.memory_space<vmem>>
          %dma_start3A_798 = arith.constant 256 : i32
          %dma_start3A_799 = tpu.memref_slice %arg2[%select_n3A_360, %add3A_461, %multiple_of3A_422, %dma_start3A_798] : memref<2x224x224x826xf32, #tpu.memory_space<hbm>> -> memref<1x1x112x128xf32, #tpu.memory_space<hbm>>
          %dma_start3A_800 = tpu.memref_squeeze %dma_start3A_799 : memref<1x1x112x128xf32, #tpu.memory_space<hbm>> -> memref<112x128xf32, #tpu.memory_space<hbm>>
          %dma_start3A_801 = arith.constant 0 : i32
          %dma_start3A_802 = arith.constant 256 : i32
          %dma_start3A_803 = tpu.memref_slice %arg4[%select_n3A_477, %dma_start3A_801, %dma_start3A_802] : memref<2x112x512xf32, #tpu.memory_space<vmem>> -> memref<1x112x128xf32, #tpu.memory_space<vmem>>
          %dma_start3A_804 = tpu.memref_squeeze %dma_start3A_803 : memref<1x112x128xf32, #tpu.memory_space<vmem>> -> memref<112x128xf32, #tpu.memory_space<vmem>>
          %dma_start3A_805 = arith.constant 256 : i32
          %dma_start3A_806 = tpu.memref_slice %arg2[%select_n3A_360, %add3A_461, %multiple_of3A_422, %dma_start3A_805] : memref<2x224x224x826xf32, #tpu.memory_space<hbm>> -> memref<1x1x112x128xf32, #tpu.memory_space<hbm>>
          %dma_start3A_807 = tpu.memref_squeeze %dma_start3A_806 : memref<1x1x112x128xf32, #tpu.memory_space<hbm>> -> memref<112x128xf32, #tpu.memory_space<hbm>>
          tpu.enqueue_dma source(%dma_start3A_807 : memref<112x128xf32, #tpu.memory_space<hbm>>) target(%dma_start3A_804 : memref<112x128xf32, #tpu.memory_space<vmem>>) target_semaphore(%arg7 : memref<!tpu.dma_semaphore, #tpu.memory_space<semaphore_mem>>)
        } else {
        }
      } else {
      }
      %add3A_499 = arith.addi %multiple_of3A_379, %select_n3A_403 : i32
      %jit3A_500 = arith.constant 2 : i32
      %eq3A_501 = arith.constant 0 : i32
      %eq3A_502 = arith.cmpi eq, %jit3A_500, %eq3A_501 : i32
      %jit3A_503 = arith.constant 1 : i32
      %select_n3A_504 = arith.select %eq3A_502, %jit3A_503, %jit3A_500 : i32
      %rem3A_505 = arith.remsi %add3A_293, %select_n3A_504 : i32
      %ne3A_506 = arith.constant 0 : i32
      %ne3A_507 = arith.cmpi ne, %rem3A_505, %ne3A_506 : i32
      %lt3A_508 = arith.constant 0 : i32
      %lt3A_509 = arith.cmpi slt, %rem3A_505, %lt3A_508 : i32
      %lt3A_510 = arith.constant 0 : i32
      %lt3A_511 = arith.cmpi slt, %select_n3A_504, %lt3A_510 : i32
      %ne3A_512 = arith.xori %lt3A_509, %lt3A_511 : i1
      %and3A_513 = arith.andi %ne3A_512, %ne3A_507 : i1
      %add3A_514 = arith.addi %rem3A_505, %select_n3A_504 : i32
      %select_n3A_515 = arith.select %and3A_513, %add3A_514, %rem3A_505 : i32
      %jit3A_516 = arith.constant 2 : i32
      %eq3A_517 = arith.constant 0 : i32
      %eq3A_518 = arith.cmpi eq, %jit3A_516, %eq3A_517 : i32
      %jit3A_519 = arith.constant 1 : i32
      %select_n3A_520 = arith.select %eq3A_518, %jit3A_519, %jit3A_516 : i32
      %rem3A_521 = arith.remsi %add3A_293, %select_n3A_520 : i32
      %ne3A_522 = arith.constant 0 : i32
      %ne3A_523 = arith.cmpi ne, %rem3A_521, %ne3A_522 : i32
      %lt3A_524 = arith.constant 0 : i32
      %lt3A_525 = arith.cmpi slt, %rem3A_521, %lt3A_524 : i32
      %lt3A_526 = arith.constant 0 : i32
      %lt3A_527 = arith.cmpi slt, %select_n3A_520, %lt3A_526 : i32
      %ne3A_528 = arith.xori %lt3A_525, %lt3A_527 : i1
      %and3A_529 = arith.andi %ne3A_528, %ne3A_523 : i1
      %add3A_530 = arith.addi %rem3A_521, %select_n3A_520 : i32
      %select_n3A_531 = arith.select %and3A_529, %add3A_530, %rem3A_521 : i32
      %lt3A_532 = arith.constant 56 : i32
      %lt3A_533 = arith.cmpi slt, %add3A_336, %lt3A_532 : i32
      %convert_element_type3A_534 = arith.extui %lt3A_533 : i1 to i32
      %cond3A_535 = arith.constant 0 : i32
      %cond3A_536 = arith.cmpi ne, %convert_element_type3A_534, %cond3A_535 : i32
      scf.if %cond3A_536 {
        %eq3A_785 = arith.constant 0 : i32
        %eq3A_786 = arith.cmpi eq, %select_n3A_531, %eq3A_785 : i32
        %convert_element_type3A_787 = arith.extui %eq3A_786 : i1 to i32
        %cond3A_788 = arith.constant 0 : i32
        %cond3A_789 = arith.cmpi ne, %convert_element_type3A_787, %cond3A_788 : i32
        scf.if %cond3A_789 {
          %dma_start3A = arith.constant 0 : i32
          %dma_start3A_795 = arith.constant 384 : i32
          %dma_start3A_796 = tpu.memref_slice %arg4[%select_n3A_515, %dma_start3A, %dma_start3A_795] : memref<2x112x512xf32, #tpu.memory_space<vmem>> -> memref<1x112x128xf32, #tpu.memory_space<vmem>>
          %dma_start3A_797 = tpu.memref_squeeze %dma_start3A_796 : memref<1x112x128xf32, #tpu.memory_space<vmem>> -> memref<112x128xf32, #tpu.memory_space<vmem>>
          %dma_start3A_798 = arith.constant 512 : i32
          %dma_start3A_799 = tpu.memref_slice %arg2[%select_n3A_360, %add3A_499, %multiple_of3A_422, %dma_start3A_798] : memref<2x224x224x826xf32, #tpu.memory_space<hbm>> -> memref<1x1x112x128xf32, #tpu.memory_space<hbm>>
          %dma_start3A_800 = tpu.memref_squeeze %dma_start3A_799 : memref<1x1x112x128xf32, #tpu.memory_space<hbm>> -> memref<112x128xf32, #tpu.memory_space<hbm>>
          %dma_start3A_801 = arith.constant 0 : i32
          %dma_start3A_802 = arith.constant 384 : i32
          %dma_start3A_803 = tpu.memref_slice %arg4[%select_n3A_515, %dma_start3A_801, %dma_start3A_802] : memref<2x112x512xf32, #tpu.memory_space<vmem>> -> memref<1x112x128xf32, #tpu.memory_space<vmem>>
          %dma_start3A_804 = tpu.memref_squeeze %dma_start3A_803 : memref<1x112x128xf32, #tpu.memory_space<vmem>> -> memref<112x128xf32, #tpu.memory_space<vmem>>
          %dma_start3A_805 = arith.constant 512 : i32
          %dma_start3A_806 = tpu.memref_slice %arg2[%select_n3A_360, %add3A_499, %multiple_of3A_422, %dma_start3A_805] : memref<2x224x224x826xf32, #tpu.memory_space<hbm>> -> memref<1x1x112x128xf32, #tpu.memory_space<hbm>>
          %dma_start3A_807 = tpu.memref_squeeze %dma_start3A_806 : memref<1x1x112x128xf32, #tpu.memory_space<hbm>> -> memref<112x128xf32, #tpu.memory_space<hbm>>
          tpu.enqueue_dma source(%dma_start3A_807 : memref<112x128xf32, #tpu.memory_space<hbm>>) target(%dma_start3A_804 : memref<112x128xf32, #tpu.memory_space<vmem>>) target_semaphore(%arg6 : memref<!tpu.dma_semaphore, #tpu.memory_space<semaphore_mem>>)
        } else {
        }
        %eq3A_790 = arith.constant 1 : i32
        %eq3A_791 = arith.cmpi eq, %select_n3A_531, %eq3A_790 : i32
        %convert_element_type3A_792 = arith.extui %eq3A_791 : i1 to i32
        %cond3A_793 = arith.constant 0 : i32
        %cond3A_794 = arith.cmpi ne, %convert_element_type3A_792, %cond3A_793 : i32
        scf.if %cond3A_794 {
          %dma_start3A = arith.constant 0 : i32
          %dma_start3A_795 = arith.constant 384 : i32
          %dma_start3A_796 = tpu.memref_slice %arg4[%select_n3A_515, %dma_start3A, %dma_start3A_795] : memref<2x112x512xf32, #tpu.memory_space<vmem>> -> memref<1x112x128xf32, #tpu.memory_space<vmem>>
          %dma_start3A_797 = tpu.memref_squeeze %dma_start3A_796 : memref<1x112x128xf32, #tpu.memory_space<vmem>> -> memref<112x128xf32, #tpu.memory_space<vmem>>
          %dma_start3A_798 = arith.constant 512 : i32
          %dma_start3A_799 = tpu.memref_slice %arg2[%select_n3A_360, %add3A_499, %multiple_of3A_422, %dma_start3A_798] : memref<2x224x224x826xf32, #tpu.memory_space<hbm>> -> memref<1x1x112x128xf32, #tpu.memory_space<hbm>>
          %dma_start3A_800 = tpu.memref_squeeze %dma_start3A_799 : memref<1x1x112x128xf32, #tpu.memory_space<hbm>> -> memref<112x128xf32, #tpu.memory_space<hbm>>
          %dma_start3A_801 = arith.constant 0 : i32
          %dma_start3A_802 = arith.constant 384 : i32
          %dma_start3A_803 = tpu.memref_slice %arg4[%select_n3A_515, %dma_start3A_801, %dma_start3A_802] : memref<2x112x512xf32, #tpu.memory_space<vmem>> -> memref<1x112x128xf32, #tpu.memory_space<vmem>>
          %dma_start3A_804 = tpu.memref_squeeze %dma_start3A_803 : memref<1x112x128xf32, #tpu.memory_space<vmem>> -> memref<112x128xf32, #tpu.memory_space<vmem>>
          %dma_start3A_805 = arith.constant 512 : i32
          %dma_start3A_806 = tpu.memref_slice %arg2[%select_n3A_360, %add3A_499, %multiple_of3A_422, %dma_start3A_805] : memref<2x224x224x826xf32, #tpu.memory_space<hbm>> -> memref<1x1x112x128xf32, #tpu.memory_space<hbm>>
          %dma_start3A_807 = tpu.memref_squeeze %dma_start3A_806 : memref<1x1x112x128xf32, #tpu.memory_space<hbm>> -> memref<112x128xf32, #tpu.memory_space<hbm>>
          tpu.enqueue_dma source(%dma_start3A_807 : memref<112x128xf32, #tpu.memory_space<hbm>>) target(%dma_start3A_804 : memref<112x128xf32, #tpu.memory_space<vmem>>) target_semaphore(%arg7 : memref<!tpu.dma_semaphore, #tpu.memory_space<semaphore_mem>>)
        } else {
        }
      } else {
      }
      %jit3A_537 = arith.constant 16 : i32
      %div3A_538 = arith.divsi %scan3A_165, %jit3A_537 : i32
      %sign3A_539 = arith.constant 0 : i32
      %sign3A_540 = arith.cmpi sgt, %scan3A_165, %sign3A_539 : i32
      %sign3A_541 = arith.extui %sign3A_540 : i1 to i32
      %sign3A_542 = arith.constant 0 : i32
      %sign3A_543 = arith.cmpi slt, %scan3A_165, %sign3A_542 : i32
      %sign3A_544 = arith.extui %sign3A_543 : i1 to i32
      %sign3A_545 = arith.subi %sign3A_541, %sign3A_544 : i32
      %sign3A_546 = arith.constant 0 : i32
      %sign3A_547 = arith.cmpi sgt, %jit3A_537, %sign3A_546 : i32
      %sign3A_548 = arith.extui %sign3A_547 : i1 to i32
      %sign3A_549 = arith.constant 0 : i32
      %sign3A_550 = arith.cmpi slt, %jit3A_537, %sign3A_549 : i32
      %sign3A_551 = arith.extui %sign3A_550 : i1 to i32
      %sign3A_552 = arith.subi %sign3A_548, %sign3A_551 : i32
      %ne3A_553 = arith.cmpi ne, %sign3A_545, %sign3A_552 : i32
      %rem3A_554 = arith.remsi %scan3A_165, %jit3A_537 : i32
      %ne3A_555 = arith.constant 0 : i32
      %ne3A_556 = arith.cmpi ne, %rem3A_554, %ne3A_555 : i32
      %and3A_557 = arith.andi %ne3A_553, %ne3A_556 : i1
      %sub3A_558 = arith.constant 1 : i32
      %sub3A_559 = arith.subi %div3A_538, %sub3A_558 : i32
      %select_n3A_560 = arith.select %and3A_557, %sub3A_559, %div3A_538 : i32
      %jit3A_561 = arith.constant 16 : i32
      %eq3A_562 = arith.constant 0 : i32
      %eq3A_563 = arith.cmpi eq, %jit3A_561, %eq3A_562 : i32
      %jit3A_564 = arith.constant 1 : i32
      %select_n3A_565 = arith.select %eq3A_563, %jit3A_564, %jit3A_561 : i32
      %rem3A_566 = arith.remsi %scan3A_165, %select_n3A_565 : i32
      %ne3A_567 = arith.constant 0 : i32
      %ne3A_568 = arith.cmpi ne, %rem3A_566, %ne3A_567 : i32
      %lt3A_569 = arith.constant 0 : i32
      %lt3A_570 = arith.cmpi slt, %rem3A_566, %lt3A_569 : i32
      %lt3A_571 = arith.constant 0 : i32
      %lt3A_572 = arith.cmpi slt, %select_n3A_565, %lt3A_571 : i32
      %ne3A_573 = arith.xori %lt3A_570, %lt3A_572 : i1
      %and3A_574 = arith.andi %ne3A_573, %ne3A_568 : i1
      %add3A_575 = arith.addi %rem3A_566, %select_n3A_565 : i32
      %select_n3A_576 = arith.select %and3A_574, %add3A_575, %rem3A_566 : i32
      %mul3A_577 = arith.constant 32 : i32
      %mul3A_578 = arith.muli %select_n3A_560, %mul3A_577 : i32
      %add3A_579 = arith.addi %mul3A_578, %add3A : i32
      %jit3A_580 = arith.constant 28 : i32
      %div3A_581 = arith.divsi %add3A_579, %jit3A_580 : i32
      %sign3A_582 = arith.constant 0 : i32
      %sign3A_583 = arith.cmpi sgt, %add3A_579, %sign3A_582 : i32
      %sign3A_584 = arith.extui %sign3A_583 : i1 to i32
      %sign3A_585 = arith.constant 0 : i32
      %sign3A_586 = arith.cmpi slt, %add3A_579, %sign3A_585 : i32
      %sign3A_587 = arith.extui %sign3A_586 : i1 to i32
      %sign3A_588 = arith.subi %sign3A_584, %sign3A_587 : i32
      %sign3A_589 = arith.constant 0 : i32
      %sign3A_590 = arith.cmpi sgt, %jit3A_580, %sign3A_589 : i32
      %sign3A_591 = arith.extui %sign3A_590 : i1 to i32
      %sign3A_592 = arith.constant 0 : i32
      %sign3A_593 = arith.cmpi slt, %jit3A_580, %sign3A_592 : i32
      %sign3A_594 = arith.extui %sign3A_593 : i1 to i32
      %sign3A_595 = arith.subi %sign3A_591, %sign3A_594 : i32
      %ne3A_596 = arith.cmpi ne, %sign3A_588, %sign3A_595 : i32
      %rem3A_597 = arith.remsi %add3A_579, %jit3A_580 : i32
      %ne3A_598 = arith.constant 0 : i32
      %ne3A_599 = arith.cmpi ne, %rem3A_597, %ne3A_598 : i32
      %and3A_600 = arith.andi %ne3A_596, %ne3A_599 : i1
      %sub3A_601 = arith.constant 1 : i32
      %sub3A_602 = arith.subi %div3A_581, %sub3A_601 : i32
      %select_n3A_603 = arith.select %and3A_600, %sub3A_602, %div3A_581 : i32
      %jit3A_604 = arith.constant 28 : i32
      %eq3A_605 = arith.constant 0 : i32
      %eq3A_606 = arith.cmpi eq, %jit3A_604, %eq3A_605 : i32
      %jit3A_607 = arith.constant 1 : i32
      %select_n3A_608 = arith.select %eq3A_606, %jit3A_607, %jit3A_604 : i32
      %rem3A_609 = arith.remsi %add3A_579, %select_n3A_608 : i32
      %ne3A_610 = arith.constant 0 : i32
      %ne3A_611 = arith.cmpi ne, %rem3A_609, %ne3A_610 : i32
      %lt3A_612 = arith.constant 0 : i32
      %lt3A_613 = arith.cmpi slt, %rem3A_609, %lt3A_612 : i32
      %lt3A_614 = arith.constant 0 : i32
      %lt3A_615 = arith.cmpi slt, %select_n3A_608, %lt3A_614 : i32
      %ne3A_616 = arith.xori %lt3A_613, %lt3A_615 : i1
      %and3A_617 = arith.andi %ne3A_616, %ne3A_611 : i1
      %add3A_618 = arith.addi %rem3A_609, %select_n3A_608 : i32
      %select_n3A_619 = arith.select %and3A_617, %add3A_618, %rem3A_609 : i32
      %mul3A_620 = arith.constant 8 : i32
      %mul3A_621 = arith.muli %select_n3A_619, %mul3A_620 : i32
      %multiple_of3A_622 = tpu.assume_multiple %mul3A_621, 8 : i32
      %jit3A_623 = arith.constant 2 : i32
      %div3A_624 = arith.divsi %select_n3A_576, %jit3A_623 : i32
      %sign3A_625 = arith.constant 0 : i32
      %sign3A_626 = arith.cmpi sgt, %select_n3A_576, %sign3A_625 : i32
      %sign3A_627 = arith.extui %sign3A_626 : i1 to i32
      %sign3A_628 = arith.constant 0 : i32
      %sign3A_629 = arith.cmpi slt, %select_n3A_576, %sign3A_628 : i32
      %sign3A_630 = arith.extui %sign3A_629 : i1 to i32
      %sign3A_631 = arith.subi %sign3A_627, %sign3A_630 : i32
      %sign3A_632 = arith.constant 0 : i32
      %sign3A_633 = arith.cmpi sgt, %jit3A_623, %sign3A_632 : i32
      %sign3A_634 = arith.extui %sign3A_633 : i1 to i32
      %sign3A_635 = arith.constant 0 : i32
      %sign3A_636 = arith.cmpi slt, %jit3A_623, %sign3A_635 : i32
      %sign3A_637 = arith.extui %sign3A_636 : i1 to i32
      %sign3A_638 = arith.subi %sign3A_634, %sign3A_637 : i32
      %ne3A_639 = arith.cmpi ne, %sign3A_631, %sign3A_638 : i32
      %rem3A_640 = arith.remsi %select_n3A_576, %jit3A_623 : i32
      %ne3A_641 = arith.constant 0 : i32
      %ne3A_642 = arith.cmpi ne, %rem3A_640, %ne3A_641 : i32
      %and3A_643 = arith.andi %ne3A_639, %ne3A_642 : i1
      %sub3A_644 = arith.constant 1 : i32
      %sub3A_645 = arith.subi %div3A_624, %sub3A_644 : i32
      %select_n3A_646 = arith.select %and3A_643, %sub3A_645, %div3A_624 : i32
      %jit3A_647 = arith.constant 2 : i32
      %eq3A_648 = arith.constant 0 : i32
      %eq3A_649 = arith.cmpi eq, %jit3A_647, %eq3A_648 : i32
      %jit3A_650 = arith.constant 1 : i32
      %select_n3A_651 = arith.select %eq3A_649, %jit3A_650, %jit3A_647 : i32
      %rem3A_652 = arith.remsi %select_n3A_576, %select_n3A_651 : i32
      %ne3A_653 = arith.constant 0 : i32
      %ne3A_654 = arith.cmpi ne, %rem3A_652, %ne3A_653 : i32
      %lt3A_655 = arith.constant 0 : i32
      %lt3A_656 = arith.cmpi slt, %rem3A_652, %lt3A_655 : i32
      %lt3A_657 = arith.constant 0 : i32
      %lt3A_658 = arith.cmpi slt, %select_n3A_651, %lt3A_657 : i32
      %ne3A_659 = arith.xori %lt3A_656, %lt3A_658 : i1
      %and3A_660 = arith.andi %ne3A_659, %ne3A_654 : i1
      %add3A_661 = arith.addi %rem3A_652, %select_n3A_651 : i32
      %select_n3A_662 = arith.select %and3A_660, %add3A_661, %rem3A_652 : i32
      %mul3A_663 = arith.constant 112 : i32
      %mul3A_664 = arith.muli %select_n3A_662, %mul3A_663 : i32
      %multiple_of3A_665 = tpu.assume_multiple %mul3A_664, 112 : i32
      %add3A_666 = arith.addi %multiple_of3A_622, %select_n3A_646 : i32
      %jit3A_667 = arith.constant 2 : i32
      %eq3A_668 = arith.constant 0 : i32
      %eq3A_669 = arith.cmpi eq, %jit3A_667, %eq3A_668 : i32
      %jit3A_670 = arith.constant 1 : i32
      %select_n3A_671 = arith.select %eq3A_669, %jit3A_670, %jit3A_667 : i32
      %rem3A_672 = arith.remsi %scan3A_165, %select_n3A_671 : i32
      %ne3A_673 = arith.constant 0 : i32
      %ne3A_674 = arith.cmpi ne, %rem3A_672, %ne3A_673 : i32
      %lt3A_675 = arith.constant 0 : i32
      %lt3A_676 = arith.cmpi slt, %rem3A_672, %lt3A_675 : i32
      %lt3A_677 = arith.constant 0 : i32
      %lt3A_678 = arith.cmpi slt, %select_n3A_671, %lt3A_677 : i32
      %ne3A_679 = arith.xori %lt3A_676, %lt3A_678 : i1
      %and3A_680 = arith.andi %ne3A_679, %ne3A_674 : i1
      %add3A_681 = arith.addi %rem3A_672, %select_n3A_671 : i32
      %select_n3A_682 = arith.select %and3A_680, %add3A_681, %rem3A_672 : i32
      %jit3A_683 = arith.constant 2 : i32
      %eq3A_684 = arith.constant 0 : i32
      %eq3A_685 = arith.cmpi eq, %jit3A_683, %eq3A_684 : i32
      %jit3A_686 = arith.constant 1 : i32
      %select_n3A_687 = arith.select %eq3A_685, %jit3A_686, %jit3A_683 : i32
      %rem3A_688 = arith.remsi %scan3A_165, %select_n3A_687 : i32
      %ne3A_689 = arith.constant 0 : i32
      %ne3A_690 = arith.cmpi ne, %rem3A_688, %ne3A_689 : i32
      %lt3A_691 = arith.constant 0 : i32
      %lt3A_692 = arith.cmpi slt, %rem3A_688, %lt3A_691 : i32
      %lt3A_693 = arith.constant 0 : i32
      %lt3A_694 = arith.cmpi slt, %select_n3A_687, %lt3A_693 : i32
      %ne3A_695 = arith.xori %lt3A_692, %lt3A_694 : i1
      %and3A_696 = arith.andi %ne3A_695, %ne3A_690 : i1
      %add3A_697 = arith.addi %rem3A_688, %select_n3A_687 : i32
      %select_n3A_698 = arith.select %and3A_696, %add3A_697, %rem3A_688 : i32
      %lt3A_699 = arith.constant 56 : i32
      %lt3A_700 = arith.cmpi slt, %add3A_579, %lt3A_699 : i32
      %convert_element_type3A_701 = arith.extui %lt3A_700 : i1 to i32
      %cond3A_702 = arith.constant 0 : i32
      %cond3A_703 = arith.cmpi ne, %convert_element_type3A_701, %cond3A_702 : i32
      scf.if %cond3A_703 {
        %eq3A_785 = arith.constant 0 : i32
        %eq3A_786 = arith.cmpi eq, %select_n3A_698, %eq3A_785 : i32
        %convert_element_type3A_787 = arith.extui %eq3A_786 : i1 to i32
        %cond3A_788 = arith.constant 0 : i32
        %cond3A_789 = arith.cmpi ne, %convert_element_type3A_787, %cond3A_788 : i32
        scf.if %cond3A_789 {
          %dma_wait3A = arith.constant 0 : i32
          %dma_wait3A_795 = arith.constant 0 : i32
          %dma_wait3A_796 = tpu.memref_slice %arg4[%select_n3A_682, %dma_wait3A, %dma_wait3A_795] : memref<2x112x512xf32, #tpu.memory_space<vmem>> -> memref<1x112x256xf32, #tpu.memory_space<vmem>>
          %dma_wait3A_797 = tpu.memref_squeeze %dma_wait3A_796 : memref<1x112x256xf32, #tpu.memory_space<vmem>> -> memref<112x256xf32, #tpu.memory_space<vmem>>
          %dma_wait3A_798 = arith.constant 0 : i32
          %dma_wait3A_799 = tpu.memref_slice %arg2[%select_n3A_603, %add3A_666, %multiple_of3A_665, %dma_wait3A_798] : memref<2x224x224x826xf32, #tpu.memory_space<hbm>> -> memref<1x1x112x256xf32, #tpu.memory_space<hbm>>
          %dma_wait3A_800 = tpu.memref_squeeze %dma_wait3A_799 : memref<1x1x112x256xf32, #tpu.memory_space<hbm>> -> memref<112x256xf32, #tpu.memory_space<hbm>>
          %dma_wait3A_801 = arith.constant 0 : i32
          %dma_wait3A_802 = arith.constant 0 : i32
          %dma_wait3A_803 = tpu.memref_slice %arg4[%select_n3A_682, %dma_wait3A_801, %dma_wait3A_802] : memref<2x112x512xf32, #tpu.memory_space<vmem>> -> memref<1x112x256xf32, #tpu.memory_space<vmem>>
          %dma_wait3A_804 = tpu.memref_squeeze %dma_wait3A_803 : memref<1x112x256xf32, #tpu.memory_space<vmem>> -> memref<112x256xf32, #tpu.memory_space<vmem>>
          %dma_wait3A_805 = arith.constant 0 : i32
          %dma_wait3A_806 = tpu.memref_slice %arg2[%select_n3A_603, %add3A_666, %multiple_of3A_665, %dma_wait3A_805] : memref<2x224x224x826xf32, #tpu.memory_space<hbm>> -> memref<1x1x112x256xf32, #tpu.memory_space<hbm>>
          %dma_wait3A_807 = tpu.memref_squeeze %dma_wait3A_806 : memref<1x1x112x256xf32, #tpu.memory_space<hbm>> -> memref<112x256xf32, #tpu.memory_space<hbm>>
          tpu.wait_dma2 semaphore(%arg6 : memref<!tpu.dma_semaphore, #tpu.memory_space<semaphore_mem>>) src(%dma_wait3A_807 : memref<112x256xf32, #tpu.memory_space<hbm>>) dst(%dma_wait3A_804 : memref<112x256xf32, #tpu.memory_space<vmem>>)
        } else {
        }
        %eq3A_790 = arith.constant 1 : i32
        %eq3A_791 = arith.cmpi eq, %select_n3A_698, %eq3A_790 : i32
        %convert_element_type3A_792 = arith.extui %eq3A_791 : i1 to i32
        %cond3A_793 = arith.constant 0 : i32
        %cond3A_794 = arith.cmpi ne, %convert_element_type3A_792, %cond3A_793 : i32
        scf.if %cond3A_794 {
          %dma_wait3A = arith.constant 0 : i32
          %dma_wait3A_795 = arith.constant 0 : i32
          %dma_wait3A_796 = tpu.memref_slice %arg4[%select_n3A_682, %dma_wait3A, %dma_wait3A_795] : memref<2x112x512xf32, #tpu.memory_space<vmem>> -> memref<1x112x256xf32, #tpu.memory_space<vmem>>
          %dma_wait3A_797 = tpu.memref_squeeze %dma_wait3A_796 : memref<1x112x256xf32, #tpu.memory_space<vmem>> -> memref<112x256xf32, #tpu.memory_space<vmem>>
          %dma_wait3A_798 = arith.constant 0 : i32
          %dma_wait3A_799 = tpu.memref_slice %arg2[%select_n3A_603, %add3A_666, %multiple_of3A_665, %dma_wait3A_798] : memref<2x224x224x826xf32, #tpu.memory_space<hbm>> -> memref<1x1x112x256xf32, #tpu.memory_space<hbm>>
          %dma_wait3A_800 = tpu.memref_squeeze %dma_wait3A_799 : memref<1x1x112x256xf32, #tpu.memory_space<hbm>> -> memref<112x256xf32, #tpu.memory_space<hbm>>
          %dma_wait3A_801 = arith.constant 0 : i32
          %dma_wait3A_802 = arith.constant 0 : i32
          %dma_wait3A_803 = tpu.memref_slice %arg4[%select_n3A_682, %dma_wait3A_801, %dma_wait3A_802] : memref<2x112x512xf32, #tpu.memory_space<vmem>> -> memref<1x112x256xf32, #tpu.memory_space<vmem>>
          %dma_wait3A_804 = tpu.memref_squeeze %dma_wait3A_803 : memref<1x112x256xf32, #tpu.memory_space<vmem>> -> memref<112x256xf32, #tpu.memory_space<vmem>>
          %dma_wait3A_805 = arith.constant 0 : i32
          %dma_wait3A_806 = tpu.memref_slice %arg2[%select_n3A_603, %add3A_666, %multiple_of3A_665, %dma_wait3A_805] : memref<2x224x224x826xf32, #tpu.memory_space<hbm>> -> memref<1x1x112x256xf32, #tpu.memory_space<hbm>>
          %dma_wait3A_807 = tpu.memref_squeeze %dma_wait3A_806 : memref<1x1x112x256xf32, #tpu.memory_space<hbm>> -> memref<112x256xf32, #tpu.memory_space<hbm>>
          tpu.wait_dma2 semaphore(%arg7 : memref<!tpu.dma_semaphore, #tpu.memory_space<semaphore_mem>>) src(%dma_wait3A_807 : memref<112x256xf32, #tpu.memory_space<hbm>>) dst(%dma_wait3A_804 : memref<112x256xf32, #tpu.memory_space<vmem>>)
        } else {
        }
      } else {
      }
      %add3A_704 = arith.addi %multiple_of3A_622, %select_n3A_646 : i32
      %jit3A_705 = arith.constant 2 : i32
      %eq3A_706 = arith.constant 0 : i32
      %eq3A_707 = arith.cmpi eq, %jit3A_705, %eq3A_706 : i32
      %jit3A_708 = arith.constant 1 : i32
      %select_n3A_709 = arith.select %eq3A_707, %jit3A_708, %jit3A_705 : i32
      %rem3A_710 = arith.remsi %scan3A_165, %select_n3A_709 : i32
      %ne3A_711 = arith.constant 0 : i32
      %ne3A_712 = arith.cmpi ne, %rem3A_710, %ne3A_711 : i32
      %lt3A_713 = arith.constant 0 : i32
      %lt3A_714 = arith.cmpi slt, %rem3A_710, %lt3A_713 : i32
      %lt3A_715 = arith.constant 0 : i32
      %lt3A_716 = arith.cmpi slt, %select_n3A_709, %lt3A_715 : i32
      %ne3A_717 = arith.xori %lt3A_714, %lt3A_716 : i1
      %and3A_718 = arith.andi %ne3A_717, %ne3A_712 : i1
      %add3A_719 = arith.addi %rem3A_710, %select_n3A_709 : i32
      %select_n3A_720 = arith.select %and3A_718, %add3A_719, %rem3A_710 : i32
      %jit3A_721 = arith.constant 2 : i32
      %eq3A_722 = arith.constant 0 : i32
      %eq3A_723 = arith.cmpi eq, %jit3A_721, %eq3A_722 : i32
      %jit3A_724 = arith.constant 1 : i32
      %select_n3A_725 = arith.select %eq3A_723, %jit3A_724, %jit3A_721 : i32
      %rem3A_726 = arith.remsi %scan3A_165, %select_n3A_725 : i32
      %ne3A_727 = arith.constant 0 : i32
      %ne3A_728 = arith.cmpi ne, %rem3A_726, %ne3A_727 : i32
      %lt3A_729 = arith.constant 0 : i32
      %lt3A_730 = arith.cmpi slt, %rem3A_726, %lt3A_729 : i32
      %lt3A_731 = arith.constant 0 : i32
      %lt3A_732 = arith.cmpi slt, %select_n3A_725, %lt3A_731 : i32
      %ne3A_733 = arith.xori %lt3A_730, %lt3A_732 : i1
      %and3A_734 = arith.andi %ne3A_733, %ne3A_728 : i1
      %add3A_735 = arith.addi %rem3A_726, %select_n3A_725 : i32
      %select_n3A_736 = arith.select %and3A_734, %add3A_735, %rem3A_726 : i32
      %lt3A_737 = arith.constant 56 : i32
      %lt3A_738 = arith.cmpi slt, %add3A_579, %lt3A_737 : i32
      %convert_element_type3A_739 = arith.extui %lt3A_738 : i1 to i32
      %cond3A_740 = arith.constant 0 : i32
      %cond3A_741 = arith.cmpi ne, %convert_element_type3A_739, %cond3A_740 : i32
      scf.if %cond3A_741 {
        %eq3A_785 = arith.constant 0 : i32
        %eq3A_786 = arith.cmpi eq, %select_n3A_736, %eq3A_785 : i32
        %convert_element_type3A_787 = arith.extui %eq3A_786 : i1 to i32
        %cond3A_788 = arith.constant 0 : i32
        %cond3A_789 = arith.cmpi ne, %convert_element_type3A_787, %cond3A_788 : i32
        scf.if %cond3A_789 {
          %dma_wait3A = arith.constant 0 : i32
          %dma_wait3A_795 = arith.constant 256 : i32
          %dma_wait3A_796 = tpu.memref_slice %arg4[%select_n3A_720, %dma_wait3A, %dma_wait3A_795] : memref<2x112x512xf32, #tpu.memory_space<vmem>> -> memref<1x112x128xf32, #tpu.memory_space<vmem>>
          %dma_wait3A_797 = tpu.memref_squeeze %dma_wait3A_796 : memref<1x112x128xf32, #tpu.memory_space<vmem>> -> memref<112x128xf32, #tpu.memory_space<vmem>>
          %dma_wait3A_798 = arith.constant 256 : i32
          %dma_wait3A_799 = tpu.memref_slice %arg2[%select_n3A_603, %add3A_704, %multiple_of3A_665, %dma_wait3A_798] : memref<2x224x224x826xf32, #tpu.memory_space<hbm>> -> memref<1x1x112x128xf32, #tpu.memory_space<hbm>>
          %dma_wait3A_800 = tpu.memref_squeeze %dma_wait3A_799 : memref<1x1x112x128xf32, #tpu.memory_space<hbm>> -> memref<112x128xf32, #tpu.memory_space<hbm>>
          %dma_wait3A_801 = arith.constant 0 : i32
          %dma_wait3A_802 = arith.constant 256 : i32
          %dma_wait3A_803 = tpu.memref_slice %arg4[%select_n3A_720, %dma_wait3A_801, %dma_wait3A_802] : memref<2x112x512xf32, #tpu.memory_space<vmem>> -> memref<1x112x128xf32, #tpu.memory_space<vmem>>
          %dma_wait3A_804 = tpu.memref_squeeze %dma_wait3A_803 : memref<1x112x128xf32, #tpu.memory_space<vmem>> -> memref<112x128xf32, #tpu.memory_space<vmem>>
          %dma_wait3A_805 = arith.constant 256 : i32
          %dma_wait3A_806 = tpu.memref_slice %arg2[%select_n3A_603, %add3A_704, %multiple_of3A_665, %dma_wait3A_805] : memref<2x224x224x826xf32, #tpu.memory_space<hbm>> -> memref<1x1x112x128xf32, #tpu.memory_space<hbm>>
          %dma_wait3A_807 = tpu.memref_squeeze %dma_wait3A_806 : memref<1x1x112x128xf32, #tpu.memory_space<hbm>> -> memref<112x128xf32, #tpu.memory_space<hbm>>
          tpu.wait_dma2 semaphore(%arg6 : memref<!tpu.dma_semaphore, #tpu.memory_space<semaphore_mem>>) src(%dma_wait3A_807 : memref<112x128xf32, #tpu.memory_space<hbm>>) dst(%dma_wait3A_804 : memref<112x128xf32, #tpu.memory_space<vmem>>)
        } else {
        }
        %eq3A_790 = arith.constant 1 : i32
        %eq3A_791 = arith.cmpi eq, %select_n3A_736, %eq3A_790 : i32
        %convert_element_type3A_792 = arith.extui %eq3A_791 : i1 to i32
        %cond3A_793 = arith.constant 0 : i32
        %cond3A_794 = arith.cmpi ne, %convert_element_type3A_792, %cond3A_793 : i32
        scf.if %cond3A_794 {
          %dma_wait3A = arith.constant 0 : i32
          %dma_wait3A_795 = arith.constant 256 : i32
          %dma_wait3A_796 = tpu.memref_slice %arg4[%select_n3A_720, %dma_wait3A, %dma_wait3A_795] : memref<2x112x512xf32, #tpu.memory_space<vmem>> -> memref<1x112x128xf32, #tpu.memory_space<vmem>>
          %dma_wait3A_797 = tpu.memref_squeeze %dma_wait3A_796 : memref<1x112x128xf32, #tpu.memory_space<vmem>> -> memref<112x128xf32, #tpu.memory_space<vmem>>
          %dma_wait3A_798 = arith.constant 256 : i32
          %dma_wait3A_799 = tpu.memref_slice %arg2[%select_n3A_603, %add3A_704, %multiple_of3A_665, %dma_wait3A_798] : memref<2x224x224x826xf32, #tpu.memory_space<hbm>> -> memref<1x1x112x128xf32, #tpu.memory_space<hbm>>
          %dma_wait3A_800 = tpu.memref_squeeze %dma_wait3A_799 : memref<1x1x112x128xf32, #tpu.memory_space<hbm>> -> memref<112x128xf32, #tpu.memory_space<hbm>>
          %dma_wait3A_801 = arith.constant 0 : i32
          %dma_wait3A_802 = arith.constant 256 : i32
          %dma_wait3A_803 = tpu.memref_slice %arg4[%select_n3A_720, %dma_wait3A_801, %dma_wait3A_802] : memref<2x112x512xf32, #tpu.memory_space<vmem>> -> memref<1x112x128xf32, #tpu.memory_space<vmem>>
          %dma_wait3A_804 = tpu.memref_squeeze %dma_wait3A_803 : memref<1x112x128xf32, #tpu.memory_space<vmem>> -> memref<112x128xf32, #tpu.memory_space<vmem>>
          %dma_wait3A_805 = arith.constant 256 : i32
          %dma_wait3A_806 = tpu.memref_slice %arg2[%select_n3A_603, %add3A_704, %multiple_of3A_665, %dma_wait3A_805] : memref<2x224x224x826xf32, #tpu.memory_space<hbm>> -> memref<1x1x112x128xf32, #tpu.memory_space<hbm>>
          %dma_wait3A_807 = tpu.memref_squeeze %dma_wait3A_806 : memref<1x1x112x128xf32, #tpu.memory_space<hbm>> -> memref<112x128xf32, #tpu.memory_space<hbm>>
          tpu.wait_dma2 semaphore(%arg7 : memref<!tpu.dma_semaphore, #tpu.memory_space<semaphore_mem>>) src(%dma_wait3A_807 : memref<112x128xf32, #tpu.memory_space<hbm>>) dst(%dma_wait3A_804 : memref<112x128xf32, #tpu.memory_space<vmem>>)
        } else {
        }
      } else {
      }
      %add3A_742 = arith.addi %multiple_of3A_622, %select_n3A_646 : i32
      %jit3A_743 = arith.constant 2 : i32
      %eq3A_744 = arith.constant 0 : i32
      %eq3A_745 = arith.cmpi eq, %jit3A_743, %eq3A_744 : i32
      %jit3A_746 = arith.constant 1 : i32
      %select_n3A_747 = arith.select %eq3A_745, %jit3A_746, %jit3A_743 : i32
      %rem3A_748 = arith.remsi %scan3A_165, %select_n3A_747 : i32
      %ne3A_749 = arith.constant 0 : i32
      %ne3A_750 = arith.cmpi ne, %rem3A_748, %ne3A_749 : i32
      %lt3A_751 = arith.constant 0 : i32
      %lt3A_752 = arith.cmpi slt, %rem3A_748, %lt3A_751 : i32
      %lt3A_753 = arith.constant 0 : i32
      %lt3A_754 = arith.cmpi slt, %select_n3A_747, %lt3A_753 : i32
      %ne3A_755 = arith.xori %lt3A_752, %lt3A_754 : i1
      %and3A_756 = arith.andi %ne3A_755, %ne3A_750 : i1
      %add3A_757 = arith.addi %rem3A_748, %select_n3A_747 : i32
      %select_n3A_758 = arith.select %and3A_756, %add3A_757, %rem3A_748 : i32
      %jit3A_759 = arith.constant 2 : i32
      %eq3A_760 = arith.constant 0 : i32
      %eq3A_761 = arith.cmpi eq, %jit3A_759, %eq3A_760 : i32
      %jit3A_762 = arith.constant 1 : i32
      %select_n3A_763 = arith.select %eq3A_761, %jit3A_762, %jit3A_759 : i32
      %rem3A_764 = arith.remsi %scan3A_165, %select_n3A_763 : i32
      %ne3A_765 = arith.constant 0 : i32
      %ne3A_766 = arith.cmpi ne, %rem3A_764, %ne3A_765 : i32
      %lt3A_767 = arith.constant 0 : i32
      %lt3A_768 = arith.cmpi slt, %rem3A_764, %lt3A_767 : i32
      %lt3A_769 = arith.constant 0 : i32
      %lt3A_770 = arith.cmpi slt, %select_n3A_763, %lt3A_769 : i32
      %ne3A_771 = arith.xori %lt3A_768, %lt3A_770 : i1
      %and3A_772 = arith.andi %ne3A_771, %ne3A_766 : i1
      %add3A_773 = arith.addi %rem3A_764, %select_n3A_763 : i32
      %select_n3A_774 = arith.select %and3A_772, %add3A_773, %rem3A_764 : i32
      %lt3A_775 = arith.constant 56 : i32
      %lt3A_776 = arith.cmpi slt, %add3A_579, %lt3A_775 : i32
      %convert_element_type3A_777 = arith.extui %lt3A_776 : i1 to i32
      %cond3A_778 = arith.constant 0 : i32
      %cond3A_779 = arith.cmpi ne, %convert_element_type3A_777, %cond3A_778 : i32
      scf.if %cond3A_779 {
        %eq3A_785 = arith.constant 0 : i32
        %eq3A_786 = arith.cmpi eq, %select_n3A_774, %eq3A_785 : i32
        %convert_element_type3A_787 = arith.extui %eq3A_786 : i1 to i32
        %cond3A_788 = arith.constant 0 : i32
        %cond3A_789 = arith.cmpi ne, %convert_element_type3A_787, %cond3A_788 : i32
        scf.if %cond3A_789 {
          %dma_wait3A = arith.constant 0 : i32
          %dma_wait3A_795 = arith.constant 384 : i32
          %dma_wait3A_796 = tpu.memref_slice %arg4[%select_n3A_758, %dma_wait3A, %dma_wait3A_795] : memref<2x112x512xf32, #tpu.memory_space<vmem>> -> memref<1x112x128xf32, #tpu.memory_space<vmem>>
          %dma_wait3A_797 = tpu.memref_squeeze %dma_wait3A_796 : memref<1x112x128xf32, #tpu.memory_space<vmem>> -> memref<112x128xf32, #tpu.memory_space<vmem>>
          %dma_wait3A_798 = arith.constant 512 : i32
          %dma_wait3A_799 = tpu.memref_slice %arg2[%select_n3A_603, %add3A_742, %multiple_of3A_665, %dma_wait3A_798] : memref<2x224x224x826xf32, #tpu.memory_space<hbm>> -> memref<1x1x112x128xf32, #tpu.memory_space<hbm>>
          %dma_wait3A_800 = tpu.memref_squeeze %dma_wait3A_799 : memref<1x1x112x128xf32, #tpu.memory_space<hbm>> -> memref<112x128xf32, #tpu.memory_space<hbm>>
          %dma_wait3A_801 = arith.constant 0 : i32
          %dma_wait3A_802 = arith.constant 384 : i32
          %dma_wait3A_803 = tpu.memref_slice %arg4[%select_n3A_758, %dma_wait3A_801, %dma_wait3A_802] : memref<2x112x512xf32, #tpu.memory_space<vmem>> -> memref<1x112x128xf32, #tpu.memory_space<vmem>>
          %dma_wait3A_804 = tpu.memref_squeeze %dma_wait3A_803 : memref<1x112x128xf32, #tpu.memory_space<vmem>> -> memref<112x128xf32, #tpu.memory_space<vmem>>
          %dma_wait3A_805 = arith.constant 512 : i32
          %dma_wait3A_806 = tpu.memref_slice %arg2[%select_n3A_603, %add3A_742, %multiple_of3A_665, %dma_wait3A_805] : memref<2x224x224x826xf32, #tpu.memory_space<hbm>> -> memref<1x1x112x128xf32, #tpu.memory_space<hbm>>
          %dma_wait3A_807 = tpu.memref_squeeze %dma_wait3A_806 : memref<1x1x112x128xf32, #tpu.memory_space<hbm>> -> memref<112x128xf32, #tpu.memory_space<hbm>>
          tpu.wait_dma2 semaphore(%arg6 : memref<!tpu.dma_semaphore, #tpu.memory_space<semaphore_mem>>) src(%dma_wait3A_807 : memref<112x128xf32, #tpu.memory_space<hbm>>) dst(%dma_wait3A_804 : memref<112x128xf32, #tpu.memory_space<vmem>>)
        } else {
        }
        %eq3A_790 = arith.constant 1 : i32
        %eq3A_791 = arith.cmpi eq, %select_n3A_774, %eq3A_790 : i32
        %convert_element_type3A_792 = arith.extui %eq3A_791 : i1 to i32
        %cond3A_793 = arith.constant 0 : i32
        %cond3A_794 = arith.cmpi ne, %convert_element_type3A_792, %cond3A_793 : i32
        scf.if %cond3A_794 {
          %dma_wait3A = arith.constant 0 : i32
          %dma_wait3A_795 = arith.constant 384 : i32
          %dma_wait3A_796 = tpu.memref_slice %arg4[%select_n3A_758, %dma_wait3A, %dma_wait3A_795] : memref<2x112x512xf32, #tpu.memory_space<vmem>> -> memref<1x112x128xf32, #tpu.memory_space<vmem>>
          %dma_wait3A_797 = tpu.memref_squeeze %dma_wait3A_796 : memref<1x112x128xf32, #tpu.memory_space<vmem>> -> memref<112x128xf32, #tpu.memory_space<vmem>>
          %dma_wait3A_798 = arith.constant 512 : i32
          %dma_wait3A_799 = tpu.memref_slice %arg2[%select_n3A_603, %add3A_742, %multiple_of3A_665, %dma_wait3A_798] : memref<2x224x224x826xf32, #tpu.memory_space<hbm>> -> memref<1x1x112x128xf32, #tpu.memory_space<hbm>>
          %dma_wait3A_800 = tpu.memref_squeeze %dma_wait3A_799 : memref<1x1x112x128xf32, #tpu.memory_space<hbm>> -> memref<112x128xf32, #tpu.memory_space<hbm>>
          %dma_wait3A_801 = arith.constant 0 : i32
          %dma_wait3A_802 = arith.constant 384 : i32
          %dma_wait3A_803 = tpu.memref_slice %arg4[%select_n3A_758, %dma_wait3A_801, %dma_wait3A_802] : memref<2x112x512xf32, #tpu.memory_space<vmem>> -> memref<1x112x128xf32, #tpu.memory_space<vmem>>
          %dma_wait3A_804 = tpu.memref_squeeze %dma_wait3A_803 : memref<1x112x128xf32, #tpu.memory_space<vmem>> -> memref<112x128xf32, #tpu.memory_space<vmem>>
          %dma_wait3A_805 = arith.constant 512 : i32
          %dma_wait3A_806 = tpu.memref_slice %arg2[%select_n3A_603, %add3A_742, %multiple_of3A_665, %dma_wait3A_805] : memref<2x224x224x826xf32, #tpu.memory_space<hbm>> -> memref<1x1x112x128xf32, #tpu.memory_space<hbm>>
          %dma_wait3A_807 = tpu.memref_squeeze %dma_wait3A_806 : memref<1x1x112x128xf32, #tpu.memory_space<hbm>> -> memref<112x128xf32, #tpu.memory_space<hbm>>
          tpu.wait_dma2 semaphore(%arg7 : memref<!tpu.dma_semaphore, #tpu.memory_space<semaphore_mem>>) src(%dma_wait3A_807 : memref<112x128xf32, #tpu.memory_space<hbm>>) dst(%dma_wait3A_804 : memref<112x128xf32, #tpu.memory_space<vmem>>)
        } else {
        }
      } else {
      }
      %lt3A_780 = arith.constant 56 : i32
      %lt3A_781 = arith.cmpi slt, %add3A_208, %lt3A_780 : i32
      %convert_element_type3A_782 = arith.extui %lt3A_781 : i1 to i32
      %cond3A_783 = arith.constant 0 : i32
      %cond3A_784 = arith.cmpi ne, %convert_element_type3A_782, %cond3A_783 : i32
      scf.if %cond3A_784 {
        %scan3A_785 = arith.constant 0 : i32
        %scan3A_786 = arith.constant 0 : i32
        %scan3A_787 = arith.constant 7 : i32
        %scan3A_788 = arith.addi %scan3A_786, %scan3A_787 : i32
        %scan3A_789 = arith.constant 1 : i32
        scf.for %scan3A_814 = %scan3A_786 to %scan3A_788 step %scan3A_789  : i32 {
          %mul3A_815 = arith.constant 16 : i32
          %mul3A_816 = arith.muli %scan3A_814, %mul3A_815 : i32
          %add3A_817 = vector.broadcast %mul3A_816 : i32 to vector<16xi32>
          %add3A_818 = arith.addi %add3A_817, %iota3A : vector<16xi32>
          %jit3A_819 = arith.constant 2 : i32
          %eq3A_820 = arith.constant 0 : i32
          %eq3A_821 = arith.cmpi eq, %jit3A_819, %eq3A_820 : i32
          %jit3A_822 = arith.constant 1 : i32
          %select_n3A_823 = arith.select %eq3A_821, %jit3A_822, %jit3A_819 : i32
          %rem3A_824 = arith.remsi %scan3A_165, %select_n3A_823 : i32
          %ne3A_825 = arith.constant 0 : i32
          %ne3A_826 = arith.cmpi ne, %rem3A_824, %ne3A_825 : i32
          %lt3A_827 = arith.constant 0 : i32
          %lt3A_828 = arith.cmpi slt, %rem3A_824, %lt3A_827 : i32
          %lt3A_829 = arith.constant 0 : i32
          %lt3A_830 = arith.cmpi slt, %select_n3A_823, %lt3A_829 : i32
          %ne3A_831 = arith.xori %lt3A_828, %lt3A_830 : i1
          %and3A_832 = arith.andi %ne3A_831, %ne3A_826 : i1
          %add3A_833 = arith.addi %rem3A_824, %select_n3A_823 : i32
          %select_n3A_834 = arith.select %and3A_832, %add3A_833, %rem3A_824 : i32
          %broadcast_in_dim3A = arith.constant 432 : i32
          %broadcast_in_dim3A_835 = vector.broadcast %broadcast_in_dim3A : i32 to vector<16xi32>
          %gather3A = arith.constant 0 : i32
          %gather3A_836 = arith.constant 0 : i32
          %gather3A_837 = tpu.memref_slice %arg4[%select_n3A_834, %gather3A, %gather3A_836] : memref<2x112x512xf32, #tpu.memory_space<vmem>> -> memref<1x112x512xf32, #tpu.memory_space<vmem>>
          %gather3A_838 = tpu.memref_squeeze %gather3A_837 : memref<1x112x512xf32, #tpu.memory_space<vmem>> -> memref<112x512xf32, #tpu.memory_space<vmem>>
          %gather3A_839 = tpu.vector_load_idx %gather3A_838[%add3A_818, %broadcast_in_dim3A_835] : memref<112x512xf32, #tpu.memory_space<vmem>>[vector<16xi32>, vector<16xi32>], vector<16xf32>,
          %jit3A_840 = arith.constant 2 : i32
          %eq3A_841 = arith.constant 0 : i32
          %eq3A_842 = arith.cmpi eq, %jit3A_840, %eq3A_841 : i32
          %jit3A_843 = arith.constant 1 : i32
          %select_n3A_844 = arith.select %eq3A_842, %jit3A_843, %jit3A_840 : i32
          %rem3A_845 = arith.remsi %scan3A_165, %select_n3A_844 : i32
          %ne3A_846 = arith.constant 0 : i32
          %ne3A_847 = arith.cmpi ne, %rem3A_845, %ne3A_846 : i32
          %lt3A_848 = arith.constant 0 : i32
          %lt3A_849 = arith.cmpi slt, %rem3A_845, %lt3A_848 : i32
          %lt3A_850 = arith.constant 0 : i32
          %lt3A_851 = arith.cmpi slt, %select_n3A_844, %lt3A_850 : i32
          %ne3A_852 = arith.xori %lt3A_849, %lt3A_851 : i1
          %and3A_853 = arith.andi %ne3A_852, %ne3A_847 : i1
          %add3A_854 = arith.addi %rem3A_845, %select_n3A_844 : i32
          %select_n3A_855 = arith.select %and3A_853, %add3A_854, %rem3A_845 : i32
          %broadcast_in_dim3A_856 = arith.constant 433 : i32
          %broadcast_in_dim3A_857 = vector.broadcast %broadcast_in_dim3A_856 : i32 to vector<16xi32>
          %gather3A_858 = arith.constant 0 : i32
          %gather3A_859 = arith.constant 0 : i32
          %gather3A_860 = tpu.memref_slice %arg4[%select_n3A_855, %gather3A_858, %gather3A_859] : memref<2x112x512xf32, #tpu.memory_space<vmem>> -> memref<1x112x512xf32, #tpu.memory_space<vmem>>
          %gather3A_861 = tpu.memref_squeeze %gather3A_860 : memref<1x112x512xf32, #tpu.memory_space<vmem>> -> memref<112x512xf32, #tpu.memory_space<vmem>>
          %gather3A_862 = tpu.vector_load_idx %gather3A_861[%add3A_818, %broadcast_in_dim3A_857] : memref<112x512xf32, #tpu.memory_space<vmem>>[vector<16xi32>, vector<16xi32>], vector<16xf32>,
          %add3A_863 = arith.addf %gather3A_839, %gather3A_862 : vector<16xf32>
          %jit3A_864 = arith.constant 2 : i32
          %eq3A_865 = arith.constant 0 : i32
          %eq3A_866 = arith.cmpi eq, %jit3A_864, %eq3A_865 : i32
          %jit3A_867 = arith.constant 1 : i32
          %select_n3A_868 = arith.select %eq3A_866, %jit3A_867, %jit3A_864 : i32
          %rem3A_869 = arith.remsi %scan3A_165, %select_n3A_868 : i32
          %ne3A_870 = arith.constant 0 : i32
          %ne3A_871 = arith.cmpi ne, %rem3A_869, %ne3A_870 : i32
          %lt3A_872 = arith.constant 0 : i32
          %lt3A_873 = arith.cmpi slt, %rem3A_869, %lt3A_872 : i32
          %lt3A_874 = arith.constant 0 : i32
          %lt3A_875 = arith.cmpi slt, %select_n3A_868, %lt3A_874 : i32
          %ne3A_876 = arith.xori %lt3A_873, %lt3A_875 : i1
          %and3A_877 = arith.andi %ne3A_876, %ne3A_871 : i1
          %add3A_878 = arith.addi %rem3A_869, %select_n3A_868 : i32
          %select_n3A_879 = arith.select %and3A_877, %add3A_878, %rem3A_869 : i32
          %broadcast_in_dim3A_880 = arith.constant 434 : i32
          %broadcast_in_dim3A_881 = vector.broadcast %broadcast_in_dim3A_880 : i32 to vector<16xi32>
          %gather3A_882 = arith.constant 0 : i32
          %gather3A_883 = arith.constant 0 : i32
          %gather3A_884 = tpu.memref_slice %arg4[%select_n3A_879, %gather3A_882, %gather3A_883] : memref<2x112x512xf32, #tpu.memory_space<vmem>> -> memref<1x112x512xf32, #tpu.memory_space<vmem>>
          %gather3A_885 = tpu.memref_squeeze %gather3A_884 : memref<1x112x512xf32, #tpu.memory_space<vmem>> -> memref<112x512xf32, #tpu.memory_space<vmem>>
          %gather3A_886 = tpu.vector_load_idx %gather3A_885[%add3A_818, %broadcast_in_dim3A_881] : memref<112x512xf32, #tpu.memory_space<vmem>>[vector<16xi32>, vector<16xi32>], vector<16xf32>,
          %add3A_887 = arith.addf %add3A_863, %gather3A_886 : vector<16xf32>
          %jit3A_888 = arith.constant 2 : i32
          %eq3A_889 = arith.constant 0 : i32
          %eq3A_890 = arith.cmpi eq, %jit3A_888, %eq3A_889 : i32
          %jit3A_891 = arith.constant 1 : i32
          %select_n3A_892 = arith.select %eq3A_890, %jit3A_891, %jit3A_888 : i32
          %rem3A_893 = arith.remsi %scan3A_165, %select_n3A_892 : i32
          %ne3A_894 = arith.constant 0 : i32
          %ne3A_895 = arith.cmpi ne, %rem3A_893, %ne3A_894 : i32
          %lt3A_896 = arith.constant 0 : i32
          %lt3A_897 = arith.cmpi slt, %rem3A_893, %lt3A_896 : i32
          %lt3A_898 = arith.constant 0 : i32
          %lt3A_899 = arith.cmpi slt, %select_n3A_892, %lt3A_898 : i32
          %ne3A_900 = arith.xori %lt3A_897, %lt3A_899 : i1
          %and3A_901 = arith.andi %ne3A_900, %ne3A_895 : i1
          %add3A_902 = arith.addi %rem3A_893, %select_n3A_892 : i32
          %select_n3A_903 = arith.select %and3A_901, %add3A_902, %rem3A_893 : i32
          %broadcast_in_dim3A_904 = arith.constant 435 : i32
          %broadcast_in_dim3A_905 = vector.broadcast %broadcast_in_dim3A_904 : i32 to vector<16xi32>
          %gather3A_906 = arith.constant 0 : i32
          %gather3A_907 = arith.constant 0 : i32
          %gather3A_908 = tpu.memref_slice %arg4[%select_n3A_903, %gather3A_906, %gather3A_907] : memref<2x112x512xf32, #tpu.memory_space<vmem>> -> memref<1x112x512xf32, #tpu.memory_space<vmem>>
          %gather3A_909 = tpu.memref_squeeze %gather3A_908 : memref<1x112x512xf32, #tpu.memory_space<vmem>> -> memref<112x512xf32, #tpu.memory_space<vmem>>
          %gather3A_910 = tpu.vector_load_idx %gather3A_909[%add3A_818, %broadcast_in_dim3A_905] : memref<112x512xf32, #tpu.memory_space<vmem>>[vector<16xi32>, vector<16xi32>], vector<16xf32>,
          %add3A_911 = arith.addf %add3A_887, %gather3A_910 : vector<16xf32>
          %jit3A_912 = arith.constant 2 : i32
          %eq3A_913 = arith.constant 0 : i32
          %eq3A_914 = arith.cmpi eq, %jit3A_912, %eq3A_913 : i32
          %jit3A_915 = arith.constant 1 : i32
          %select_n3A_916 = arith.select %eq3A_914, %jit3A_915, %jit3A_912 : i32
          %rem3A_917 = arith.remsi %scan3A_165, %select_n3A_916 : i32
          %ne3A_918 = arith.constant 0 : i32
          %ne3A_919 = arith.cmpi ne, %rem3A_917, %ne3A_918 : i32
          %lt3A_920 = arith.constant 0 : i32
          %lt3A_921 = arith.cmpi slt, %rem3A_917, %lt3A_920 : i32
          %lt3A_922 = arith.constant 0 : i32
          %lt3A_923 = arith.cmpi slt, %select_n3A_916, %lt3A_922 : i32
          %ne3A_924 = arith.xori %lt3A_921, %lt3A_923 : i1
          %and3A_925 = arith.andi %ne3A_924, %ne3A_919 : i1
          %add3A_926 = arith.addi %rem3A_917, %select_n3A_916 : i32
          %select_n3A_927 = arith.select %and3A_925, %add3A_926, %rem3A_917 : i32
          %broadcast_in_dim3A_928 = arith.constant 436 : i32
          %broadcast_in_dim3A_929 = vector.broadcast %broadcast_in_dim3A_928 : i32 to vector<16xi32>
          %gather3A_930 = arith.constant 0 : i32
          %gather3A_931 = arith.constant 0 : i32
          %gather3A_932 = tpu.memref_slice %arg4[%select_n3A_927, %gather3A_930, %gather3A_931] : memref<2x112x512xf32, #tpu.memory_space<vmem>> -> memref<1x112x512xf32, #tpu.memory_space<vmem>>
          %gather3A_933 = tpu.memref_squeeze %gather3A_932 : memref<1x112x512xf32, #tpu.memory_space<vmem>> -> memref<112x512xf32, #tpu.memory_space<vmem>>
          %gather3A_934 = tpu.vector_load_idx %gather3A_933[%add3A_818, %broadcast_in_dim3A_929] : memref<112x512xf32, #tpu.memory_space<vmem>>[vector<16xi32>, vector<16xi32>], vector<16xf32>,
          %add3A_935 = arith.addf %add3A_911, %gather3A_934 : vector<16xf32>
          %jit3A_936 = arith.constant 2 : i32
          %eq3A_937 = arith.constant 0 : i32
          %eq3A_938 = arith.cmpi eq, %jit3A_936, %eq3A_937 : i32
          %jit3A_939 = arith.constant 1 : i32
          %select_n3A_940 = arith.select %eq3A_938, %jit3A_939, %jit3A_936 : i32
          %rem3A_941 = arith.remsi %scan3A_165, %select_n3A_940 : i32
          %ne3A_942 = arith.constant 0 : i32
          %ne3A_943 = arith.cmpi ne, %rem3A_941, %ne3A_942 : i32
          %lt3A_944 = arith.constant 0 : i32
          %lt3A_945 = arith.cmpi slt, %rem3A_941, %lt3A_944 : i32
          %lt3A_946 = arith.constant 0 : i32
          %lt3A_947 = arith.cmpi slt, %select_n3A_940, %lt3A_946 : i32
          %ne3A_948 = arith.xori %lt3A_945, %lt3A_947 : i1
          %and3A_949 = arith.andi %ne3A_948, %ne3A_943 : i1
          %add3A_950 = arith.addi %rem3A_941, %select_n3A_940 : i32
          %select_n3A_951 = arith.select %and3A_949, %add3A_950, %rem3A_941 : i32
          %broadcast_in_dim3A_952 = arith.constant 437 : i32
          %broadcast_in_dim3A_953 = vector.broadcast %broadcast_in_dim3A_952 : i32 to vector<16xi32>
          %gather3A_954 = arith.constant 0 : i32
          %gather3A_955 = arith.constant 0 : i32
          %gather3A_956 = tpu.memref_slice %arg4[%select_n3A_951, %gather3A_954, %gather3A_955] : memref<2x112x512xf32, #tpu.memory_space<vmem>> -> memref<1x112x512xf32, #tpu.memory_space<vmem>>
          %gather3A_957 = tpu.memref_squeeze %gather3A_956 : memref<1x112x512xf32, #tpu.memory_space<vmem>> -> memref<112x512xf32, #tpu.memory_space<vmem>>
          %gather3A_958 = tpu.vector_load_idx %gather3A_957[%add3A_818, %broadcast_in_dim3A_953] : memref<112x512xf32, #tpu.memory_space<vmem>>[vector<16xi32>, vector<16xi32>], vector<16xf32>,
          %add3A_959 = arith.addf %add3A_935, %gather3A_958 : vector<16xf32>
          %jit3A_960 = arith.constant 2 : i32
          %eq3A_961 = arith.constant 0 : i32
          %eq3A_962 = arith.cmpi eq, %jit3A_960, %eq3A_961 : i32
          %jit3A_963 = arith.constant 1 : i32
          %select_n3A_964 = arith.select %eq3A_962, %jit3A_963, %jit3A_960 : i32
          %rem3A_965 = arith.remsi %scan3A_165, %select_n3A_964 : i32
          %ne3A_966 = arith.constant 0 : i32
          %ne3A_967 = arith.cmpi ne, %rem3A_965, %ne3A_966 : i32
          %lt3A_968 = arith.constant 0 : i32
          %lt3A_969 = arith.cmpi slt, %rem3A_965, %lt3A_968 : i32
          %lt3A_970 = arith.constant 0 : i32
          %lt3A_971 = arith.cmpi slt, %select_n3A_964, %lt3A_970 : i32
          %ne3A_972 = arith.xori %lt3A_969, %lt3A_971 : i1
          %and3A_973 = arith.andi %ne3A_972, %ne3A_967 : i1
          %add3A_974 = arith.addi %rem3A_965, %select_n3A_964 : i32
          %select_n3A_975 = arith.select %and3A_973, %add3A_974, %rem3A_965 : i32
          %broadcast_in_dim3A_976 = arith.constant 438 : i32
          %broadcast_in_dim3A_977 = vector.broadcast %broadcast_in_dim3A_976 : i32 to vector<16xi32>
          %gather3A_978 = arith.constant 0 : i32
          %gather3A_979 = arith.constant 0 : i32
          %gather3A_980 = tpu.memref_slice %arg4[%select_n3A_975, %gather3A_978, %gather3A_979] : memref<2x112x512xf32, #tpu.memory_space<vmem>> -> memref<1x112x512xf32, #tpu.memory_space<vmem>>
          %gather3A_981 = tpu.memref_squeeze %gather3A_980 : memref<1x112x512xf32, #tpu.memory_space<vmem>> -> memref<112x512xf32, #tpu.memory_space<vmem>>
          %gather3A_982 = tpu.vector_load_idx %gather3A_981[%add3A_818, %broadcast_in_dim3A_977] : memref<112x512xf32, #tpu.memory_space<vmem>>[vector<16xi32>, vector<16xi32>], vector<16xf32>,
          %add3A_983 = arith.addf %add3A_959, %gather3A_982 : vector<16xf32>
          %jit3A_984 = arith.constant 2 : i32
          %eq3A_985 = arith.constant 0 : i32
          %eq3A_986 = arith.cmpi eq, %jit3A_984, %eq3A_985 : i32
          %jit3A_987 = arith.constant 1 : i32
          %select_n3A_988 = arith.select %eq3A_986, %jit3A_987, %jit3A_984 : i32
          %rem3A_989 = arith.remsi %scan3A_165, %select_n3A_988 : i32
          %ne3A_990 = arith.constant 0 : i32
          %ne3A_991 = arith.cmpi ne, %rem3A_989, %ne3A_990 : i32
          %lt3A_992 = arith.constant 0 : i32
          %lt3A_993 = arith.cmpi slt, %rem3A_989, %lt3A_992 : i32
          %lt3A_994 = arith.constant 0 : i32
          %lt3A_995 = arith.cmpi slt, %select_n3A_988, %lt3A_994 : i32
          %ne3A_996 = arith.xori %lt3A_993, %lt3A_995 : i1
          %and3A_997 = arith.andi %ne3A_996, %ne3A_991 : i1
          %add3A_998 = arith.addi %rem3A_989, %select_n3A_988 : i32
          %select_n3A_999 = arith.select %and3A_997, %add3A_998, %rem3A_989 : i32
          %broadcast_in_dim3A_1000 = arith.constant 439 : i32
          %broadcast_in_dim3A_1001 = vector.broadcast %broadcast_in_dim3A_1000 : i32 to vector<16xi32>
          %gather3A_1002 = arith.constant 0 : i32
          %gather3A_1003 = arith.constant 0 : i32
          %gather3A_1004 = tpu.memref_slice %arg4[%select_n3A_999, %gather3A_1002, %gather3A_1003] : memref<2x112x512xf32, #tpu.memory_space<vmem>> -> memref<1x112x512xf32, #tpu.memory_space<vmem>>
          %gather3A_1005 = tpu.memref_squeeze %gather3A_1004 : memref<1x112x512xf32, #tpu.memory_space<vmem>> -> memref<112x512xf32, #tpu.memory_space<vmem>>
          %gather3A_1006 = tpu.vector_load_idx %gather3A_1005[%add3A_818, %broadcast_in_dim3A_1001] : memref<112x512xf32, #tpu.memory_space<vmem>>[vector<16xi32>, vector<16xi32>], vector<16xf32>,
          %add3A_1007 = arith.addf %add3A_983, %gather3A_1006 : vector<16xf32>
          %jit3A_1008 = arith.constant 2 : i32
          %eq3A_1009 = arith.constant 0 : i32
          %eq3A_1010 = arith.cmpi eq, %jit3A_1008, %eq3A_1009 : i32
          %jit3A_1011 = arith.constant 1 : i32
          %select_n3A_1012 = arith.select %eq3A_1010, %jit3A_1011, %jit3A_1008 : i32
          %rem3A_1013 = arith.remsi %scan3A_165, %select_n3A_1012 : i32
          %ne3A_1014 = arith.constant 0 : i32
          %ne3A_1015 = arith.cmpi ne, %rem3A_1013, %ne3A_1014 : i32
          %lt3A_1016 = arith.constant 0 : i32
          %lt3A_1017 = arith.cmpi slt, %rem3A_1013, %lt3A_1016 : i32
          %lt3A_1018 = arith.constant 0 : i32
          %lt3A_1019 = arith.cmpi slt, %select_n3A_1012, %lt3A_1018 : i32
          %ne3A_1020 = arith.xori %lt3A_1017, %lt3A_1019 : i1
          %and3A_1021 = arith.andi %ne3A_1020, %ne3A_1015 : i1
          %add3A_1022 = arith.addi %rem3A_1013, %select_n3A_1012 : i32
          %select_n3A_1023 = arith.select %and3A_1021, %add3A_1022, %rem3A_1013 : i32
          %broadcast_in_dim3A_1024 = arith.constant 440 : i32
          %broadcast_in_dim3A_1025 = vector.broadcast %broadcast_in_dim3A_1024 : i32 to vector<16xi32>
          %gather3A_1026 = arith.constant 0 : i32
          %gather3A_1027 = arith.constant 0 : i32
          %gather3A_1028 = tpu.memref_slice %arg4[%select_n3A_1023, %gather3A_1026, %gather3A_1027] : memref<2x112x512xf32, #tpu.memory_space<vmem>> -> memref<1x112x512xf32, #tpu.memory_space<vmem>>
          %gather3A_1029 = tpu.memref_squeeze %gather3A_1028 : memref<1x112x512xf32, #tpu.memory_space<vmem>> -> memref<112x512xf32, #tpu.memory_space<vmem>>
          %gather3A_1030 = tpu.vector_load_idx %gather3A_1029[%add3A_818, %broadcast_in_dim3A_1025] : memref<112x512xf32, #tpu.memory_space<vmem>>[vector<16xi32>, vector<16xi32>], vector<16xf32>,
          %add3A_1031 = arith.addf %add3A_1007, %gather3A_1030 : vector<16xf32>
          %jit3A_1032 = arith.constant 2 : i32
          %eq3A_1033 = arith.constant 0 : i32
          %eq3A_1034 = arith.cmpi eq, %jit3A_1032, %eq3A_1033 : i32
          %jit3A_1035 = arith.constant 1 : i32
          %select_n3A_1036 = arith.select %eq3A_1034, %jit3A_1035, %jit3A_1032 : i32
          %rem3A_1037 = arith.remsi %scan3A_165, %select_n3A_1036 : i32
          %ne3A_1038 = arith.constant 0 : i32
          %ne3A_1039 = arith.cmpi ne, %rem3A_1037, %ne3A_1038 : i32
          %lt3A_1040 = arith.constant 0 : i32
          %lt3A_1041 = arith.cmpi slt, %rem3A_1037, %lt3A_1040 : i32
          %lt3A_1042 = arith.constant 0 : i32
          %lt3A_1043 = arith.cmpi slt, %select_n3A_1036, %lt3A_1042 : i32
          %ne3A_1044 = arith.xori %lt3A_1041, %lt3A_1043 : i1
          %and3A_1045 = arith.andi %ne3A_1044, %ne3A_1039 : i1
          %add3A_1046 = arith.addi %rem3A_1037, %select_n3A_1036 : i32
          %select_n3A_1047 = arith.select %and3A_1045, %add3A_1046, %rem3A_1037 : i32
          %broadcast_in_dim3A_1048 = arith.constant 441 : i32
          %broadcast_in_dim3A_1049 = vector.broadcast %broadcast_in_dim3A_1048 : i32 to vector<16xi32>
          %gather3A_1050 = arith.constant 0 : i32
          %gather3A_1051 = arith.constant 0 : i32
          %gather3A_1052 = tpu.memref_slice %arg4[%select_n3A_1047, %gather3A_1050, %gather3A_1051] : memref<2x112x512xf32, #tpu.memory_space<vmem>> -> memref<1x112x512xf32, #tpu.memory_space<vmem>>
          %gather3A_1053 = tpu.memref_squeeze %gather3A_1052 : memref<1x112x512xf32, #tpu.memory_space<vmem>> -> memref<112x512xf32, #tpu.memory_space<vmem>>
          %gather3A_1054 = tpu.vector_load_idx %gather3A_1053[%add3A_818, %broadcast_in_dim3A_1049] : memref<112x512xf32, #tpu.memory_space<vmem>>[vector<16xi32>, vector<16xi32>], vector<16xf32>,
          %add3A_1055 = arith.addf %add3A_1031, %gather3A_1054 : vector<16xf32>
          %jit3A_1056 = arith.constant 2 : i32
          %eq3A_1057 = arith.constant 0 : i32
          %eq3A_1058 = arith.cmpi eq, %jit3A_1056, %eq3A_1057 : i32
          %jit3A_1059 = arith.constant 1 : i32
          %select_n3A_1060 = arith.select %eq3A_1058, %jit3A_1059, %jit3A_1056 : i32
          %rem3A_1061 = arith.remsi %scan3A_165, %select_n3A_1060 : i32
          %ne3A_1062 = arith.constant 0 : i32
          %ne3A_1063 = arith.cmpi ne, %rem3A_1061, %ne3A_1062 : i32
          %lt3A_1064 = arith.constant 0 : i32
          %lt3A_1065 = arith.cmpi slt, %rem3A_1061, %lt3A_1064 : i32
          %lt3A_1066 = arith.constant 0 : i32
          %lt3A_1067 = arith.cmpi slt, %select_n3A_1060, %lt3A_1066 : i32
          %ne3A_1068 = arith.xori %lt3A_1065, %lt3A_1067 : i1
          %and3A_1069 = arith.andi %ne3A_1068, %ne3A_1063 : i1
          %add3A_1070 = arith.addi %rem3A_1061, %select_n3A_1060 : i32
          %select_n3A_1071 = arith.select %and3A_1069, %add3A_1070, %rem3A_1061 : i32
          %broadcast_in_dim3A_1072 = arith.constant 442 : i32
          %broadcast_in_dim3A_1073 = vector.broadcast %broadcast_in_dim3A_1072 : i32 to vector<16xi32>
          %gather3A_1074 = arith.constant 0 : i32
          %gather3A_1075 = arith.constant 0 : i32
          %gather3A_1076 = tpu.memref_slice %arg4[%select_n3A_1071, %gather3A_1074, %gather3A_1075] : memref<2x112x512xf32, #tpu.memory_space<vmem>> -> memref<1x112x512xf32, #tpu.memory_space<vmem>>
          %gather3A_1077 = tpu.memref_squeeze %gather3A_1076 : memref<1x112x512xf32, #tpu.memory_space<vmem>> -> memref<112x512xf32, #tpu.memory_space<vmem>>
          %gather3A_1078 = tpu.vector_load_idx %gather3A_1077[%add3A_818, %broadcast_in_dim3A_1073] : memref<112x512xf32, #tpu.memory_space<vmem>>[vector<16xi32>, vector<16xi32>], vector<16xf32>,
          %add3A_1079 = arith.addf %add3A_1055, %gather3A_1078 : vector<16xf32>
          %jit3A_1080 = arith.constant 2 : i32
          %eq3A_1081 = arith.constant 0 : i32
          %eq3A_1082 = arith.cmpi eq, %jit3A_1080, %eq3A_1081 : i32
          %jit3A_1083 = arith.constant 1 : i32
          %select_n3A_1084 = arith.select %eq3A_1082, %jit3A_1083, %jit3A_1080 : i32
          %rem3A_1085 = arith.remsi %scan3A_165, %select_n3A_1084 : i32
          %ne3A_1086 = arith.constant 0 : i32
          %ne3A_1087 = arith.cmpi ne, %rem3A_1085, %ne3A_1086 : i32
          %lt3A_1088 = arith.constant 0 : i32
          %lt3A_1089 = arith.cmpi slt, %rem3A_1085, %lt3A_1088 : i32
          %lt3A_1090 = arith.constant 0 : i32
          %lt3A_1091 = arith.cmpi slt, %select_n3A_1084, %lt3A_1090 : i32
          %ne3A_1092 = arith.xori %lt3A_1089, %lt3A_1091 : i1
          %and3A_1093 = arith.andi %ne3A_1092, %ne3A_1087 : i1
          %add3A_1094 = arith.addi %rem3A_1085, %select_n3A_1084 : i32
          %select_n3A_1095 = arith.select %and3A_1093, %add3A_1094, %rem3A_1085 : i32
          %broadcast_in_dim3A_1096 = arith.constant 443 : i32
          %broadcast_in_dim3A_1097 = vector.broadcast %broadcast_in_dim3A_1096 : i32 to vector<16xi32>
          %gather3A_1098 = arith.constant 0 : i32
          %gather3A_1099 = arith.constant 0 : i32
          %gather3A_1100 = tpu.memref_slice %arg4[%select_n3A_1095, %gather3A_1098, %gather3A_1099] : memref<2x112x512xf32, #tpu.memory_space<vmem>> -> memref<1x112x512xf32, #tpu.memory_space<vmem>>
          %gather3A_1101 = tpu.memref_squeeze %gather3A_1100 : memref<1x112x512xf32, #tpu.memory_space<vmem>> -> memref<112x512xf32, #tpu.memory_space<vmem>>
          %gather3A_1102 = tpu.vector_load_idx %gather3A_1101[%add3A_818, %broadcast_in_dim3A_1097] : memref<112x512xf32, #tpu.memory_space<vmem>>[vector<16xi32>, vector<16xi32>], vector<16xf32>,
          %add3A_1103 = arith.addf %add3A_1079, %gather3A_1102 : vector<16xf32>
          %jit3A_1104 = arith.constant 2 : i32
          %eq3A_1105 = arith.constant 0 : i32
          %eq3A_1106 = arith.cmpi eq, %jit3A_1104, %eq3A_1105 : i32
          %jit3A_1107 = arith.constant 1 : i32
          %select_n3A_1108 = arith.select %eq3A_1106, %jit3A_1107, %jit3A_1104 : i32
          %rem3A_1109 = arith.remsi %scan3A_165, %select_n3A_1108 : i32
          %ne3A_1110 = arith.constant 0 : i32
          %ne3A_1111 = arith.cmpi ne, %rem3A_1109, %ne3A_1110 : i32
          %lt3A_1112 = arith.constant 0 : i32
          %lt3A_1113 = arith.cmpi slt, %rem3A_1109, %lt3A_1112 : i32
          %lt3A_1114 = arith.constant 0 : i32
          %lt3A_1115 = arith.cmpi slt, %select_n3A_1108, %lt3A_1114 : i32
          %ne3A_1116 = arith.xori %lt3A_1113, %lt3A_1115 : i1
          %and3A_1117 = arith.andi %ne3A_1116, %ne3A_1111 : i1
          %add3A_1118 = arith.addi %rem3A_1109, %select_n3A_1108 : i32
          %select_n3A_1119 = arith.select %and3A_1117, %add3A_1118, %rem3A_1109 : i32
          %broadcast_in_dim3A_1120 = arith.constant 444 : i32
          %broadcast_in_dim3A_1121 = vector.broadcast %broadcast_in_dim3A_1120 : i32 to vector<16xi32>
          %gather3A_1122 = arith.constant 0 : i32
          %gather3A_1123 = arith.constant 0 : i32
          %gather3A_1124 = tpu.memref_slice %arg4[%select_n3A_1119, %gather3A_1122, %gather3A_1123] : memref<2x112x512xf32, #tpu.memory_space<vmem>> -> memref<1x112x512xf32, #tpu.memory_space<vmem>>
          %gather3A_1125 = tpu.memref_squeeze %gather3A_1124 : memref<1x112x512xf32, #tpu.memory_space<vmem>> -> memref<112x512xf32, #tpu.memory_space<vmem>>
          %gather3A_1126 = tpu.vector_load_idx %gather3A_1125[%add3A_818, %broadcast_in_dim3A_1121] : memref<112x512xf32, #tpu.memory_space<vmem>>[vector<16xi32>, vector<16xi32>], vector<16xf32>,
          %add3A_1127 = arith.addf %add3A_1103, %gather3A_1126 : vector<16xf32>
          %jit3A_1128 = arith.constant 2 : i32
          %eq3A_1129 = arith.constant 0 : i32
          %eq3A_1130 = arith.cmpi eq, %jit3A_1128, %eq3A_1129 : i32
          %jit3A_1131 = arith.constant 1 : i32
          %select_n3A_1132 = arith.select %eq3A_1130, %jit3A_1131, %jit3A_1128 : i32
          %rem3A_1133 = arith.remsi %scan3A_165, %select_n3A_1132 : i32
          %ne3A_1134 = arith.constant 0 : i32
          %ne3A_1135 = arith.cmpi ne, %rem3A_1133, %ne3A_1134 : i32
          %lt3A_1136 = arith.constant 0 : i32
          %lt3A_1137 = arith.cmpi slt, %rem3A_1133, %lt3A_1136 : i32
          %lt3A_1138 = arith.constant 0 : i32
          %lt3A_1139 = arith.cmpi slt, %select_n3A_1132, %lt3A_1138 : i32
          %ne3A_1140 = arith.xori %lt3A_1137, %lt3A_1139 : i1
          %and3A_1141 = arith.andi %ne3A_1140, %ne3A_1135 : i1
          %add3A_1142 = arith.addi %rem3A_1133, %select_n3A_1132 : i32
          %select_n3A_1143 = arith.select %and3A_1141, %add3A_1142, %rem3A_1133 : i32
          %broadcast_in_dim3A_1144 = arith.constant 445 : i32
          %broadcast_in_dim3A_1145 = vector.broadcast %broadcast_in_dim3A_1144 : i32 to vector<16xi32>
          %gather3A_1146 = arith.constant 0 : i32
          %gather3A_1147 = arith.constant 0 : i32
          %gather3A_1148 = tpu.memref_slice %arg4[%select_n3A_1143, %gather3A_1146, %gather3A_1147] : memref<2x112x512xf32, #tpu.memory_space<vmem>> -> memref<1x112x512xf32, #tpu.memory_space<vmem>>
          %gather3A_1149 = tpu.memref_squeeze %gather3A_1148 : memref<1x112x512xf32, #tpu.memory_space<vmem>> -> memref<112x512xf32, #tpu.memory_space<vmem>>
          %gather3A_1150 = tpu.vector_load_idx %gather3A_1149[%add3A_818, %broadcast_in_dim3A_1145] : memref<112x512xf32, #tpu.memory_space<vmem>>[vector<16xi32>, vector<16xi32>], vector<16xf32>,
          %add3A_1151 = arith.addf %add3A_1127, %gather3A_1150 : vector<16xf32>
          %jit3A_1152 = arith.constant 2 : i32
          %eq3A_1153 = arith.constant 0 : i32
          %eq3A_1154 = arith.cmpi eq, %jit3A_1152, %eq3A_1153 : i32
          %jit3A_1155 = arith.constant 1 : i32
          %select_n3A_1156 = arith.select %eq3A_1154, %jit3A_1155, %jit3A_1152 : i32
          %rem3A_1157 = arith.remsi %scan3A_165, %select_n3A_1156 : i32
          %ne3A_1158 = arith.constant 0 : i32
          %ne3A_1159 = arith.cmpi ne, %rem3A_1157, %ne3A_1158 : i32
          %lt3A_1160 = arith.constant 0 : i32
          %lt3A_1161 = arith.cmpi slt, %rem3A_1157, %lt3A_1160 : i32
          %lt3A_1162 = arith.constant 0 : i32
          %lt3A_1163 = arith.cmpi slt, %select_n3A_1156, %lt3A_1162 : i32
          %ne3A_1164 = arith.xori %lt3A_1161, %lt3A_1163 : i1
          %and3A_1165 = arith.andi %ne3A_1164, %ne3A_1159 : i1
          %add3A_1166 = arith.addi %rem3A_1157, %select_n3A_1156 : i32
          %select_n3A_1167 = arith.select %and3A_1165, %add3A_1166, %rem3A_1157 : i32
          %broadcast_in_dim3A_1168 = arith.constant 446 : i32
          %broadcast_in_dim3A_1169 = vector.broadcast %broadcast_in_dim3A_1168 : i32 to vector<16xi32>
          %gather3A_1170 = arith.constant 0 : i32
          %gather3A_1171 = arith.constant 0 : i32
          %gather3A_1172 = tpu.memref_slice %arg4[%select_n3A_1167, %gather3A_1170, %gather3A_1171] : memref<2x112x512xf32, #tpu.memory_space<vmem>> -> memref<1x112x512xf32, #tpu.memory_space<vmem>>
          %gather3A_1173 = tpu.memref_squeeze %gather3A_1172 : memref<1x112x512xf32, #tpu.memory_space<vmem>> -> memref<112x512xf32, #tpu.memory_space<vmem>>
          %gather3A_1174 = tpu.vector_load_idx %gather3A_1173[%add3A_818, %broadcast_in_dim3A_1169] : memref<112x512xf32, #tpu.memory_space<vmem>>[vector<16xi32>, vector<16xi32>], vector<16xf32>,
          %add3A_1175 = arith.addf %add3A_1151, %gather3A_1174 : vector<16xf32>
          %jit3A_1176 = arith.constant 2 : i32
          %eq3A_1177 = arith.constant 0 : i32
          %eq3A_1178 = arith.cmpi eq, %jit3A_1176, %eq3A_1177 : i32
          %jit3A_1179 = arith.constant 1 : i32
          %select_n3A_1180 = arith.select %eq3A_1178, %jit3A_1179, %jit3A_1176 : i32
          %rem3A_1181 = arith.remsi %scan3A_165, %select_n3A_1180 : i32
          %ne3A_1182 = arith.constant 0 : i32
          %ne3A_1183 = arith.cmpi ne, %rem3A_1181, %ne3A_1182 : i32
          %lt3A_1184 = arith.constant 0 : i32
          %lt3A_1185 = arith.cmpi slt, %rem3A_1181, %lt3A_1184 : i32
          %lt3A_1186 = arith.constant 0 : i32
          %lt3A_1187 = arith.cmpi slt, %select_n3A_1180, %lt3A_1186 : i32
          %ne3A_1188 = arith.xori %lt3A_1185, %lt3A_1187 : i1
          %and3A_1189 = arith.andi %ne3A_1188, %ne3A_1183 : i1
          %add3A_1190 = arith.addi %rem3A_1181, %select_n3A_1180 : i32
          %select_n3A_1191 = arith.select %and3A_1189, %add3A_1190, %rem3A_1181 : i32
          %broadcast_in_dim3A_1192 = arith.constant 447 : i32
          %broadcast_in_dim3A_1193 = vector.broadcast %broadcast_in_dim3A_1192 : i32 to vector<16xi32>
          %gather3A_1194 = arith.constant 0 : i32
          %gather3A_1195 = arith.constant 0 : i32
          %gather3A_1196 = tpu.memref_slice %arg4[%select_n3A_1191, %gather3A_1194, %gather3A_1195] : memref<2x112x512xf32, #tpu.memory_space<vmem>> -> memref<1x112x512xf32, #tpu.memory_space<vmem>>
          %gather3A_1197 = tpu.memref_squeeze %gather3A_1196 : memref<1x112x512xf32, #tpu.memory_space<vmem>> -> memref<112x512xf32, #tpu.memory_space<vmem>>
          %gather3A_1198 = tpu.vector_load_idx %gather3A_1197[%add3A_818, %broadcast_in_dim3A_1193] : memref<112x512xf32, #tpu.memory_space<vmem>>[vector<16xi32>, vector<16xi32>], vector<16xf32>,
          %add3A_1199 = arith.addf %add3A_1175, %gather3A_1198 : vector<16xf32>
          %jit3A_1200 = arith.constant 2 : i32
          %eq3A_1201 = arith.constant 0 : i32
          %eq3A_1202 = arith.cmpi eq, %jit3A_1200, %eq3A_1201 : i32
          %jit3A_1203 = arith.constant 1 : i32
          %select_n3A_1204 = arith.select %eq3A_1202, %jit3A_1203, %jit3A_1200 : i32
          %rem3A_1205 = arith.remsi %scan3A_165, %select_n3A_1204 : i32
          %ne3A_1206 = arith.constant 0 : i32
          %ne3A_1207 = arith.cmpi ne, %rem3A_1205, %ne3A_1206 : i32
          %lt3A_1208 = arith.constant 0 : i32
          %lt3A_1209 = arith.cmpi slt, %rem3A_1205, %lt3A_1208 : i32
          %lt3A_1210 = arith.constant 0 : i32
          %lt3A_1211 = arith.cmpi slt, %select_n3A_1204, %lt3A_1210 : i32
          %ne3A_1212 = arith.xori %lt3A_1209, %lt3A_1211 : i1
          %and3A_1213 = arith.andi %ne3A_1212, %ne3A_1207 : i1
          %add3A_1214 = arith.addi %rem3A_1205, %select_n3A_1204 : i32
          %select_n3A_1215 = arith.select %and3A_1213, %add3A_1214, %rem3A_1205 : i32
          %broadcast_in_dim3A_1216 = arith.constant 448 : i32
          %broadcast_in_dim3A_1217 = vector.broadcast %broadcast_in_dim3A_1216 : i32 to vector<16xi32>
          %gather3A_1218 = arith.constant 0 : i32
          %gather3A_1219 = arith.constant 0 : i32
          %gather3A_1220 = tpu.memref_slice %arg4[%select_n3A_1215, %gather3A_1218, %gather3A_1219] : memref<2x112x512xf32, #tpu.memory_space<vmem>> -> memref<1x112x512xf32, #tpu.memory_space<vmem>>
          %gather3A_1221 = tpu.memref_squeeze %gather3A_1220 : memref<1x112x512xf32, #tpu.memory_space<vmem>> -> memref<112x512xf32, #tpu.memory_space<vmem>>
          %gather3A_1222 = tpu.vector_load_idx %gather3A_1221[%add3A_818, %broadcast_in_dim3A_1217] : memref<112x512xf32, #tpu.memory_space<vmem>>[vector<16xi32>, vector<16xi32>], vector<16xf32>,
          %add3A_1223 = arith.addf %add3A_1199, %gather3A_1222 : vector<16xf32>
          %jit3A_1224 = arith.constant 2 : i32
          %eq3A_1225 = arith.constant 0 : i32
          %eq3A_1226 = arith.cmpi eq, %jit3A_1224, %eq3A_1225 : i32
          %jit3A_1227 = arith.constant 1 : i32
          %select_n3A_1228 = arith.select %eq3A_1226, %jit3A_1227, %jit3A_1224 : i32
          %rem3A_1229 = arith.remsi %scan3A_165, %select_n3A_1228 : i32
          %ne3A_1230 = arith.constant 0 : i32
          %ne3A_1231 = arith.cmpi ne, %rem3A_1229, %ne3A_1230 : i32
          %lt3A_1232 = arith.constant 0 : i32
          %lt3A_1233 = arith.cmpi slt, %rem3A_1229, %lt3A_1232 : i32
          %lt3A_1234 = arith.constant 0 : i32
          %lt3A_1235 = arith.cmpi slt, %select_n3A_1228, %lt3A_1234 : i32
          %ne3A_1236 = arith.xori %lt3A_1233, %lt3A_1235 : i1
          %and3A_1237 = arith.andi %ne3A_1236, %ne3A_1231 : i1
          %add3A_1238 = arith.addi %rem3A_1229, %select_n3A_1228 : i32
          %select_n3A_1239 = arith.select %and3A_1237, %add3A_1238, %rem3A_1229 : i32
          %broadcast_in_dim3A_1240 = arith.constant 449 : i32
          %broadcast_in_dim3A_1241 = vector.broadcast %broadcast_in_dim3A_1240 : i32 to vector<16xi32>
          %gather3A_1242 = arith.constant 0 : i32
          %gather3A_1243 = arith.constant 0 : i32
          %gather3A_1244 = tpu.memref_slice %arg4[%select_n3A_1239, %gather3A_1242, %gather3A_1243] : memref<2x112x512xf32, #tpu.memory_space<vmem>> -> memref<1x112x512xf32, #tpu.memory_space<vmem>>
          %gather3A_1245 = tpu.memref_squeeze %gather3A_1244 : memref<1x112x512xf32, #tpu.memory_space<vmem>> -> memref<112x512xf32, #tpu.memory_space<vmem>>
          %gather3A_1246 = tpu.vector_load_idx %gather3A_1245[%add3A_818, %broadcast_in_dim3A_1241] : memref<112x512xf32, #tpu.memory_space<vmem>>[vector<16xi32>, vector<16xi32>], vector<16xf32>,
          %add3A_1247 = arith.addf %add3A_1223, %gather3A_1246 : vector<16xf32>
          %jit3A_1248 = arith.constant 2 : i32
          %eq3A_1249 = arith.constant 0 : i32
          %eq3A_1250 = arith.cmpi eq, %jit3A_1248, %eq3A_1249 : i32
          %jit3A_1251 = arith.constant 1 : i32
          %select_n3A_1252 = arith.select %eq3A_1250, %jit3A_1251, %jit3A_1248 : i32
          %rem3A_1253 = arith.remsi %scan3A_165, %select_n3A_1252 : i32
          %ne3A_1254 = arith.constant 0 : i32
          %ne3A_1255 = arith.cmpi ne, %rem3A_1253, %ne3A_1254 : i32
          %lt3A_1256 = arith.constant 0 : i32
          %lt3A_1257 = arith.cmpi slt, %rem3A_1253, %lt3A_1256 : i32
          %lt3A_1258 = arith.constant 0 : i32
          %lt3A_1259 = arith.cmpi slt, %select_n3A_1252, %lt3A_1258 : i32
          %ne3A_1260 = arith.xori %lt3A_1257, %lt3A_1259 : i1
          %and3A_1261 = arith.andi %ne3A_1260, %ne3A_1255 : i1
          %add3A_1262 = arith.addi %rem3A_1253, %select_n3A_1252 : i32
          %select_n3A_1263 = arith.select %and3A_1261, %add3A_1262, %rem3A_1253 : i32
          %broadcast_in_dim3A_1264 = arith.constant 450 : i32
          %broadcast_in_dim3A_1265 = vector.broadcast %broadcast_in_dim3A_1264 : i32 to vector<16xi32>
          %gather3A_1266 = arith.constant 0 : i32
          %gather3A_1267 = arith.constant 0 : i32
          %gather3A_1268 = tpu.memref_slice %arg4[%select_n3A_1263, %gather3A_1266, %gather3A_1267] : memref<2x112x512xf32, #tpu.memory_space<vmem>> -> memref<1x112x512xf32, #tpu.memory_space<vmem>>
          %gather3A_1269 = tpu.memref_squeeze %gather3A_1268 : memref<1x112x512xf32, #tpu.memory_space<vmem>> -> memref<112x512xf32, #tpu.memory_space<vmem>>
          %gather3A_1270 = tpu.vector_load_idx %gather3A_1269[%add3A_818, %broadcast_in_dim3A_1265] : memref<112x512xf32, #tpu.memory_space<vmem>>[vector<16xi32>, vector<16xi32>], vector<16xf32>,
          %add3A_1271 = arith.addf %add3A_1247, %gather3A_1270 : vector<16xf32>
          %jit3A_1272 = arith.constant 2 : i32
          %eq3A_1273 = arith.constant 0 : i32
          %eq3A_1274 = arith.cmpi eq, %jit3A_1272, %eq3A_1273 : i32
          %jit3A_1275 = arith.constant 1 : i32
          %select_n3A_1276 = arith.select %eq3A_1274, %jit3A_1275, %jit3A_1272 : i32
          %rem3A_1277 = arith.remsi %scan3A_165, %select_n3A_1276 : i32
          %ne3A_1278 = arith.constant 0 : i32
          %ne3A_1279 = arith.cmpi ne, %rem3A_1277, %ne3A_1278 : i32
          %lt3A_1280 = arith.constant 0 : i32
          %lt3A_1281 = arith.cmpi slt, %rem3A_1277, %lt3A_1280 : i32
          %lt3A_1282 = arith.constant 0 : i32
          %lt3A_1283 = arith.cmpi slt, %select_n3A_1276, %lt3A_1282 : i32
          %ne3A_1284 = arith.xori %lt3A_1281, %lt3A_1283 : i1
          %and3A_1285 = arith.andi %ne3A_1284, %ne3A_1279 : i1
          %add3A_1286 = arith.addi %rem3A_1277, %select_n3A_1276 : i32
          %select_n3A_1287 = arith.select %and3A_1285, %add3A_1286, %rem3A_1277 : i32
          %broadcast_in_dim3A_1288 = arith.constant 451 : i32
          %broadcast_in_dim3A_1289 = vector.broadcast %broadcast_in_dim3A_1288 : i32 to vector<16xi32>
          %gather3A_1290 = arith.constant 0 : i32
          %gather3A_1291 = arith.constant 0 : i32
          %gather3A_1292 = tpu.memref_slice %arg4[%select_n3A_1287, %gather3A_1290, %gather3A_1291] : memref<2x112x512xf32, #tpu.memory_space<vmem>> -> memref<1x112x512xf32, #tpu.memory_space<vmem>>
          %gather3A_1293 = tpu.memref_squeeze %gather3A_1292 : memref<1x112x512xf32, #tpu.memory_space<vmem>> -> memref<112x512xf32, #tpu.memory_space<vmem>>
          %gather3A_1294 = tpu.vector_load_idx %gather3A_1293[%add3A_818, %broadcast_in_dim3A_1289] : memref<112x512xf32, #tpu.memory_space<vmem>>[vector<16xi32>, vector<16xi32>], vector<16xf32>,
          %add3A_1295 = arith.addf %add3A_1271, %gather3A_1294 : vector<16xf32>
          %mul3A_1296 = vector.broadcast %scan3A_59 : f32 to vector<16xf32>
          %mul3A_1297 = arith.mulf %add3A_1295, %mul3A_1296 : vector<16xf32>
          %mul3A_1298 = arith.constant 112 : i32
          %mul3A_1299 = arith.muli %select_n3A_291, %mul3A_1298 : i32
          %mul3A_1300 = arith.constant 16 : i32
          %mul3A_1301 = arith.muli %scan3A_814, %mul3A_1300 : i32
          %add3A_1302 = arith.addi %mul3A_1299, %mul3A_1301 : i32
          %swap3A = arith.constant 0 : i32
          %swap3A_1303 = arith.index_cast %select_n3A_189 : i32 to index
          %swap3A_1304 = arith.index_cast %swap3A : i32 to index
          %swap3A_1305 = arith.index_cast %select_n3A_275 : i32 to index
          %swap3A_1306 = arith.index_cast %add3A_1302 : i32 to index
          %swap3A_1307 = tpu.vector_load %arg5[%swap3A_1303, %swap3A_1304, %swap3A_1305, %swap3A_1306] {strides = array<i32>} : memref<2x3x8x224xf32, #tpu.memory_space<vmem>>, vector<16xf32>,
          tpu.vector_store %arg5[%swap3A_1303, %swap3A_1304, %swap3A_1305, %swap3A_1306], %mul3A_1297 {strides = array<i32>} : memref<2x3x8x224xf32, #tpu.memory_space<vmem>>, vector<16xf32>,
          %jit3A_1308 = arith.constant 2 : i32
          %eq3A_1309 = arith.constant 0 : i32
          %eq3A_1310 = arith.cmpi eq, %jit3A_1308, %eq3A_1309 : i32
          %jit3A_1311 = arith.constant 1 : i32
          %select_n3A_1312 = arith.select %eq3A_1310, %jit3A_1311, %jit3A_1308 : i32
          %rem3A_1313 = arith.remsi %scan3A_165, %select_n3A_1312 : i32
          %ne3A_1314 = arith.constant 0 : i32
          %ne3A_1315 = arith.cmpi ne, %rem3A_1313, %ne3A_1314 : i32
          %lt3A_1316 = arith.constant 0 : i32
          %lt3A_1317 = arith.cmpi slt, %rem3A_1313, %lt3A_1316 : i32
          %lt3A_1318 = arith.constant 0 : i32
          %lt3A_1319 = arith.cmpi slt, %select_n3A_1312, %lt3A_1318 : i32
          %ne3A_1320 = arith.xori %lt3A_1317, %lt3A_1319 : i1
          %and3A_1321 = arith.andi %ne3A_1320, %ne3A_1315 : i1
          %add3A_1322 = arith.addi %rem3A_1313, %select_n3A_1312 : i32
          %select_n3A_1323 = arith.select %and3A_1321, %add3A_1322, %rem3A_1313 : i32
          %broadcast_in_dim3A_1324 = arith.constant 350 : i32
          %broadcast_in_dim3A_1325 = vector.broadcast %broadcast_in_dim3A_1324 : i32 to vector<16xi32>
          %gather3A_1326 = arith.constant 0 : i32
          %gather3A_1327 = arith.constant 0 : i32
          %gather3A_1328 = tpu.memref_slice %arg4[%select_n3A_1323, %gather3A_1326, %gather3A_1327] : memref<2x112x512xf32, #tpu.memory_space<vmem>> -> memref<1x112x512xf32, #tpu.memory_space<vmem>>
          %gather3A_1329 = tpu.memref_squeeze %gather3A_1328 : memref<1x112x512xf32, #tpu.memory_space<vmem>> -> memref<112x512xf32, #tpu.memory_space<vmem>>
          %gather3A_1330 = tpu.vector_load_idx %gather3A_1329[%add3A_818, %broadcast_in_dim3A_1325] : memref<112x512xf32, #tpu.memory_space<vmem>>[vector<16xi32>, vector<16xi32>], vector<16xf32>,
          %jit3A_1331 = arith.constant 2 : i32
          %eq3A_1332 = arith.constant 0 : i32
          %eq3A_1333 = arith.cmpi eq, %jit3A_1331, %eq3A_1332 : i32
          %jit3A_1334 = arith.constant 1 : i32
          %select_n3A_1335 = arith.select %eq3A_1333, %jit3A_1334, %jit3A_1331 : i32
          %rem3A_1336 = arith.remsi %scan3A_165, %select_n3A_1335 : i32
          %ne3A_1337 = arith.constant 0 : i32
          %ne3A_1338 = arith.cmpi ne, %rem3A_1336, %ne3A_1337 : i32
          %lt3A_1339 = arith.constant 0 : i32
          %lt3A_1340 = arith.cmpi slt, %rem3A_1336, %lt3A_1339 : i32
          %lt3A_1341 = arith.constant 0 : i32
          %lt3A_1342 = arith.cmpi slt, %select_n3A_1335, %lt3A_1341 : i32
          %ne3A_1343 = arith.xori %lt3A_1340, %lt3A_1342 : i1
          %and3A_1344 = arith.andi %ne3A_1343, %ne3A_1338 : i1
          %add3A_1345 = arith.addi %rem3A_1336, %select_n3A_1335 : i32
          %select_n3A_1346 = arith.select %and3A_1344, %add3A_1345, %rem3A_1336 : i32
          %broadcast_in_dim3A_1347 = arith.constant 351 : i32
          %broadcast_in_dim3A_1348 = vector.broadcast %broadcast_in_dim3A_1347 : i32 to vector<16xi32>
          %gather3A_1349 = arith.constant 0 : i32
          %gather3A_1350 = arith.constant 0 : i32
          %gather3A_1351 = tpu.memref_slice %arg4[%select_n3A_1346, %gather3A_1349, %gather3A_1350] : memref<2x112x512xf32, #tpu.memory_space<vmem>> -> memref<1x112x512xf32, #tpu.memory_space<vmem>>
          %gather3A_1352 = tpu.memref_squeeze %gather3A_1351 : memref<1x112x512xf32, #tpu.memory_space<vmem>> -> memref<112x512xf32, #tpu.memory_space<vmem>>
          %gather3A_1353 = tpu.vector_load_idx %gather3A_1352[%add3A_818, %broadcast_in_dim3A_1348] : memref<112x512xf32, #tpu.memory_space<vmem>>[vector<16xi32>, vector<16xi32>], vector<16xf32>,
          %add3A_1354 = arith.addf %gather3A_1330, %gather3A_1353 : vector<16xf32>
          %jit3A_1355 = arith.constant 2 : i32
          %eq3A_1356 = arith.constant 0 : i32
          %eq3A_1357 = arith.cmpi eq, %jit3A_1355, %eq3A_1356 : i32
          %jit3A_1358 = arith.constant 1 : i32
          %select_n3A_1359 = arith.select %eq3A_1357, %jit3A_1358, %jit3A_1355 : i32
          %rem3A_1360 = arith.remsi %scan3A_165, %select_n3A_1359 : i32
          %ne3A_1361 = arith.constant 0 : i32
          %ne3A_1362 = arith.cmpi ne, %rem3A_1360, %ne3A_1361 : i32
          %lt3A_1363 = arith.constant 0 : i32
          %lt3A_1364 = arith.cmpi slt, %rem3A_1360, %lt3A_1363 : i32
          %lt3A_1365 = arith.constant 0 : i32
          %lt3A_1366 = arith.cmpi slt, %select_n3A_1359, %lt3A_1365 : i32
          %ne3A_1367 = arith.xori %lt3A_1364, %lt3A_1366 : i1
          %and3A_1368 = arith.andi %ne3A_1367, %ne3A_1362 : i1
          %add3A_1369 = arith.addi %rem3A_1360, %select_n3A_1359 : i32
          %select_n3A_1370 = arith.select %and3A_1368, %add3A_1369, %rem3A_1360 : i32
          %broadcast_in_dim3A_1371 = arith.constant 352 : i32
          %broadcast_in_dim3A_1372 = vector.broadcast %broadcast_in_dim3A_1371 : i32 to vector<16xi32>
          %gather3A_1373 = arith.constant 0 : i32
          %gather3A_1374 = arith.constant 0 : i32
          %gather3A_1375 = tpu.memref_slice %arg4[%select_n3A_1370, %gather3A_1373, %gather3A_1374] : memref<2x112x512xf32, #tpu.memory_space<vmem>> -> memref<1x112x512xf32, #tpu.memory_space<vmem>>
          %gather3A_1376 = tpu.memref_squeeze %gather3A_1375 : memref<1x112x512xf32, #tpu.memory_space<vmem>> -> memref<112x512xf32, #tpu.memory_space<vmem>>
          %gather3A_1377 = tpu.vector_load_idx %gather3A_1376[%add3A_818, %broadcast_in_dim3A_1372] : memref<112x512xf32, #tpu.memory_space<vmem>>[vector<16xi32>, vector<16xi32>], vector<16xf32>,
          %add3A_1378 = arith.addf %add3A_1354, %gather3A_1377 : vector<16xf32>
          %jit3A_1379 = arith.constant 2 : i32
          %eq3A_1380 = arith.constant 0 : i32
          %eq3A_1381 = arith.cmpi eq, %jit3A_1379, %eq3A_1380 : i32
          %jit3A_1382 = arith.constant 1 : i32
          %select_n3A_1383 = arith.select %eq3A_1381, %jit3A_1382, %jit3A_1379 : i32
          %rem3A_1384 = arith.remsi %scan3A_165, %select_n3A_1383 : i32
          %ne3A_1385 = arith.constant 0 : i32
          %ne3A_1386 = arith.cmpi ne, %rem3A_1384, %ne3A_1385 : i32
          %lt3A_1387 = arith.constant 0 : i32
          %lt3A_1388 = arith.cmpi slt, %rem3A_1384, %lt3A_1387 : i32
          %lt3A_1389 = arith.constant 0 : i32
          %lt3A_1390 = arith.cmpi slt, %select_n3A_1383, %lt3A_1389 : i32
          %ne3A_1391 = arith.xori %lt3A_1388, %lt3A_1390 : i1
          %and3A_1392 = arith.andi %ne3A_1391, %ne3A_1386 : i1
          %add3A_1393 = arith.addi %rem3A_1384, %select_n3A_1383 : i32
          %select_n3A_1394 = arith.select %and3A_1392, %add3A_1393, %rem3A_1384 : i32
          %broadcast_in_dim3A_1395 = arith.constant 353 : i32
          %broadcast_in_dim3A_1396 = vector.broadcast %broadcast_in_dim3A_1395 : i32 to vector<16xi32>
          %gather3A_1397 = arith.constant 0 : i32
          %gather3A_1398 = arith.constant 0 : i32
          %gather3A_1399 = tpu.memref_slice %arg4[%select_n3A_1394, %gather3A_1397, %gather3A_1398] : memref<2x112x512xf32, #tpu.memory_space<vmem>> -> memref<1x112x512xf32, #tpu.memory_space<vmem>>
          %gather3A_1400 = tpu.memref_squeeze %gather3A_1399 : memref<1x112x512xf32, #tpu.memory_space<vmem>> -> memref<112x512xf32, #tpu.memory_space<vmem>>
          %gather3A_1401 = tpu.vector_load_idx %gather3A_1400[%add3A_818, %broadcast_in_dim3A_1396] : memref<112x512xf32, #tpu.memory_space<vmem>>[vector<16xi32>, vector<16xi32>], vector<16xf32>,
          %add3A_1402 = arith.addf %add3A_1378, %gather3A_1401 : vector<16xf32>
          %jit3A_1403 = arith.constant 2 : i32
          %eq3A_1404 = arith.constant 0 : i32
          %eq3A_1405 = arith.cmpi eq, %jit3A_1403, %eq3A_1404 : i32
          %jit3A_1406 = arith.constant 1 : i32
          %select_n3A_1407 = arith.select %eq3A_1405, %jit3A_1406, %jit3A_1403 : i32
          %rem3A_1408 = arith.remsi %scan3A_165, %select_n3A_1407 : i32
          %ne3A_1409 = arith.constant 0 : i32
          %ne3A_1410 = arith.cmpi ne, %rem3A_1408, %ne3A_1409 : i32
          %lt3A_1411 = arith.constant 0 : i32
          %lt3A_1412 = arith.cmpi slt, %rem3A_1408, %lt3A_1411 : i32
          %lt3A_1413 = arith.constant 0 : i32
          %lt3A_1414 = arith.cmpi slt, %select_n3A_1407, %lt3A_1413 : i32
          %ne3A_1415 = arith.xori %lt3A_1412, %lt3A_1414 : i1
          %and3A_1416 = arith.andi %ne3A_1415, %ne3A_1410 : i1
          %add3A_1417 = arith.addi %rem3A_1408, %select_n3A_1407 : i32
          %select_n3A_1418 = arith.select %and3A_1416, %add3A_1417, %rem3A_1408 : i32
          %broadcast_in_dim3A_1419 = arith.constant 354 : i32
          %broadcast_in_dim3A_1420 = vector.broadcast %broadcast_in_dim3A_1419 : i32 to vector<16xi32>
          %gather3A_1421 = arith.constant 0 : i32
          %gather3A_1422 = arith.constant 0 : i32
          %gather3A_1423 = tpu.memref_slice %arg4[%select_n3A_1418, %gather3A_1421, %gather3A_1422] : memref<2x112x512xf32, #tpu.memory_space<vmem>> -> memref<1x112x512xf32, #tpu.memory_space<vmem>>
          %gather3A_1424 = tpu.memref_squeeze %gather3A_1423 : memref<1x112x512xf32, #tpu.memory_space<vmem>> -> memref<112x512xf32, #tpu.memory_space<vmem>>
          %gather3A_1425 = tpu.vector_load_idx %gather3A_1424[%add3A_818, %broadcast_in_dim3A_1420] : memref<112x512xf32, #tpu.memory_space<vmem>>[vector<16xi32>, vector<16xi32>], vector<16xf32>,
          %add3A_1426 = arith.addf %add3A_1402, %gather3A_1425 : vector<16xf32>
          %jit3A_1427 = arith.constant 2 : i32
          %eq3A_1428 = arith.constant 0 : i32
          %eq3A_1429 = arith.cmpi eq, %jit3A_1427, %eq3A_1428 : i32
          %jit3A_1430 = arith.constant 1 : i32
          %select_n3A_1431 = arith.select %eq3A_1429, %jit3A_1430, %jit3A_1427 : i32
          %rem3A_1432 = arith.remsi %scan3A_165, %select_n3A_1431 : i32
          %ne3A_1433 = arith.constant 0 : i32
          %ne3A_1434 = arith.cmpi ne, %rem3A_1432, %ne3A_1433 : i32
          %lt3A_1435 = arith.constant 0 : i32
          %lt3A_1436 = arith.cmpi slt, %rem3A_1432, %lt3A_1435 : i32
          %lt3A_1437 = arith.constant 0 : i32
          %lt3A_1438 = arith.cmpi slt, %select_n3A_1431, %lt3A_1437 : i32
          %ne3A_1439 = arith.xori %lt3A_1436, %lt3A_1438 : i1
          %and3A_1440 = arith.andi %ne3A_1439, %ne3A_1434 : i1
          %add3A_1441 = arith.addi %rem3A_1432, %select_n3A_1431 : i32
          %select_n3A_1442 = arith.select %and3A_1440, %add3A_1441, %rem3A_1432 : i32
          %broadcast_in_dim3A_1443 = arith.constant 355 : i32
          %broadcast_in_dim3A_1444 = vector.broadcast %broadcast_in_dim3A_1443 : i32 to vector<16xi32>
          %gather3A_1445 = arith.constant 0 : i32
          %gather3A_1446 = arith.constant 0 : i32
          %gather3A_1447 = tpu.memref_slice %arg4[%select_n3A_1442, %gather3A_1445, %gather3A_1446] : memref<2x112x512xf32, #tpu.memory_space<vmem>> -> memref<1x112x512xf32, #tpu.memory_space<vmem>>
          %gather3A_1448 = tpu.memref_squeeze %gather3A_1447 : memref<1x112x512xf32, #tpu.memory_space<vmem>> -> memref<112x512xf32, #tpu.memory_space<vmem>>
          %gather3A_1449 = tpu.vector_load_idx %gather3A_1448[%add3A_818, %broadcast_in_dim3A_1444] : memref<112x512xf32, #tpu.memory_space<vmem>>[vector<16xi32>, vector<16xi32>], vector<16xf32>,
          %add3A_1450 = arith.addf %add3A_1426, %gather3A_1449 : vector<16xf32>
          %jit3A_1451 = arith.constant 2 : i32
          %eq3A_1452 = arith.constant 0 : i32
          %eq3A_1453 = arith.cmpi eq, %jit3A_1451, %eq3A_1452 : i32
          %jit3A_1454 = arith.constant 1 : i32
          %select_n3A_1455 = arith.select %eq3A_1453, %jit3A_1454, %jit3A_1451 : i32
          %rem3A_1456 = arith.remsi %scan3A_165, %select_n3A_1455 : i32
          %ne3A_1457 = arith.constant 0 : i32
          %ne3A_1458 = arith.cmpi ne, %rem3A_1456, %ne3A_1457 : i32
          %lt3A_1459 = arith.constant 0 : i32
          %lt3A_1460 = arith.cmpi slt, %rem3A_1456, %lt3A_1459 : i32
          %lt3A_1461 = arith.constant 0 : i32
          %lt3A_1462 = arith.cmpi slt, %select_n3A_1455, %lt3A_1461 : i32
          %ne3A_1463 = arith.xori %lt3A_1460, %lt3A_1462 : i1
          %and3A_1464 = arith.andi %ne3A_1463, %ne3A_1458 : i1
          %add3A_1465 = arith.addi %rem3A_1456, %select_n3A_1455 : i32
          %select_n3A_1466 = arith.select %and3A_1464, %add3A_1465, %rem3A_1456 : i32
          %broadcast_in_dim3A_1467 = arith.constant 356 : i32
          %broadcast_in_dim3A_1468 = vector.broadcast %broadcast_in_dim3A_1467 : i32 to vector<16xi32>
          %gather3A_1469 = arith.constant 0 : i32
          %gather3A_1470 = arith.constant 0 : i32
          %gather3A_1471 = tpu.memref_slice %arg4[%select_n3A_1466, %gather3A_1469, %gather3A_1470] : memref<2x112x512xf32, #tpu.memory_space<vmem>> -> memref<1x112x512xf32, #tpu.memory_space<vmem>>
          %gather3A_1472 = tpu.memref_squeeze %gather3A_1471 : memref<1x112x512xf32, #tpu.memory_space<vmem>> -> memref<112x512xf32, #tpu.memory_space<vmem>>
          %gather3A_1473 = tpu.vector_load_idx %gather3A_1472[%add3A_818, %broadcast_in_dim3A_1468] : memref<112x512xf32, #tpu.memory_space<vmem>>[vector<16xi32>, vector<16xi32>], vector<16xf32>,
          %add3A_1474 = arith.addf %add3A_1450, %gather3A_1473 : vector<16xf32>
          %jit3A_1475 = arith.constant 2 : i32
          %eq3A_1476 = arith.constant 0 : i32
          %eq3A_1477 = arith.cmpi eq, %jit3A_1475, %eq3A_1476 : i32
          %jit3A_1478 = arith.constant 1 : i32
          %select_n3A_1479 = arith.select %eq3A_1477, %jit3A_1478, %jit3A_1475 : i32
          %rem3A_1480 = arith.remsi %scan3A_165, %select_n3A_1479 : i32
          %ne3A_1481 = arith.constant 0 : i32
          %ne3A_1482 = arith.cmpi ne, %rem3A_1480, %ne3A_1481 : i32
          %lt3A_1483 = arith.constant 0 : i32
          %lt3A_1484 = arith.cmpi slt, %rem3A_1480, %lt3A_1483 : i32
          %lt3A_1485 = arith.constant 0 : i32
          %lt3A_1486 = arith.cmpi slt, %select_n3A_1479, %lt3A_1485 : i32
          %ne3A_1487 = arith.xori %lt3A_1484, %lt3A_1486 : i1
          %and3A_1488 = arith.andi %ne3A_1487, %ne3A_1482 : i1
          %add3A_1489 = arith.addi %rem3A_1480, %select_n3A_1479 : i32
          %select_n3A_1490 = arith.select %and3A_1488, %add3A_1489, %rem3A_1480 : i32
          %broadcast_in_dim3A_1491 = arith.constant 357 : i32
          %broadcast_in_dim3A_1492 = vector.broadcast %broadcast_in_dim3A_1491 : i32 to vector<16xi32>
          %gather3A_1493 = arith.constant 0 : i32
          %gather3A_1494 = arith.constant 0 : i32
          %gather3A_1495 = tpu.memref_slice %arg4[%select_n3A_1490, %gather3A_1493, %gather3A_1494] : memref<2x112x512xf32, #tpu.memory_space<vmem>> -> memref<1x112x512xf32, #tpu.memory_space<vmem>>
          %gather3A_1496 = tpu.memref_squeeze %gather3A_1495 : memref<1x112x512xf32, #tpu.memory_space<vmem>> -> memref<112x512xf32, #tpu.memory_space<vmem>>
          %gather3A_1497 = tpu.vector_load_idx %gather3A_1496[%add3A_818, %broadcast_in_dim3A_1492] : memref<112x512xf32, #tpu.memory_space<vmem>>[vector<16xi32>, vector<16xi32>], vector<16xf32>,
          %add3A_1498 = arith.addf %add3A_1474, %gather3A_1497 : vector<16xf32>
          %jit3A_1499 = arith.constant 2 : i32
          %eq3A_1500 = arith.constant 0 : i32
          %eq3A_1501 = arith.cmpi eq, %jit3A_1499, %eq3A_1500 : i32
          %jit3A_1502 = arith.constant 1 : i32
          %select_n3A_1503 = arith.select %eq3A_1501, %jit3A_1502, %jit3A_1499 : i32
          %rem3A_1504 = arith.remsi %scan3A_165, %select_n3A_1503 : i32
          %ne3A_1505 = arith.constant 0 : i32
          %ne3A_1506 = arith.cmpi ne, %rem3A_1504, %ne3A_1505 : i32
          %lt3A_1507 = arith.constant 0 : i32
          %lt3A_1508 = arith.cmpi slt, %rem3A_1504, %lt3A_1507 : i32
          %lt3A_1509 = arith.constant 0 : i32
          %lt3A_1510 = arith.cmpi slt, %select_n3A_1503, %lt3A_1509 : i32
          %ne3A_1511 = arith.xori %lt3A_1508, %lt3A_1510 : i1
          %and3A_1512 = arith.andi %ne3A_1511, %ne3A_1506 : i1
          %add3A_1513 = arith.addi %rem3A_1504, %select_n3A_1503 : i32
          %select_n3A_1514 = arith.select %and3A_1512, %add3A_1513, %rem3A_1504 : i32
          %broadcast_in_dim3A_1515 = arith.constant 358 : i32
          %broadcast_in_dim3A_1516 = vector.broadcast %broadcast_in_dim3A_1515 : i32 to vector<16xi32>
          %gather3A_1517 = arith.constant 0 : i32
          %gather3A_1518 = arith.constant 0 : i32
          %gather3A_1519 = tpu.memref_slice %arg4[%select_n3A_1514, %gather3A_1517, %gather3A_1518] : memref<2x112x512xf32, #tpu.memory_space<vmem>> -> memref<1x112x512xf32, #tpu.memory_space<vmem>>
          %gather3A_1520 = tpu.memref_squeeze %gather3A_1519 : memref<1x112x512xf32, #tpu.memory_space<vmem>> -> memref<112x512xf32, #tpu.memory_space<vmem>>
          %gather3A_1521 = tpu.vector_load_idx %gather3A_1520[%add3A_818, %broadcast_in_dim3A_1516] : memref<112x512xf32, #tpu.memory_space<vmem>>[vector<16xi32>, vector<16xi32>], vector<16xf32>,
          %add3A_1522 = arith.addf %add3A_1498, %gather3A_1521 : vector<16xf32>
          %jit3A_1523 = arith.constant 2 : i32
          %eq3A_1524 = arith.constant 0 : i32
          %eq3A_1525 = arith.cmpi eq, %jit3A_1523, %eq3A_1524 : i32
          %jit3A_1526 = arith.constant 1 : i32
          %select_n3A_1527 = arith.select %eq3A_1525, %jit3A_1526, %jit3A_1523 : i32
          %rem3A_1528 = arith.remsi %scan3A_165, %select_n3A_1527 : i32
          %ne3A_1529 = arith.constant 0 : i32
          %ne3A_1530 = arith.cmpi ne, %rem3A_1528, %ne3A_1529 : i32
          %lt3A_1531 = arith.constant 0 : i32
          %lt3A_1532 = arith.cmpi slt, %rem3A_1528, %lt3A_1531 : i32
          %lt3A_1533 = arith.constant 0 : i32
          %lt3A_1534 = arith.cmpi slt, %select_n3A_1527, %lt3A_1533 : i32
          %ne3A_1535 = arith.xori %lt3A_1532, %lt3A_1534 : i1
          %and3A_1536 = arith.andi %ne3A_1535, %ne3A_1530 : i1
          %add3A_1537 = arith.addi %rem3A_1528, %select_n3A_1527 : i32
          %select_n3A_1538 = arith.select %and3A_1536, %add3A_1537, %rem3A_1528 : i32
          %broadcast_in_dim3A_1539 = arith.constant 359 : i32
          %broadcast_in_dim3A_1540 = vector.broadcast %broadcast_in_dim3A_1539 : i32 to vector<16xi32>
          %gather3A_1541 = arith.constant 0 : i32
          %gather3A_1542 = arith.constant 0 : i32
          %gather3A_1543 = tpu.memref_slice %arg4[%select_n3A_1538, %gather3A_1541, %gather3A_1542] : memref<2x112x512xf32, #tpu.memory_space<vmem>> -> memref<1x112x512xf32, #tpu.memory_space<vmem>>
          %gather3A_1544 = tpu.memref_squeeze %gather3A_1543 : memref<1x112x512xf32, #tpu.memory_space<vmem>> -> memref<112x512xf32, #tpu.memory_space<vmem>>
          %gather3A_1545 = tpu.vector_load_idx %gather3A_1544[%add3A_818, %broadcast_in_dim3A_1540] : memref<112x512xf32, #tpu.memory_space<vmem>>[vector<16xi32>, vector<16xi32>], vector<16xf32>,
          %add3A_1546 = arith.addf %add3A_1522, %gather3A_1545 : vector<16xf32>
          %jit3A_1547 = arith.constant 2 : i32
          %eq3A_1548 = arith.constant 0 : i32
          %eq3A_1549 = arith.cmpi eq, %jit3A_1547, %eq3A_1548 : i32
          %jit3A_1550 = arith.constant 1 : i32
          %select_n3A_1551 = arith.select %eq3A_1549, %jit3A_1550, %jit3A_1547 : i32
          %rem3A_1552 = arith.remsi %scan3A_165, %select_n3A_1551 : i32
          %ne3A_1553 = arith.constant 0 : i32
          %ne3A_1554 = arith.cmpi ne, %rem3A_1552, %ne3A_1553 : i32
          %lt3A_1555 = arith.constant 0 : i32
          %lt3A_1556 = arith.cmpi slt, %rem3A_1552, %lt3A_1555 : i32
          %lt3A_1557 = arith.constant 0 : i32
          %lt3A_1558 = arith.cmpi slt, %select_n3A_1551, %lt3A_1557 : i32
          %ne3A_1559 = arith.xori %lt3A_1556, %lt3A_1558 : i1
          %and3A_1560 = arith.andi %ne3A_1559, %ne3A_1554 : i1
          %add3A_1561 = arith.addi %rem3A_1552, %select_n3A_1551 : i32
          %select_n3A_1562 = arith.select %and3A_1560, %add3A_1561, %rem3A_1552 : i32
          %broadcast_in_dim3A_1563 = arith.constant 360 : i32
          %broadcast_in_dim3A_1564 = vector.broadcast %broadcast_in_dim3A_1563 : i32 to vector<16xi32>
          %gather3A_1565 = arith.constant 0 : i32
          %gather3A_1566 = arith.constant 0 : i32
          %gather3A_1567 = tpu.memref_slice %arg4[%select_n3A_1562, %gather3A_1565, %gather3A_1566] : memref<2x112x512xf32, #tpu.memory_space<vmem>> -> memref<1x112x512xf32, #tpu.memory_space<vmem>>
          %gather3A_1568 = tpu.memref_squeeze %gather3A_1567 : memref<1x112x512xf32, #tpu.memory_space<vmem>> -> memref<112x512xf32, #tpu.memory_space<vmem>>
          %gather3A_1569 = tpu.vector_load_idx %gather3A_1568[%add3A_818, %broadcast_in_dim3A_1564] : memref<112x512xf32, #tpu.memory_space<vmem>>[vector<16xi32>, vector<16xi32>], vector<16xf32>,
          %add3A_1570 = arith.addf %add3A_1546, %gather3A_1569 : vector<16xf32>
          %jit3A_1571 = arith.constant 2 : i32
          %eq3A_1572 = arith.constant 0 : i32
          %eq3A_1573 = arith.cmpi eq, %jit3A_1571, %eq3A_1572 : i32
          %jit3A_1574 = arith.constant 1 : i32
          %select_n3A_1575 = arith.select %eq3A_1573, %jit3A_1574, %jit3A_1571 : i32
          %rem3A_1576 = arith.remsi %scan3A_165, %select_n3A_1575 : i32
          %ne3A_1577 = arith.constant 0 : i32
          %ne3A_1578 = arith.cmpi ne, %rem3A_1576, %ne3A_1577 : i32
          %lt3A_1579 = arith.constant 0 : i32
          %lt3A_1580 = arith.cmpi slt, %rem3A_1576, %lt3A_1579 : i32
          %lt3A_1581 = arith.constant 0 : i32
          %lt3A_1582 = arith.cmpi slt, %select_n3A_1575, %lt3A_1581 : i32
          %ne3A_1583 = arith.xori %lt3A_1580, %lt3A_1582 : i1
          %and3A_1584 = arith.andi %ne3A_1583, %ne3A_1578 : i1
          %add3A_1585 = arith.addi %rem3A_1576, %select_n3A_1575 : i32
          %select_n3A_1586 = arith.select %and3A_1584, %add3A_1585, %rem3A_1576 : i32
          %broadcast_in_dim3A_1587 = arith.constant 361 : i32
          %broadcast_in_dim3A_1588 = vector.broadcast %broadcast_in_dim3A_1587 : i32 to vector<16xi32>
          %gather3A_1589 = arith.constant 0 : i32
          %gather3A_1590 = arith.constant 0 : i32
          %gather3A_1591 = tpu.memref_slice %arg4[%select_n3A_1586, %gather3A_1589, %gather3A_1590] : memref<2x112x512xf32, #tpu.memory_space<vmem>> -> memref<1x112x512xf32, #tpu.memory_space<vmem>>
          %gather3A_1592 = tpu.memref_squeeze %gather3A_1591 : memref<1x112x512xf32, #tpu.memory_space<vmem>> -> memref<112x512xf32, #tpu.memory_space<vmem>>
          %gather3A_1593 = tpu.vector_load_idx %gather3A_1592[%add3A_818, %broadcast_in_dim3A_1588] : memref<112x512xf32, #tpu.memory_space<vmem>>[vector<16xi32>, vector<16xi32>], vector<16xf32>,
          %add3A_1594 = arith.addf %add3A_1570, %gather3A_1593 : vector<16xf32>
          %jit3A_1595 = arith.constant 2 : i32
          %eq3A_1596 = arith.constant 0 : i32
          %eq3A_1597 = arith.cmpi eq, %jit3A_1595, %eq3A_1596 : i32
          %jit3A_1598 = arith.constant 1 : i32
          %select_n3A_1599 = arith.select %eq3A_1597, %jit3A_1598, %jit3A_1595 : i32
          %rem3A_1600 = arith.remsi %scan3A_165, %select_n3A_1599 : i32
          %ne3A_1601 = arith.constant 0 : i32
          %ne3A_1602 = arith.cmpi ne, %rem3A_1600, %ne3A_1601 : i32
          %lt3A_1603 = arith.constant 0 : i32
          %lt3A_1604 = arith.cmpi slt, %rem3A_1600, %lt3A_1603 : i32
          %lt3A_1605 = arith.constant 0 : i32
          %lt3A_1606 = arith.cmpi slt, %select_n3A_1599, %lt3A_1605 : i32
          %ne3A_1607 = arith.xori %lt3A_1604, %lt3A_1606 : i1
          %and3A_1608 = arith.andi %ne3A_1607, %ne3A_1602 : i1
          %add3A_1609 = arith.addi %rem3A_1600, %select_n3A_1599 : i32
          %select_n3A_1610 = arith.select %and3A_1608, %add3A_1609, %rem3A_1600 : i32
          %broadcast_in_dim3A_1611 = arith.constant 362 : i32
          %broadcast_in_dim3A_1612 = vector.broadcast %broadcast_in_dim3A_1611 : i32 to vector<16xi32>
          %gather3A_1613 = arith.constant 0 : i32
          %gather3A_1614 = arith.constant 0 : i32
          %gather3A_1615 = tpu.memref_slice %arg4[%select_n3A_1610, %gather3A_1613, %gather3A_1614] : memref<2x112x512xf32, #tpu.memory_space<vmem>> -> memref<1x112x512xf32, #tpu.memory_space<vmem>>
          %gather3A_1616 = tpu.memref_squeeze %gather3A_1615 : memref<1x112x512xf32, #tpu.memory_space<vmem>> -> memref<112x512xf32, #tpu.memory_space<vmem>>
          %gather3A_1617 = tpu.vector_load_idx %gather3A_1616[%add3A_818, %broadcast_in_dim3A_1612] : memref<112x512xf32, #tpu.memory_space<vmem>>[vector<16xi32>, vector<16xi32>], vector<16xf32>,
          %add3A_1618 = arith.addf %add3A_1594, %gather3A_1617 : vector<16xf32>
          %jit3A_1619 = arith.constant 2 : i32
          %eq3A_1620 = arith.constant 0 : i32
          %eq3A_1621 = arith.cmpi eq, %jit3A_1619, %eq3A_1620 : i32
          %jit3A_1622 = arith.constant 1 : i32
          %select_n3A_1623 = arith.select %eq3A_1621, %jit3A_1622, %jit3A_1619 : i32
          %rem3A_1624 = arith.remsi %scan3A_165, %select_n3A_1623 : i32
          %ne3A_1625 = arith.constant 0 : i32
          %ne3A_1626 = arith.cmpi ne, %rem3A_1624, %ne3A_1625 : i32
          %lt3A_1627 = arith.constant 0 : i32
          %lt3A_1628 = arith.cmpi slt, %rem3A_1624, %lt3A_1627 : i32
          %lt3A_1629 = arith.constant 0 : i32
          %lt3A_1630 = arith.cmpi slt, %select_n3A_1623, %lt3A_1629 : i32
          %ne3A_1631 = arith.xori %lt3A_1628, %lt3A_1630 : i1
          %and3A_1632 = arith.andi %ne3A_1631, %ne3A_1626 : i1
          %add3A_1633 = arith.addi %rem3A_1624, %select_n3A_1623 : i32
          %select_n3A_1634 = arith.select %and3A_1632, %add3A_1633, %rem3A_1624 : i32
          %broadcast_in_dim3A_1635 = arith.constant 363 : i32
          %broadcast_in_dim3A_1636 = vector.broadcast %broadcast_in_dim3A_1635 : i32 to vector<16xi32>
          %gather3A_1637 = arith.constant 0 : i32
          %gather3A_1638 = arith.constant 0 : i32
          %gather3A_1639 = tpu.memref_slice %arg4[%select_n3A_1634, %gather3A_1637, %gather3A_1638] : memref<2x112x512xf32, #tpu.memory_space<vmem>> -> memref<1x112x512xf32, #tpu.memory_space<vmem>>
          %gather3A_1640 = tpu.memref_squeeze %gather3A_1639 : memref<1x112x512xf32, #tpu.memory_space<vmem>> -> memref<112x512xf32, #tpu.memory_space<vmem>>
          %gather3A_1641 = tpu.vector_load_idx %gather3A_1640[%add3A_818, %broadcast_in_dim3A_1636] : memref<112x512xf32, #tpu.memory_space<vmem>>[vector<16xi32>, vector<16xi32>], vector<16xf32>,
          %add3A_1642 = arith.addf %add3A_1618, %gather3A_1641 : vector<16xf32>
          %jit3A_1643 = arith.constant 2 : i32
          %eq3A_1644 = arith.constant 0 : i32
          %eq3A_1645 = arith.cmpi eq, %jit3A_1643, %eq3A_1644 : i32
          %jit3A_1646 = arith.constant 1 : i32
          %select_n3A_1647 = arith.select %eq3A_1645, %jit3A_1646, %jit3A_1643 : i32
          %rem3A_1648 = arith.remsi %scan3A_165, %select_n3A_1647 : i32
          %ne3A_1649 = arith.constant 0 : i32
          %ne3A_1650 = arith.cmpi ne, %rem3A_1648, %ne3A_1649 : i32
          %lt3A_1651 = arith.constant 0 : i32
          %lt3A_1652 = arith.cmpi slt, %rem3A_1648, %lt3A_1651 : i32
          %lt3A_1653 = arith.constant 0 : i32
          %lt3A_1654 = arith.cmpi slt, %select_n3A_1647, %lt3A_1653 : i32
          %ne3A_1655 = arith.xori %lt3A_1652, %lt3A_1654 : i1
          %and3A_1656 = arith.andi %ne3A_1655, %ne3A_1650 : i1
          %add3A_1657 = arith.addi %rem3A_1648, %select_n3A_1647 : i32
          %select_n3A_1658 = arith.select %and3A_1656, %add3A_1657, %rem3A_1648 : i32
          %broadcast_in_dim3A_1659 = arith.constant 364 : i32
          %broadcast_in_dim3A_1660 = vector.broadcast %broadcast_in_dim3A_1659 : i32 to vector<16xi32>
          %gather3A_1661 = arith.constant 0 : i32
          %gather3A_1662 = arith.constant 0 : i32
          %gather3A_1663 = tpu.memref_slice %arg4[%select_n3A_1658, %gather3A_1661, %gather3A_1662] : memref<2x112x512xf32, #tpu.memory_space<vmem>> -> memref<1x112x512xf32, #tpu.memory_space<vmem>>
          %gather3A_1664 = tpu.memref_squeeze %gather3A_1663 : memref<1x112x512xf32, #tpu.memory_space<vmem>> -> memref<112x512xf32, #tpu.memory_space<vmem>>
          %gather3A_1665 = tpu.vector_load_idx %gather3A_1664[%add3A_818, %broadcast_in_dim3A_1660] : memref<112x512xf32, #tpu.memory_space<vmem>>[vector<16xi32>, vector<16xi32>], vector<16xf32>,
          %add3A_1666 = arith.addf %add3A_1642, %gather3A_1665 : vector<16xf32>
          %jit3A_1667 = arith.constant 2 : i32
          %eq3A_1668 = arith.constant 0 : i32
          %eq3A_1669 = arith.cmpi eq, %jit3A_1667, %eq3A_1668 : i32
          %jit3A_1670 = arith.constant 1 : i32
          %select_n3A_1671 = arith.select %eq3A_1669, %jit3A_1670, %jit3A_1667 : i32
          %rem3A_1672 = arith.remsi %scan3A_165, %select_n3A_1671 : i32
          %ne3A_1673 = arith.constant 0 : i32
          %ne3A_1674 = arith.cmpi ne, %rem3A_1672, %ne3A_1673 : i32
          %lt3A_1675 = arith.constant 0 : i32
          %lt3A_1676 = arith.cmpi slt, %rem3A_1672, %lt3A_1675 : i32
          %lt3A_1677 = arith.constant 0 : i32
          %lt3A_1678 = arith.cmpi slt, %select_n3A_1671, %lt3A_1677 : i32
          %ne3A_1679 = arith.xori %lt3A_1676, %lt3A_1678 : i1
          %and3A_1680 = arith.andi %ne3A_1679, %ne3A_1674 : i1
          %add3A_1681 = arith.addi %rem3A_1672, %select_n3A_1671 : i32
          %select_n3A_1682 = arith.select %and3A_1680, %add3A_1681, %rem3A_1672 : i32
          %broadcast_in_dim3A_1683 = arith.constant 365 : i32
          %broadcast_in_dim3A_1684 = vector.broadcast %broadcast_in_dim3A_1683 : i32 to vector<16xi32>
          %gather3A_1685 = arith.constant 0 : i32
          %gather3A_1686 = arith.constant 0 : i32
          %gather3A_1687 = tpu.memref_slice %arg4[%select_n3A_1682, %gather3A_1685, %gather3A_1686] : memref<2x112x512xf32, #tpu.memory_space<vmem>> -> memref<1x112x512xf32, #tpu.memory_space<vmem>>
          %gather3A_1688 = tpu.memref_squeeze %gather3A_1687 : memref<1x112x512xf32, #tpu.memory_space<vmem>> -> memref<112x512xf32, #tpu.memory_space<vmem>>
          %gather3A_1689 = tpu.vector_load_idx %gather3A_1688[%add3A_818, %broadcast_in_dim3A_1684] : memref<112x512xf32, #tpu.memory_space<vmem>>[vector<16xi32>, vector<16xi32>], vector<16xf32>,
          %add3A_1690 = arith.addf %add3A_1666, %gather3A_1689 : vector<16xf32>
          %jit3A_1691 = arith.constant 2 : i32
          %eq3A_1692 = arith.constant 0 : i32
          %eq3A_1693 = arith.cmpi eq, %jit3A_1691, %eq3A_1692 : i32
          %jit3A_1694 = arith.constant 1 : i32
          %select_n3A_1695 = arith.select %eq3A_1693, %jit3A_1694, %jit3A_1691 : i32
          %rem3A_1696 = arith.remsi %scan3A_165, %select_n3A_1695 : i32
          %ne3A_1697 = arith.constant 0 : i32
          %ne3A_1698 = arith.cmpi ne, %rem3A_1696, %ne3A_1697 : i32
          %lt3A_1699 = arith.constant 0 : i32
          %lt3A_1700 = arith.cmpi slt, %rem3A_1696, %lt3A_1699 : i32
          %lt3A_1701 = arith.constant 0 : i32
          %lt3A_1702 = arith.cmpi slt, %select_n3A_1695, %lt3A_1701 : i32
          %ne3A_1703 = arith.xori %lt3A_1700, %lt3A_1702 : i1
          %and3A_1704 = arith.andi %ne3A_1703, %ne3A_1698 : i1
          %add3A_1705 = arith.addi %rem3A_1696, %select_n3A_1695 : i32
          %select_n3A_1706 = arith.select %and3A_1704, %add3A_1705, %rem3A_1696 : i32
          %broadcast_in_dim3A_1707 = arith.constant 366 : i32
          %broadcast_in_dim3A_1708 = vector.broadcast %broadcast_in_dim3A_1707 : i32 to vector<16xi32>
          %gather3A_1709 = arith.constant 0 : i32
          %gather3A_1710 = arith.constant 0 : i32
          %gather3A_1711 = tpu.memref_slice %arg4[%select_n3A_1706, %gather3A_1709, %gather3A_1710] : memref<2x112x512xf32, #tpu.memory_space<vmem>> -> memref<1x112x512xf32, #tpu.memory_space<vmem>>
          %gather3A_1712 = tpu.memref_squeeze %gather3A_1711 : memref<1x112x512xf32, #tpu.memory_space<vmem>> -> memref<112x512xf32, #tpu.memory_space<vmem>>
          %gather3A_1713 = tpu.vector_load_idx %gather3A_1712[%add3A_818, %broadcast_in_dim3A_1708] : memref<112x512xf32, #tpu.memory_space<vmem>>[vector<16xi32>, vector<16xi32>], vector<16xf32>,
          %add3A_1714 = arith.addf %add3A_1690, %gather3A_1713 : vector<16xf32>
          %jit3A_1715 = arith.constant 2 : i32
          %eq3A_1716 = arith.constant 0 : i32
          %eq3A_1717 = arith.cmpi eq, %jit3A_1715, %eq3A_1716 : i32
          %jit3A_1718 = arith.constant 1 : i32
          %select_n3A_1719 = arith.select %eq3A_1717, %jit3A_1718, %jit3A_1715 : i32
          %rem3A_1720 = arith.remsi %scan3A_165, %select_n3A_1719 : i32
          %ne3A_1721 = arith.constant 0 : i32
          %ne3A_1722 = arith.cmpi ne, %rem3A_1720, %ne3A_1721 : i32
          %lt3A_1723 = arith.constant 0 : i32
          %lt3A_1724 = arith.cmpi slt, %rem3A_1720, %lt3A_1723 : i32
          %lt3A_1725 = arith.constant 0 : i32
          %lt3A_1726 = arith.cmpi slt, %select_n3A_1719, %lt3A_1725 : i32
          %ne3A_1727 = arith.xori %lt3A_1724, %lt3A_1726 : i1
          %and3A_1728 = arith.andi %ne3A_1727, %ne3A_1722 : i1
          %add3A_1729 = arith.addi %rem3A_1720, %select_n3A_1719 : i32
          %select_n3A_1730 = arith.select %and3A_1728, %add3A_1729, %rem3A_1720 : i32
          %broadcast_in_dim3A_1731 = arith.constant 367 : i32
          %broadcast_in_dim3A_1732 = vector.broadcast %broadcast_in_dim3A_1731 : i32 to vector<16xi32>
          %gather3A_1733 = arith.constant 0 : i32
          %gather3A_1734 = arith.constant 0 : i32
          %gather3A_1735 = tpu.memref_slice %arg4[%select_n3A_1730, %gather3A_1733, %gather3A_1734] : memref<2x112x512xf32, #tpu.memory_space<vmem>> -> memref<1x112x512xf32, #tpu.memory_space<vmem>>
          %gather3A_1736 = tpu.memref_squeeze %gather3A_1735 : memref<1x112x512xf32, #tpu.memory_space<vmem>> -> memref<112x512xf32, #tpu.memory_space<vmem>>
          %gather3A_1737 = tpu.vector_load_idx %gather3A_1736[%add3A_818, %broadcast_in_dim3A_1732] : memref<112x512xf32, #tpu.memory_space<vmem>>[vector<16xi32>, vector<16xi32>], vector<16xf32>,
          %add3A_1738 = arith.addf %add3A_1714, %gather3A_1737 : vector<16xf32>
          %jit3A_1739 = arith.constant 2 : i32
          %eq3A_1740 = arith.constant 0 : i32
          %eq3A_1741 = arith.cmpi eq, %jit3A_1739, %eq3A_1740 : i32
          %jit3A_1742 = arith.constant 1 : i32
          %select_n3A_1743 = arith.select %eq3A_1741, %jit3A_1742, %jit3A_1739 : i32
          %rem3A_1744 = arith.remsi %scan3A_165, %select_n3A_1743 : i32
          %ne3A_1745 = arith.constant 0 : i32
          %ne3A_1746 = arith.cmpi ne, %rem3A_1744, %ne3A_1745 : i32
          %lt3A_1747 = arith.constant 0 : i32
          %lt3A_1748 = arith.cmpi slt, %rem3A_1744, %lt3A_1747 : i32
          %lt3A_1749 = arith.constant 0 : i32
          %lt3A_1750 = arith.cmpi slt, %select_n3A_1743, %lt3A_1749 : i32
          %ne3A_1751 = arith.xori %lt3A_1748, %lt3A_1750 : i1
          %and3A_1752 = arith.andi %ne3A_1751, %ne3A_1746 : i1
          %add3A_1753 = arith.addi %rem3A_1744, %select_n3A_1743 : i32
          %select_n3A_1754 = arith.select %and3A_1752, %add3A_1753, %rem3A_1744 : i32
          %broadcast_in_dim3A_1755 = arith.constant 368 : i32
          %broadcast_in_dim3A_1756 = vector.broadcast %broadcast_in_dim3A_1755 : i32 to vector<16xi32>
          %gather3A_1757 = arith.constant 0 : i32
          %gather3A_1758 = arith.constant 0 : i32
          %gather3A_1759 = tpu.memref_slice %arg4[%select_n3A_1754, %gather3A_1757, %gather3A_1758] : memref<2x112x512xf32, #tpu.memory_space<vmem>> -> memref<1x112x512xf32, #tpu.memory_space<vmem>>
          %gather3A_1760 = tpu.memref_squeeze %gather3A_1759 : memref<1x112x512xf32, #tpu.memory_space<vmem>> -> memref<112x512xf32, #tpu.memory_space<vmem>>
          %gather3A_1761 = tpu.vector_load_idx %gather3A_1760[%add3A_818, %broadcast_in_dim3A_1756] : memref<112x512xf32, #tpu.memory_space<vmem>>[vector<16xi32>, vector<16xi32>], vector<16xf32>,
          %add3A_1762 = arith.addf %add3A_1738, %gather3A_1761 : vector<16xf32>
          %jit3A_1763 = arith.constant 2 : i32
          %eq3A_1764 = arith.constant 0 : i32
          %eq3A_1765 = arith.cmpi eq, %jit3A_1763, %eq3A_1764 : i32
          %jit3A_1766 = arith.constant 1 : i32
          %select_n3A_1767 = arith.select %eq3A_1765, %jit3A_1766, %jit3A_1763 : i32
          %rem3A_1768 = arith.remsi %scan3A_165, %select_n3A_1767 : i32
          %ne3A_1769 = arith.constant 0 : i32
          %ne3A_1770 = arith.cmpi ne, %rem3A_1768, %ne3A_1769 : i32
          %lt3A_1771 = arith.constant 0 : i32
          %lt3A_1772 = arith.cmpi slt, %rem3A_1768, %lt3A_1771 : i32
          %lt3A_1773 = arith.constant 0 : i32
          %lt3A_1774 = arith.cmpi slt, %select_n3A_1767, %lt3A_1773 : i32
          %ne3A_1775 = arith.xori %lt3A_1772, %lt3A_1774 : i1
          %and3A_1776 = arith.andi %ne3A_1775, %ne3A_1770 : i1
          %add3A_1777 = arith.addi %rem3A_1768, %select_n3A_1767 : i32
          %select_n3A_1778 = arith.select %and3A_1776, %add3A_1777, %rem3A_1768 : i32
          %broadcast_in_dim3A_1779 = arith.constant 369 : i32
          %broadcast_in_dim3A_1780 = vector.broadcast %broadcast_in_dim3A_1779 : i32 to vector<16xi32>
          %gather3A_1781 = arith.constant 0 : i32
          %gather3A_1782 = arith.constant 0 : i32
          %gather3A_1783 = tpu.memref_slice %arg4[%select_n3A_1778, %gather3A_1781, %gather3A_1782] : memref<2x112x512xf32, #tpu.memory_space<vmem>> -> memref<1x112x512xf32, #tpu.memory_space<vmem>>
          %gather3A_1784 = tpu.memref_squeeze %gather3A_1783 : memref<1x112x512xf32, #tpu.memory_space<vmem>> -> memref<112x512xf32, #tpu.memory_space<vmem>>
          %gather3A_1785 = tpu.vector_load_idx %gather3A_1784[%add3A_818, %broadcast_in_dim3A_1780] : memref<112x512xf32, #tpu.memory_space<vmem>>[vector<16xi32>, vector<16xi32>], vector<16xf32>,
          %add3A_1786 = arith.addf %add3A_1762, %gather3A_1785 : vector<16xf32>
          %mul3A_1787 = vector.broadcast %scan3A_59 : f32 to vector<16xf32>
          %mul3A_1788 = arith.mulf %add3A_1786, %mul3A_1787 : vector<16xf32>
          %mul3A_1789 = arith.constant 112 : i32
          %mul3A_1790 = arith.muli %select_n3A_291, %mul3A_1789 : i32
          %mul3A_1791 = arith.constant 16 : i32
          %mul3A_1792 = arith.muli %scan3A_814, %mul3A_1791 : i32
          %add3A_1793 = arith.addi %mul3A_1790, %mul3A_1792 : i32
          %swap3A_1794 = arith.constant 1 : i32
          %swap3A_1795 = arith.index_cast %select_n3A_189 : i32 to index
          %swap3A_1796 = arith.index_cast %swap3A_1794 : i32 to index
          %swap3A_1797 = arith.index_cast %select_n3A_275 : i32 to index
          %swap3A_1798 = arith.index_cast %add3A_1793 : i32 to index
          %swap3A_1799 = tpu.vector_load %arg5[%swap3A_1795, %swap3A_1796, %swap3A_1797, %swap3A_1798] {strides = array<i32>} : memref<2x3x8x224xf32, #tpu.memory_space<vmem>>, vector<16xf32>,
          tpu.vector_store %arg5[%swap3A_1795, %swap3A_1796, %swap3A_1797, %swap3A_1798], %mul3A_1788 {strides = array<i32>} : memref<2x3x8x224xf32, #tpu.memory_space<vmem>>, vector<16xf32>,
          %jit3A_1800 = arith.constant 2 : i32
          %eq3A_1801 = arith.constant 0 : i32
          %eq3A_1802 = arith.cmpi eq, %jit3A_1800, %eq3A_1801 : i32
          %jit3A_1803 = arith.constant 1 : i32
          %select_n3A_1804 = arith.select %eq3A_1802, %jit3A_1803, %jit3A_1800 : i32
          %rem3A_1805 = arith.remsi %scan3A_165, %select_n3A_1804 : i32
          %ne3A_1806 = arith.constant 0 : i32
          %ne3A_1807 = arith.cmpi ne, %rem3A_1805, %ne3A_1806 : i32
          %lt3A_1808 = arith.constant 0 : i32
          %lt3A_1809 = arith.cmpi slt, %rem3A_1805, %lt3A_1808 : i32
          %lt3A_1810 = arith.constant 0 : i32
          %lt3A_1811 = arith.cmpi slt, %select_n3A_1804, %lt3A_1810 : i32
          %ne3A_1812 = arith.xori %lt3A_1809, %lt3A_1811 : i1
          %and3A_1813 = arith.andi %ne3A_1812, %ne3A_1807 : i1
          %add3A_1814 = arith.addi %rem3A_1805, %select_n3A_1804 : i32
          %select_n3A_1815 = arith.select %and3A_1813, %add3A_1814, %rem3A_1805 : i32
          %broadcast_in_dim3A_1816 = arith.constant 120 : i32
          %broadcast_in_dim3A_1817 = vector.broadcast %broadcast_in_dim3A_1816 : i32 to vector<16xi32>
          %gather3A_1818 = arith.constant 0 : i32
          %gather3A_1819 = arith.constant 0 : i32
          %gather3A_1820 = tpu.memref_slice %arg4[%select_n3A_1815, %gather3A_1818, %gather3A_1819] : memref<2x112x512xf32, #tpu.memory_space<vmem>> -> memref<1x112x512xf32, #tpu.memory_space<vmem>>
          %gather3A_1821 = tpu.memref_squeeze %gather3A_1820 : memref<1x112x512xf32, #tpu.memory_space<vmem>> -> memref<112x512xf32, #tpu.memory_space<vmem>>
          %gather3A_1822 = tpu.vector_load_idx %gather3A_1821[%add3A_818, %broadcast_in_dim3A_1817] : memref<112x512xf32, #tpu.memory_space<vmem>>[vector<16xi32>, vector<16xi32>], vector<16xf32>,
          %jit3A_1823 = arith.constant 2 : i32
          %eq3A_1824 = arith.constant 0 : i32
          %eq3A_1825 = arith.cmpi eq, %jit3A_1823, %eq3A_1824 : i32
          %jit3A_1826 = arith.constant 1 : i32
          %select_n3A_1827 = arith.select %eq3A_1825, %jit3A_1826, %jit3A_1823 : i32
          %rem3A_1828 = arith.remsi %scan3A_165, %select_n3A_1827 : i32
          %ne3A_1829 = arith.constant 0 : i32
          %ne3A_1830 = arith.cmpi ne, %rem3A_1828, %ne3A_1829 : i32
          %lt3A_1831 = arith.constant 0 : i32
          %lt3A_1832 = arith.cmpi slt, %rem3A_1828, %lt3A_1831 : i32
          %lt3A_1833 = arith.constant 0 : i32
          %lt3A_1834 = arith.cmpi slt, %select_n3A_1827, %lt3A_1833 : i32
          %ne3A_1835 = arith.xori %lt3A_1832, %lt3A_1834 : i1
          %and3A_1836 = arith.andi %ne3A_1835, %ne3A_1830 : i1
          %add3A_1837 = arith.addi %rem3A_1828, %select_n3A_1827 : i32
          %select_n3A_1838 = arith.select %and3A_1836, %add3A_1837, %rem3A_1828 : i32
          %broadcast_in_dim3A_1839 = arith.constant 121 : i32
          %broadcast_in_dim3A_1840 = vector.broadcast %broadcast_in_dim3A_1839 : i32 to vector<16xi32>
          %gather3A_1841 = arith.constant 0 : i32
          %gather3A_1842 = arith.constant 0 : i32
          %gather3A_1843 = tpu.memref_slice %arg4[%select_n3A_1838, %gather3A_1841, %gather3A_1842] : memref<2x112x512xf32, #tpu.memory_space<vmem>> -> memref<1x112x512xf32, #tpu.memory_space<vmem>>
          %gather3A_1844 = tpu.memref_squeeze %gather3A_1843 : memref<1x112x512xf32, #tpu.memory_space<vmem>> -> memref<112x512xf32, #tpu.memory_space<vmem>>
          %gather3A_1845 = tpu.vector_load_idx %gather3A_1844[%add3A_818, %broadcast_in_dim3A_1840] : memref<112x512xf32, #tpu.memory_space<vmem>>[vector<16xi32>, vector<16xi32>], vector<16xf32>,
          %add3A_1846 = arith.addf %gather3A_1822, %gather3A_1845 : vector<16xf32>
          %jit3A_1847 = arith.constant 2 : i32
          %eq3A_1848 = arith.constant 0 : i32
          %eq3A_1849 = arith.cmpi eq, %jit3A_1847, %eq3A_1848 : i32
          %jit3A_1850 = arith.constant 1 : i32
          %select_n3A_1851 = arith.select %eq3A_1849, %jit3A_1850, %jit3A_1847 : i32
          %rem3A_1852 = arith.remsi %scan3A_165, %select_n3A_1851 : i32
          %ne3A_1853 = arith.constant 0 : i32
          %ne3A_1854 = arith.cmpi ne, %rem3A_1852, %ne3A_1853 : i32
          %lt3A_1855 = arith.constant 0 : i32
          %lt3A_1856 = arith.cmpi slt, %rem3A_1852, %lt3A_1855 : i32
          %lt3A_1857 = arith.constant 0 : i32
          %lt3A_1858 = arith.cmpi slt, %select_n3A_1851, %lt3A_1857 : i32
          %ne3A_1859 = arith.xori %lt3A_1856, %lt3A_1858 : i1
          %and3A_1860 = arith.andi %ne3A_1859, %ne3A_1854 : i1
          %add3A_1861 = arith.addi %rem3A_1852, %select_n3A_1851 : i32
          %select_n3A_1862 = arith.select %and3A_1860, %add3A_1861, %rem3A_1852 : i32
          %broadcast_in_dim3A_1863 = arith.constant 122 : i32
          %broadcast_in_dim3A_1864 = vector.broadcast %broadcast_in_dim3A_1863 : i32 to vector<16xi32>
          %gather3A_1865 = arith.constant 0 : i32
          %gather3A_1866 = arith.constant 0 : i32
          %gather3A_1867 = tpu.memref_slice %arg4[%select_n3A_1862, %gather3A_1865, %gather3A_1866] : memref<2x112x512xf32, #tpu.memory_space<vmem>> -> memref<1x112x512xf32, #tpu.memory_space<vmem>>
          %gather3A_1868 = tpu.memref_squeeze %gather3A_1867 : memref<1x112x512xf32, #tpu.memory_space<vmem>> -> memref<112x512xf32, #tpu.memory_space<vmem>>
          %gather3A_1869 = tpu.vector_load_idx %gather3A_1868[%add3A_818, %broadcast_in_dim3A_1864] : memref<112x512xf32, #tpu.memory_space<vmem>>[vector<16xi32>, vector<16xi32>], vector<16xf32>,
          %add3A_1870 = arith.addf %add3A_1846, %gather3A_1869 : vector<16xf32>
          %jit3A_1871 = arith.constant 2 : i32
          %eq3A_1872 = arith.constant 0 : i32
          %eq3A_1873 = arith.cmpi eq, %jit3A_1871, %eq3A_1872 : i32
          %jit3A_1874 = arith.constant 1 : i32
          %select_n3A_1875 = arith.select %eq3A_1873, %jit3A_1874, %jit3A_1871 : i32
          %rem3A_1876 = arith.remsi %scan3A_165, %select_n3A_1875 : i32
          %ne3A_1877 = arith.constant 0 : i32
          %ne3A_1878 = arith.cmpi ne, %rem3A_1876, %ne3A_1877 : i32
          %lt3A_1879 = arith.constant 0 : i32
          %lt3A_1880 = arith.cmpi slt, %rem3A_1876, %lt3A_1879 : i32
          %lt3A_1881 = arith.constant 0 : i32
          %lt3A_1882 = arith.cmpi slt, %select_n3A_1875, %lt3A_1881 : i32
          %ne3A_1883 = arith.xori %lt3A_1880, %lt3A_1882 : i1
          %and3A_1884 = arith.andi %ne3A_1883, %ne3A_1878 : i1
          %add3A_1885 = arith.addi %rem3A_1876, %select_n3A_1875 : i32
          %select_n3A_1886 = arith.select %and3A_1884, %add3A_1885, %rem3A_1876 : i32
          %broadcast_in_dim3A_1887 = arith.constant 123 : i32
          %broadcast_in_dim3A_1888 = vector.broadcast %broadcast_in_dim3A_1887 : i32 to vector<16xi32>
          %gather3A_1889 = arith.constant 0 : i32
          %gather3A_1890 = arith.constant 0 : i32
          %gather3A_1891 = tpu.memref_slice %arg4[%select_n3A_1886, %gather3A_1889, %gather3A_1890] : memref<2x112x512xf32, #tpu.memory_space<vmem>> -> memref<1x112x512xf32, #tpu.memory_space<vmem>>
          %gather3A_1892 = tpu.memref_squeeze %gather3A_1891 : memref<1x112x512xf32, #tpu.memory_space<vmem>> -> memref<112x512xf32, #tpu.memory_space<vmem>>
          %gather3A_1893 = tpu.vector_load_idx %gather3A_1892[%add3A_818, %broadcast_in_dim3A_1888] : memref<112x512xf32, #tpu.memory_space<vmem>>[vector<16xi32>, vector<16xi32>], vector<16xf32>,
          %add3A_1894 = arith.addf %add3A_1870, %gather3A_1893 : vector<16xf32>
          %jit3A_1895 = arith.constant 2 : i32
          %eq3A_1896 = arith.constant 0 : i32
          %eq3A_1897 = arith.cmpi eq, %jit3A_1895, %eq3A_1896 : i32
          %jit3A_1898 = arith.constant 1 : i32
          %select_n3A_1899 = arith.select %eq3A_1897, %jit3A_1898, %jit3A_1895 : i32
          %rem3A_1900 = arith.remsi %scan3A_165, %select_n3A_1899 : i32
          %ne3A_1901 = arith.constant 0 : i32
          %ne3A_1902 = arith.cmpi ne, %rem3A_1900, %ne3A_1901 : i32
          %lt3A_1903 = arith.constant 0 : i32
          %lt3A_1904 = arith.cmpi slt, %rem3A_1900, %lt3A_1903 : i32
          %lt3A_1905 = arith.constant 0 : i32
          %lt3A_1906 = arith.cmpi slt, %select_n3A_1899, %lt3A_1905 : i32
          %ne3A_1907 = arith.xori %lt3A_1904, %lt3A_1906 : i1
          %and3A_1908 = arith.andi %ne3A_1907, %ne3A_1902 : i1
          %add3A_1909 = arith.addi %rem3A_1900, %select_n3A_1899 : i32
          %select_n3A_1910 = arith.select %and3A_1908, %add3A_1909, %rem3A_1900 : i32
          %broadcast_in_dim3A_1911 = arith.constant 124 : i32
          %broadcast_in_dim3A_1912 = vector.broadcast %broadcast_in_dim3A_1911 : i32 to vector<16xi32>
          %gather3A_1913 = arith.constant 0 : i32
          %gather3A_1914 = arith.constant 0 : i32
          %gather3A_1915 = tpu.memref_slice %arg4[%select_n3A_1910, %gather3A_1913, %gather3A_1914] : memref<2x112x512xf32, #tpu.memory_space<vmem>> -> memref<1x112x512xf32, #tpu.memory_space<vmem>>
          %gather3A_1916 = tpu.memref_squeeze %gather3A_1915 : memref<1x112x512xf32, #tpu.memory_space<vmem>> -> memref<112x512xf32, #tpu.memory_space<vmem>>
          %gather3A_1917 = tpu.vector_load_idx %gather3A_1916[%add3A_818, %broadcast_in_dim3A_1912] : memref<112x512xf32, #tpu.memory_space<vmem>>[vector<16xi32>, vector<16xi32>], vector<16xf32>,
          %add3A_1918 = arith.addf %add3A_1894, %gather3A_1917 : vector<16xf32>
          %jit3A_1919 = arith.constant 2 : i32
          %eq3A_1920 = arith.constant 0 : i32
          %eq3A_1921 = arith.cmpi eq, %jit3A_1919, %eq3A_1920 : i32
          %jit3A_1922 = arith.constant 1 : i32
          %select_n3A_1923 = arith.select %eq3A_1921, %jit3A_1922, %jit3A_1919 : i32
          %rem3A_1924 = arith.remsi %scan3A_165, %select_n3A_1923 : i32
          %ne3A_1925 = arith.constant 0 : i32
          %ne3A_1926 = arith.cmpi ne, %rem3A_1924, %ne3A_1925 : i32
          %lt3A_1927 = arith.constant 0 : i32
          %lt3A_1928 = arith.cmpi slt, %rem3A_1924, %lt3A_1927 : i32
          %lt3A_1929 = arith.constant 0 : i32
          %lt3A_1930 = arith.cmpi slt, %select_n3A_1923, %lt3A_1929 : i32
          %ne3A_1931 = arith.xori %lt3A_1928, %lt3A_1930 : i1
          %and3A_1932 = arith.andi %ne3A_1931, %ne3A_1926 : i1
          %add3A_1933 = arith.addi %rem3A_1924, %select_n3A_1923 : i32
          %select_n3A_1934 = arith.select %and3A_1932, %add3A_1933, %rem3A_1924 : i32
          %broadcast_in_dim3A_1935 = arith.constant 125 : i32
          %broadcast_in_dim3A_1936 = vector.broadcast %broadcast_in_dim3A_1935 : i32 to vector<16xi32>
          %gather3A_1937 = arith.constant 0 : i32
          %gather3A_1938 = arith.constant 0 : i32
          %gather3A_1939 = tpu.memref_slice %arg4[%select_n3A_1934, %gather3A_1937, %gather3A_1938] : memref<2x112x512xf32, #tpu.memory_space<vmem>> -> memref<1x112x512xf32, #tpu.memory_space<vmem>>
          %gather3A_1940 = tpu.memref_squeeze %gather3A_1939 : memref<1x112x512xf32, #tpu.memory_space<vmem>> -> memref<112x512xf32, #tpu.memory_space<vmem>>
          %gather3A_1941 = tpu.vector_load_idx %gather3A_1940[%add3A_818, %broadcast_in_dim3A_1936] : memref<112x512xf32, #tpu.memory_space<vmem>>[vector<16xi32>, vector<16xi32>], vector<16xf32>,
          %add3A_1942 = arith.addf %add3A_1918, %gather3A_1941 : vector<16xf32>
          %jit3A_1943 = arith.constant 2 : i32
          %eq3A_1944 = arith.constant 0 : i32
          %eq3A_1945 = arith.cmpi eq, %jit3A_1943, %eq3A_1944 : i32
          %jit3A_1946 = arith.constant 1 : i32
          %select_n3A_1947 = arith.select %eq3A_1945, %jit3A_1946, %jit3A_1943 : i32
          %rem3A_1948 = arith.remsi %scan3A_165, %select_n3A_1947 : i32
          %ne3A_1949 = arith.constant 0 : i32
          %ne3A_1950 = arith.cmpi ne, %rem3A_1948, %ne3A_1949 : i32
          %lt3A_1951 = arith.constant 0 : i32
          %lt3A_1952 = arith.cmpi slt, %rem3A_1948, %lt3A_1951 : i32
          %lt3A_1953 = arith.constant 0 : i32
          %lt3A_1954 = arith.cmpi slt, %select_n3A_1947, %lt3A_1953 : i32
          %ne3A_1955 = arith.xori %lt3A_1952, %lt3A_1954 : i1
          %and3A_1956 = arith.andi %ne3A_1955, %ne3A_1950 : i1
          %add3A_1957 = arith.addi %rem3A_1948, %select_n3A_1947 : i32
          %select_n3A_1958 = arith.select %and3A_1956, %add3A_1957, %rem3A_1948 : i32
          %broadcast_in_dim3A_1959 = arith.constant 126 : i32
          %broadcast_in_dim3A_1960 = vector.broadcast %broadcast_in_dim3A_1959 : i32 to vector<16xi32>
          %gather3A_1961 = arith.constant 0 : i32
          %gather3A_1962 = arith.constant 0 : i32
          %gather3A_1963 = tpu.memref_slice %arg4[%select_n3A_1958, %gather3A_1961, %gather3A_1962] : memref<2x112x512xf32, #tpu.memory_space<vmem>> -> memref<1x112x512xf32, #tpu.memory_space<vmem>>
          %gather3A_1964 = tpu.memref_squeeze %gather3A_1963 : memref<1x112x512xf32, #tpu.memory_space<vmem>> -> memref<112x512xf32, #tpu.memory_space<vmem>>
          %gather3A_1965 = tpu.vector_load_idx %gather3A_1964[%add3A_818, %broadcast_in_dim3A_1960] : memref<112x512xf32, #tpu.memory_space<vmem>>[vector<16xi32>, vector<16xi32>], vector<16xf32>,
          %add3A_1966 = arith.addf %add3A_1942, %gather3A_1965 : vector<16xf32>
          %jit3A_1967 = arith.constant 2 : i32
          %eq3A_1968 = arith.constant 0 : i32
          %eq3A_1969 = arith.cmpi eq, %jit3A_1967, %eq3A_1968 : i32
          %jit3A_1970 = arith.constant 1 : i32
          %select_n3A_1971 = arith.select %eq3A_1969, %jit3A_1970, %jit3A_1967 : i32
          %rem3A_1972 = arith.remsi %scan3A_165, %select_n3A_1971 : i32
          %ne3A_1973 = arith.constant 0 : i32
          %ne3A_1974 = arith.cmpi ne, %rem3A_1972, %ne3A_1973 : i32
          %lt3A_1975 = arith.constant 0 : i32
          %lt3A_1976 = arith.cmpi slt, %rem3A_1972, %lt3A_1975 : i32
          %lt3A_1977 = arith.constant 0 : i32
          %lt3A_1978 = arith.cmpi slt, %select_n3A_1971, %lt3A_1977 : i32
          %ne3A_1979 = arith.xori %lt3A_1976, %lt3A_1978 : i1
          %and3A_1980 = arith.andi %ne3A_1979, %ne3A_1974 : i1
          %add3A_1981 = arith.addi %rem3A_1972, %select_n3A_1971 : i32
          %select_n3A_1982 = arith.select %and3A_1980, %add3A_1981, %rem3A_1972 : i32
          %broadcast_in_dim3A_1983 = arith.constant 127 : i32
          %broadcast_in_dim3A_1984 = vector.broadcast %broadcast_in_dim3A_1983 : i32 to vector<16xi32>
          %gather3A_1985 = arith.constant 0 : i32
          %gather3A_1986 = arith.constant 0 : i32
          %gather3A_1987 = tpu.memref_slice %arg4[%select_n3A_1982, %gather3A_1985, %gather3A_1986] : memref<2x112x512xf32, #tpu.memory_space<vmem>> -> memref<1x112x512xf32, #tpu.memory_space<vmem>>
          %gather3A_1988 = tpu.memref_squeeze %gather3A_1987 : memref<1x112x512xf32, #tpu.memory_space<vmem>> -> memref<112x512xf32, #tpu.memory_space<vmem>>
          %gather3A_1989 = tpu.vector_load_idx %gather3A_1988[%add3A_818, %broadcast_in_dim3A_1984] : memref<112x512xf32, #tpu.memory_space<vmem>>[vector<16xi32>, vector<16xi32>], vector<16xf32>,
          %add3A_1990 = arith.addf %add3A_1966, %gather3A_1989 : vector<16xf32>
          %jit3A_1991 = arith.constant 2 : i32
          %eq3A_1992 = arith.constant 0 : i32
          %eq3A_1993 = arith.cmpi eq, %jit3A_1991, %eq3A_1992 : i32
          %jit3A_1994 = arith.constant 1 : i32
          %select_n3A_1995 = arith.select %eq3A_1993, %jit3A_1994, %jit3A_1991 : i32
          %rem3A_1996 = arith.remsi %scan3A_165, %select_n3A_1995 : i32
          %ne3A_1997 = arith.constant 0 : i32
          %ne3A_1998 = arith.cmpi ne, %rem3A_1996, %ne3A_1997 : i32
          %lt3A_1999 = arith.constant 0 : i32
          %lt3A_2000 = arith.cmpi slt, %rem3A_1996, %lt3A_1999 : i32
          %lt3A_2001 = arith.constant 0 : i32
          %lt3A_2002 = arith.cmpi slt, %select_n3A_1995, %lt3A_2001 : i32
          %ne3A_2003 = arith.xori %lt3A_2000, %lt3A_2002 : i1
          %and3A_2004 = arith.andi %ne3A_2003, %ne3A_1998 : i1
          %add3A_2005 = arith.addi %rem3A_1996, %select_n3A_1995 : i32
          %select_n3A_2006 = arith.select %and3A_2004, %add3A_2005, %rem3A_1996 : i32
          %broadcast_in_dim3A_2007 = arith.constant 128 : i32
          %broadcast_in_dim3A_2008 = vector.broadcast %broadcast_in_dim3A_2007 : i32 to vector<16xi32>
          %gather3A_2009 = arith.constant 0 : i32
          %gather3A_2010 = arith.constant 0 : i32
          %gather3A_2011 = tpu.memref_slice %arg4[%select_n3A_2006, %gather3A_2009, %gather3A_2010] : memref<2x112x512xf32, #tpu.memory_space<vmem>> -> memref<1x112x512xf32, #tpu.memory_space<vmem>>
          %gather3A_2012 = tpu.memref_squeeze %gather3A_2011 : memref<1x112x512xf32, #tpu.memory_space<vmem>> -> memref<112x512xf32, #tpu.memory_space<vmem>>
          %gather3A_2013 = tpu.vector_load_idx %gather3A_2012[%add3A_818, %broadcast_in_dim3A_2008] : memref<112x512xf32, #tpu.memory_space<vmem>>[vector<16xi32>, vector<16xi32>], vector<16xf32>,
          %add3A_2014 = arith.addf %add3A_1990, %gather3A_2013 : vector<16xf32>
          %jit3A_2015 = arith.constant 2 : i32
          %eq3A_2016 = arith.constant 0 : i32
          %eq3A_2017 = arith.cmpi eq, %jit3A_2015, %eq3A_2016 : i32
          %jit3A_2018 = arith.constant 1 : i32
          %select_n3A_2019 = arith.select %eq3A_2017, %jit3A_2018, %jit3A_2015 : i32
          %rem3A_2020 = arith.remsi %scan3A_165, %select_n3A_2019 : i32
          %ne3A_2021 = arith.constant 0 : i32
          %ne3A_2022 = arith.cmpi ne, %rem3A_2020, %ne3A_2021 : i32
          %lt3A_2023 = arith.constant 0 : i32
          %lt3A_2024 = arith.cmpi slt, %rem3A_2020, %lt3A_2023 : i32
          %lt3A_2025 = arith.constant 0 : i32
          %lt3A_2026 = arith.cmpi slt, %select_n3A_2019, %lt3A_2025 : i32
          %ne3A_2027 = arith.xori %lt3A_2024, %lt3A_2026 : i1
          %and3A_2028 = arith.andi %ne3A_2027, %ne3A_2022 : i1
          %add3A_2029 = arith.addi %rem3A_2020, %select_n3A_2019 : i32
          %select_n3A_2030 = arith.select %and3A_2028, %add3A_2029, %rem3A_2020 : i32
          %broadcast_in_dim3A_2031 = arith.constant 129 : i32
          %broadcast_in_dim3A_2032 = vector.broadcast %broadcast_in_dim3A_2031 : i32 to vector<16xi32>
          %gather3A_2033 = arith.constant 0 : i32
          %gather3A_2034 = arith.constant 0 : i32
          %gather3A_2035 = tpu.memref_slice %arg4[%select_n3A_2030, %gather3A_2033, %gather3A_2034] : memref<2x112x512xf32, #tpu.memory_space<vmem>> -> memref<1x112x512xf32, #tpu.memory_space<vmem>>
          %gather3A_2036 = tpu.memref_squeeze %gather3A_2035 : memref<1x112x512xf32, #tpu.memory_space<vmem>> -> memref<112x512xf32, #tpu.memory_space<vmem>>
          %gather3A_2037 = tpu.vector_load_idx %gather3A_2036[%add3A_818, %broadcast_in_dim3A_2032] : memref<112x512xf32, #tpu.memory_space<vmem>>[vector<16xi32>, vector<16xi32>], vector<16xf32>,
          %add3A_2038 = arith.addf %add3A_2014, %gather3A_2037 : vector<16xf32>
          %jit3A_2039 = arith.constant 2 : i32
          %eq3A_2040 = arith.constant 0 : i32
          %eq3A_2041 = arith.cmpi eq, %jit3A_2039, %eq3A_2040 : i32
          %jit3A_2042 = arith.constant 1 : i32
          %select_n3A_2043 = arith.select %eq3A_2041, %jit3A_2042, %jit3A_2039 : i32
          %rem3A_2044 = arith.remsi %scan3A_165, %select_n3A_2043 : i32
          %ne3A_2045 = arith.constant 0 : i32
          %ne3A_2046 = arith.cmpi ne, %rem3A_2044, %ne3A_2045 : i32
          %lt3A_2047 = arith.constant 0 : i32
          %lt3A_2048 = arith.cmpi slt, %rem3A_2044, %lt3A_2047 : i32
          %lt3A_2049 = arith.constant 0 : i32
          %lt3A_2050 = arith.cmpi slt, %select_n3A_2043, %lt3A_2049 : i32
          %ne3A_2051 = arith.xori %lt3A_2048, %lt3A_2050 : i1
          %and3A_2052 = arith.andi %ne3A_2051, %ne3A_2046 : i1
          %add3A_2053 = arith.addi %rem3A_2044, %select_n3A_2043 : i32
          %select_n3A_2054 = arith.select %and3A_2052, %add3A_2053, %rem3A_2044 : i32
          %broadcast_in_dim3A_2055 = arith.constant 130 : i32
          %broadcast_in_dim3A_2056 = vector.broadcast %broadcast_in_dim3A_2055 : i32 to vector<16xi32>
          %gather3A_2057 = arith.constant 0 : i32
          %gather3A_2058 = arith.constant 0 : i32
          %gather3A_2059 = tpu.memref_slice %arg4[%select_n3A_2054, %gather3A_2057, %gather3A_2058] : memref<2x112x512xf32, #tpu.memory_space<vmem>> -> memref<1x112x512xf32, #tpu.memory_space<vmem>>
          %gather3A_2060 = tpu.memref_squeeze %gather3A_2059 : memref<1x112x512xf32, #tpu.memory_space<vmem>> -> memref<112x512xf32, #tpu.memory_space<vmem>>
          %gather3A_2061 = tpu.vector_load_idx %gather3A_2060[%add3A_818, %broadcast_in_dim3A_2056] : memref<112x512xf32, #tpu.memory_space<vmem>>[vector<16xi32>, vector<16xi32>], vector<16xf32>,
          %add3A_2062 = arith.addf %add3A_2038, %gather3A_2061 : vector<16xf32>
          %jit3A_2063 = arith.constant 2 : i32
          %eq3A_2064 = arith.constant 0 : i32
          %eq3A_2065 = arith.cmpi eq, %jit3A_2063, %eq3A_2064 : i32
          %jit3A_2066 = arith.constant 1 : i32
          %select_n3A_2067 = arith.select %eq3A_2065, %jit3A_2066, %jit3A_2063 : i32
          %rem3A_2068 = arith.remsi %scan3A_165, %select_n3A_2067 : i32
          %ne3A_2069 = arith.constant 0 : i32
          %ne3A_2070 = arith.cmpi ne, %rem3A_2068, %ne3A_2069 : i32
          %lt3A_2071 = arith.constant 0 : i32
          %lt3A_2072 = arith.cmpi slt, %rem3A_2068, %lt3A_2071 : i32
          %lt3A_2073 = arith.constant 0 : i32
          %lt3A_2074 = arith.cmpi slt, %select_n3A_2067, %lt3A_2073 : i32
          %ne3A_2075 = arith.xori %lt3A_2072, %lt3A_2074 : i1
          %and3A_2076 = arith.andi %ne3A_2075, %ne3A_2070 : i1
          %add3A_2077 = arith.addi %rem3A_2068, %select_n3A_2067 : i32
          %select_n3A_2078 = arith.select %and3A_2076, %add3A_2077, %rem3A_2068 : i32
          %broadcast_in_dim3A_2079 = arith.constant 131 : i32
          %broadcast_in_dim3A_2080 = vector.broadcast %broadcast_in_dim3A_2079 : i32 to vector<16xi32>
          %gather3A_2081 = arith.constant 0 : i32
          %gather3A_2082 = arith.constant 0 : i32
          %gather3A_2083 = tpu.memref_slice %arg4[%select_n3A_2078, %gather3A_2081, %gather3A_2082] : memref<2x112x512xf32, #tpu.memory_space<vmem>> -> memref<1x112x512xf32, #tpu.memory_space<vmem>>
          %gather3A_2084 = tpu.memref_squeeze %gather3A_2083 : memref<1x112x512xf32, #tpu.memory_space<vmem>> -> memref<112x512xf32, #tpu.memory_space<vmem>>
          %gather3A_2085 = tpu.vector_load_idx %gather3A_2084[%add3A_818, %broadcast_in_dim3A_2080] : memref<112x512xf32, #tpu.memory_space<vmem>>[vector<16xi32>, vector<16xi32>], vector<16xf32>,
          %add3A_2086 = arith.addf %add3A_2062, %gather3A_2085 : vector<16xf32>
          %jit3A_2087 = arith.constant 2 : i32
          %eq3A_2088 = arith.constant 0 : i32
          %eq3A_2089 = arith.cmpi eq, %jit3A_2087, %eq3A_2088 : i32
          %jit3A_2090 = arith.constant 1 : i32
          %select_n3A_2091 = arith.select %eq3A_2089, %jit3A_2090, %jit3A_2087 : i32
          %rem3A_2092 = arith.remsi %scan3A_165, %select_n3A_2091 : i32
          %ne3A_2093 = arith.constant 0 : i32
          %ne3A_2094 = arith.cmpi ne, %rem3A_2092, %ne3A_2093 : i32
          %lt3A_2095 = arith.constant 0 : i32
          %lt3A_2096 = arith.cmpi slt, %rem3A_2092, %lt3A_2095 : i32
          %lt3A_2097 = arith.constant 0 : i32
          %lt3A_2098 = arith.cmpi slt, %select_n3A_2091, %lt3A_2097 : i32
          %ne3A_2099 = arith.xori %lt3A_2096, %lt3A_2098 : i1
          %and3A_2100 = arith.andi %ne3A_2099, %ne3A_2094 : i1
          %add3A_2101 = arith.addi %rem3A_2092, %select_n3A_2091 : i32
          %select_n3A_2102 = arith.select %and3A_2100, %add3A_2101, %rem3A_2092 : i32
          %broadcast_in_dim3A_2103 = arith.constant 132 : i32
          %broadcast_in_dim3A_2104 = vector.broadcast %broadcast_in_dim3A_2103 : i32 to vector<16xi32>
          %gather3A_2105 = arith.constant 0 : i32
          %gather3A_2106 = arith.constant 0 : i32
          %gather3A_2107 = tpu.memref_slice %arg4[%select_n3A_2102, %gather3A_2105, %gather3A_2106] : memref<2x112x512xf32, #tpu.memory_space<vmem>> -> memref<1x112x512xf32, #tpu.memory_space<vmem>>
          %gather3A_2108 = tpu.memref_squeeze %gather3A_2107 : memref<1x112x512xf32, #tpu.memory_space<vmem>> -> memref<112x512xf32, #tpu.memory_space<vmem>>
          %gather3A_2109 = tpu.vector_load_idx %gather3A_2108[%add3A_818, %broadcast_in_dim3A_2104] : memref<112x512xf32, #tpu.memory_space<vmem>>[vector<16xi32>, vector<16xi32>], vector<16xf32>,
          %add3A_2110 = arith.addf %add3A_2086, %gather3A_2109 : vector<16xf32>
          %jit3A_2111 = arith.constant 2 : i32
          %eq3A_2112 = arith.constant 0 : i32
          %eq3A_2113 = arith.cmpi eq, %jit3A_2111, %eq3A_2112 : i32
          %jit3A_2114 = arith.constant 1 : i32
          %select_n3A_2115 = arith.select %eq3A_2113, %jit3A_2114, %jit3A_2111 : i32
          %rem3A_2116 = arith.remsi %scan3A_165, %select_n3A_2115 : i32
          %ne3A_2117 = arith.constant 0 : i32
          %ne3A_2118 = arith.cmpi ne, %rem3A_2116, %ne3A_2117 : i32
          %lt3A_2119 = arith.constant 0 : i32
          %lt3A_2120 = arith.cmpi slt, %rem3A_2116, %lt3A_2119 : i32
          %lt3A_2121 = arith.constant 0 : i32
          %lt3A_2122 = arith.cmpi slt, %select_n3A_2115, %lt3A_2121 : i32
          %ne3A_2123 = arith.xori %lt3A_2120, %lt3A_2122 : i1
          %and3A_2124 = arith.andi %ne3A_2123, %ne3A_2118 : i1
          %add3A_2125 = arith.addi %rem3A_2116, %select_n3A_2115 : i32
          %select_n3A_2126 = arith.select %and3A_2124, %add3A_2125, %rem3A_2116 : i32
          %broadcast_in_dim3A_2127 = arith.constant 133 : i32
          %broadcast_in_dim3A_2128 = vector.broadcast %broadcast_in_dim3A_2127 : i32 to vector<16xi32>
          %gather3A_2129 = arith.constant 0 : i32
          %gather3A_2130 = arith.constant 0 : i32
          %gather3A_2131 = tpu.memref_slice %arg4[%select_n3A_2126, %gather3A_2129, %gather3A_2130] : memref<2x112x512xf32, #tpu.memory_space<vmem>> -> memref<1x112x512xf32, #tpu.memory_space<vmem>>
          %gather3A_2132 = tpu.memref_squeeze %gather3A_2131 : memref<1x112x512xf32, #tpu.memory_space<vmem>> -> memref<112x512xf32, #tpu.memory_space<vmem>>
          %gather3A_2133 = tpu.vector_load_idx %gather3A_2132[%add3A_818, %broadcast_in_dim3A_2128] : memref<112x512xf32, #tpu.memory_space<vmem>>[vector<16xi32>, vector<16xi32>], vector<16xf32>,
          %add3A_2134 = arith.addf %add3A_2110, %gather3A_2133 : vector<16xf32>
          %jit3A_2135 = arith.constant 2 : i32
          %eq3A_2136 = arith.constant 0 : i32
          %eq3A_2137 = arith.cmpi eq, %jit3A_2135, %eq3A_2136 : i32
          %jit3A_2138 = arith.constant 1 : i32
          %select_n3A_2139 = arith.select %eq3A_2137, %jit3A_2138, %jit3A_2135 : i32
          %rem3A_2140 = arith.remsi %scan3A_165, %select_n3A_2139 : i32
          %ne3A_2141 = arith.constant 0 : i32
          %ne3A_2142 = arith.cmpi ne, %rem3A_2140, %ne3A_2141 : i32
          %lt3A_2143 = arith.constant 0 : i32
          %lt3A_2144 = arith.cmpi slt, %rem3A_2140, %lt3A_2143 : i32
          %lt3A_2145 = arith.constant 0 : i32
          %lt3A_2146 = arith.cmpi slt, %select_n3A_2139, %lt3A_2145 : i32
          %ne3A_2147 = arith.xori %lt3A_2144, %lt3A_2146 : i1
          %and3A_2148 = arith.andi %ne3A_2147, %ne3A_2142 : i1
          %add3A_2149 = arith.addi %rem3A_2140, %select_n3A_2139 : i32
          %select_n3A_2150 = arith.select %and3A_2148, %add3A_2149, %rem3A_2140 : i32
          %broadcast_in_dim3A_2151 = arith.constant 134 : i32
          %broadcast_in_dim3A_2152 = vector.broadcast %broadcast_in_dim3A_2151 : i32 to vector<16xi32>
          %gather3A_2153 = arith.constant 0 : i32
          %gather3A_2154 = arith.constant 0 : i32
          %gather3A_2155 = tpu.memref_slice %arg4[%select_n3A_2150, %gather3A_2153, %gather3A_2154] : memref<2x112x512xf32, #tpu.memory_space<vmem>> -> memref<1x112x512xf32, #tpu.memory_space<vmem>>
          %gather3A_2156 = tpu.memref_squeeze %gather3A_2155 : memref<1x112x512xf32, #tpu.memory_space<vmem>> -> memref<112x512xf32, #tpu.memory_space<vmem>>
          %gather3A_2157 = tpu.vector_load_idx %gather3A_2156[%add3A_818, %broadcast_in_dim3A_2152] : memref<112x512xf32, #tpu.memory_space<vmem>>[vector<16xi32>, vector<16xi32>], vector<16xf32>,
          %add3A_2158 = arith.addf %add3A_2134, %gather3A_2157 : vector<16xf32>
          %jit3A_2159 = arith.constant 2 : i32
          %eq3A_2160 = arith.constant 0 : i32
          %eq3A_2161 = arith.cmpi eq, %jit3A_2159, %eq3A_2160 : i32
          %jit3A_2162 = arith.constant 1 : i32
          %select_n3A_2163 = arith.select %eq3A_2161, %jit3A_2162, %jit3A_2159 : i32
          %rem3A_2164 = arith.remsi %scan3A_165, %select_n3A_2163 : i32
          %ne3A_2165 = arith.constant 0 : i32
          %ne3A_2166 = arith.cmpi ne, %rem3A_2164, %ne3A_2165 : i32
          %lt3A_2167 = arith.constant 0 : i32
          %lt3A_2168 = arith.cmpi slt, %rem3A_2164, %lt3A_2167 : i32
          %lt3A_2169 = arith.constant 0 : i32
          %lt3A_2170 = arith.cmpi slt, %select_n3A_2163, %lt3A_2169 : i32
          %ne3A_2171 = arith.xori %lt3A_2168, %lt3A_2170 : i1
          %and3A_2172 = arith.andi %ne3A_2171, %ne3A_2166 : i1
          %add3A_2173 = arith.addi %rem3A_2164, %select_n3A_2163 : i32
          %select_n3A_2174 = arith.select %and3A_2172, %add3A_2173, %rem3A_2164 : i32
          %broadcast_in_dim3A_2175 = arith.constant 135 : i32
          %broadcast_in_dim3A_2176 = vector.broadcast %broadcast_in_dim3A_2175 : i32 to vector<16xi32>
          %gather3A_2177 = arith.constant 0 : i32
          %gather3A_2178 = arith.constant 0 : i32
          %gather3A_2179 = tpu.memref_slice %arg4[%select_n3A_2174, %gather3A_2177, %gather3A_2178] : memref<2x112x512xf32, #tpu.memory_space<vmem>> -> memref<1x112x512xf32, #tpu.memory_space<vmem>>
          %gather3A_2180 = tpu.memref_squeeze %gather3A_2179 : memref<1x112x512xf32, #tpu.memory_space<vmem>> -> memref<112x512xf32, #tpu.memory_space<vmem>>
          %gather3A_2181 = tpu.vector_load_idx %gather3A_2180[%add3A_818, %broadcast_in_dim3A_2176] : memref<112x512xf32, #tpu.memory_space<vmem>>[vector<16xi32>, vector<16xi32>], vector<16xf32>,
          %add3A_2182 = arith.addf %add3A_2158, %gather3A_2181 : vector<16xf32>
          %jit3A_2183 = arith.constant 2 : i32
          %eq3A_2184 = arith.constant 0 : i32
          %eq3A_2185 = arith.cmpi eq, %jit3A_2183, %eq3A_2184 : i32
          %jit3A_2186 = arith.constant 1 : i32
          %select_n3A_2187 = arith.select %eq3A_2185, %jit3A_2186, %jit3A_2183 : i32
          %rem3A_2188 = arith.remsi %scan3A_165, %select_n3A_2187 : i32
          %ne3A_2189 = arith.constant 0 : i32
          %ne3A_2190 = arith.cmpi ne, %rem3A_2188, %ne3A_2189 : i32
          %lt3A_2191 = arith.constant 0 : i32
          %lt3A_2192 = arith.cmpi slt, %rem3A_2188, %lt3A_2191 : i32
          %lt3A_2193 = arith.constant 0 : i32
          %lt3A_2194 = arith.cmpi slt, %select_n3A_2187, %lt3A_2193 : i32
          %ne3A_2195 = arith.xori %lt3A_2192, %lt3A_2194 : i1
          %and3A_2196 = arith.andi %ne3A_2195, %ne3A_2190 : i1
          %add3A_2197 = arith.addi %rem3A_2188, %select_n3A_2187 : i32
          %select_n3A_2198 = arith.select %and3A_2196, %add3A_2197, %rem3A_2188 : i32
          %broadcast_in_dim3A_2199 = arith.constant 136 : i32
          %broadcast_in_dim3A_2200 = vector.broadcast %broadcast_in_dim3A_2199 : i32 to vector<16xi32>
          %gather3A_2201 = arith.constant 0 : i32
          %gather3A_2202 = arith.constant 0 : i32
          %gather3A_2203 = tpu.memref_slice %arg4[%select_n3A_2198, %gather3A_2201, %gather3A_2202] : memref<2x112x512xf32, #tpu.memory_space<vmem>> -> memref<1x112x512xf32, #tpu.memory_space<vmem>>
          %gather3A_2204 = tpu.memref_squeeze %gather3A_2203 : memref<1x112x512xf32, #tpu.memory_space<vmem>> -> memref<112x512xf32, #tpu.memory_space<vmem>>
          %gather3A_2205 = tpu.vector_load_idx %gather3A_2204[%add3A_818, %broadcast_in_dim3A_2200] : memref<112x512xf32, #tpu.memory_space<vmem>>[vector<16xi32>, vector<16xi32>], vector<16xf32>,
          %add3A_2206 = arith.addf %add3A_2182, %gather3A_2205 : vector<16xf32>
          %jit3A_2207 = arith.constant 2 : i32
          %eq3A_2208 = arith.constant 0 : i32
          %eq3A_2209 = arith.cmpi eq, %jit3A_2207, %eq3A_2208 : i32
          %jit3A_2210 = arith.constant 1 : i32
          %select_n3A_2211 = arith.select %eq3A_2209, %jit3A_2210, %jit3A_2207 : i32
          %rem3A_2212 = arith.remsi %scan3A_165, %select_n3A_2211 : i32
          %ne3A_2213 = arith.constant 0 : i32
          %ne3A_2214 = arith.cmpi ne, %rem3A_2212, %ne3A_2213 : i32
          %lt3A_2215 = arith.constant 0 : i32
          %lt3A_2216 = arith.cmpi slt, %rem3A_2212, %lt3A_2215 : i32
          %lt3A_2217 = arith.constant 0 : i32
          %lt3A_2218 = arith.cmpi slt, %select_n3A_2211, %lt3A_2217 : i32
          %ne3A_2219 = arith.xori %lt3A_2216, %lt3A_2218 : i1
          %and3A_2220 = arith.andi %ne3A_2219, %ne3A_2214 : i1
          %add3A_2221 = arith.addi %rem3A_2212, %select_n3A_2211 : i32
          %select_n3A_2222 = arith.select %and3A_2220, %add3A_2221, %rem3A_2212 : i32
          %broadcast_in_dim3A_2223 = arith.constant 137 : i32
          %broadcast_in_dim3A_2224 = vector.broadcast %broadcast_in_dim3A_2223 : i32 to vector<16xi32>
          %gather3A_2225 = arith.constant 0 : i32
          %gather3A_2226 = arith.constant 0 : i32
          %gather3A_2227 = tpu.memref_slice %arg4[%select_n3A_2222, %gather3A_2225, %gather3A_2226] : memref<2x112x512xf32, #tpu.memory_space<vmem>> -> memref<1x112x512xf32, #tpu.memory_space<vmem>>
          %gather3A_2228 = tpu.memref_squeeze %gather3A_2227 : memref<1x112x512xf32, #tpu.memory_space<vmem>> -> memref<112x512xf32, #tpu.memory_space<vmem>>
          %gather3A_2229 = tpu.vector_load_idx %gather3A_2228[%add3A_818, %broadcast_in_dim3A_2224] : memref<112x512xf32, #tpu.memory_space<vmem>>[vector<16xi32>, vector<16xi32>], vector<16xf32>,
          %add3A_2230 = arith.addf %add3A_2206, %gather3A_2229 : vector<16xf32>
          %jit3A_2231 = arith.constant 2 : i32
          %eq3A_2232 = arith.constant 0 : i32
          %eq3A_2233 = arith.cmpi eq, %jit3A_2231, %eq3A_2232 : i32
          %jit3A_2234 = arith.constant 1 : i32
          %select_n3A_2235 = arith.select %eq3A_2233, %jit3A_2234, %jit3A_2231 : i32
          %rem3A_2236 = arith.remsi %scan3A_165, %select_n3A_2235 : i32
          %ne3A_2237 = arith.constant 0 : i32
          %ne3A_2238 = arith.cmpi ne, %rem3A_2236, %ne3A_2237 : i32
          %lt3A_2239 = arith.constant 0 : i32
          %lt3A_2240 = arith.cmpi slt, %rem3A_2236, %lt3A_2239 : i32
          %lt3A_2241 = arith.constant 0 : i32
          %lt3A_2242 = arith.cmpi slt, %select_n3A_2235, %lt3A_2241 : i32
          %ne3A_2243 = arith.xori %lt3A_2240, %lt3A_2242 : i1
          %and3A_2244 = arith.andi %ne3A_2243, %ne3A_2238 : i1
          %add3A_2245 = arith.addi %rem3A_2236, %select_n3A_2235 : i32
          %select_n3A_2246 = arith.select %and3A_2244, %add3A_2245, %rem3A_2236 : i32
          %broadcast_in_dim3A_2247 = arith.constant 138 : i32
          %broadcast_in_dim3A_2248 = vector.broadcast %broadcast_in_dim3A_2247 : i32 to vector<16xi32>
          %gather3A_2249 = arith.constant 0 : i32
          %gather3A_2250 = arith.constant 0 : i32
          %gather3A_2251 = tpu.memref_slice %arg4[%select_n3A_2246, %gather3A_2249, %gather3A_2250] : memref<2x112x512xf32, #tpu.memory_space<vmem>> -> memref<1x112x512xf32, #tpu.memory_space<vmem>>
          %gather3A_2252 = tpu.memref_squeeze %gather3A_2251 : memref<1x112x512xf32, #tpu.memory_space<vmem>> -> memref<112x512xf32, #tpu.memory_space<vmem>>
          %gather3A_2253 = tpu.vector_load_idx %gather3A_2252[%add3A_818, %broadcast_in_dim3A_2248] : memref<112x512xf32, #tpu.memory_space<vmem>>[vector<16xi32>, vector<16xi32>], vector<16xf32>,
          %add3A_2254 = arith.addf %add3A_2230, %gather3A_2253 : vector<16xf32>
          %jit3A_2255 = arith.constant 2 : i32
          %eq3A_2256 = arith.constant 0 : i32
          %eq3A_2257 = arith.cmpi eq, %jit3A_2255, %eq3A_2256 : i32
          %jit3A_2258 = arith.constant 1 : i32
          %select_n3A_2259 = arith.select %eq3A_2257, %jit3A_2258, %jit3A_2255 : i32
          %rem3A_2260 = arith.remsi %scan3A_165, %select_n3A_2259 : i32
          %ne3A_2261 = arith.constant 0 : i32
          %ne3A_2262 = arith.cmpi ne, %rem3A_2260, %ne3A_2261 : i32
          %lt3A_2263 = arith.constant 0 : i32
          %lt3A_2264 = arith.cmpi slt, %rem3A_2260, %lt3A_2263 : i32
          %lt3A_2265 = arith.constant 0 : i32
          %lt3A_2266 = arith.cmpi slt, %select_n3A_2259, %lt3A_2265 : i32
          %ne3A_2267 = arith.xori %lt3A_2264, %lt3A_2266 : i1
          %and3A_2268 = arith.andi %ne3A_2267, %ne3A_2262 : i1
          %add3A_2269 = arith.addi %rem3A_2260, %select_n3A_2259 : i32
          %select_n3A_2270 = arith.select %and3A_2268, %add3A_2269, %rem3A_2260 : i32
          %broadcast_in_dim3A_2271 = arith.constant 139 : i32
          %broadcast_in_dim3A_2272 = vector.broadcast %broadcast_in_dim3A_2271 : i32 to vector<16xi32>
          %gather3A_2273 = arith.constant 0 : i32
          %gather3A_2274 = arith.constant 0 : i32
          %gather3A_2275 = tpu.memref_slice %arg4[%select_n3A_2270, %gather3A_2273, %gather3A_2274] : memref<2x112x512xf32, #tpu.memory_space<vmem>> -> memref<1x112x512xf32, #tpu.memory_space<vmem>>
          %gather3A_2276 = tpu.memref_squeeze %gather3A_2275 : memref<1x112x512xf32, #tpu.memory_space<vmem>> -> memref<112x512xf32, #tpu.memory_space<vmem>>
          %gather3A_2277 = tpu.vector_load_idx %gather3A_2276[%add3A_818, %broadcast_in_dim3A_2272] : memref<112x512xf32, #tpu.memory_space<vmem>>[vector<16xi32>, vector<16xi32>], vector<16xf32>,
          %add3A_2278 = arith.addf %add3A_2254, %gather3A_2277 : vector<16xf32>
          %mul3A_2279 = vector.broadcast %scan3A_59 : f32 to vector<16xf32>
          %mul3A_2280 = arith.mulf %add3A_2278, %mul3A_2279 : vector<16xf32>
          %mul3A_2281 = arith.constant 112 : i32
          %mul3A_2282 = arith.muli %select_n3A_291, %mul3A_2281 : i32
          %mul3A_2283 = arith.constant 16 : i32
          %mul3A_2284 = arith.muli %scan3A_814, %mul3A_2283 : i32
          %add3A_2285 = arith.addi %mul3A_2282, %mul3A_2284 : i32
          %swap3A_2286 = arith.constant 2 : i32
          %swap3A_2287 = arith.index_cast %select_n3A_189 : i32 to index
          %swap3A_2288 = arith.index_cast %swap3A_2286 : i32 to index
          %swap3A_2289 = arith.index_cast %select_n3A_275 : i32 to index
          %swap3A_2290 = arith.index_cast %add3A_2285 : i32 to index
          %swap3A_2291 = tpu.vector_load %arg5[%swap3A_2287, %swap3A_2288, %swap3A_2289, %swap3A_2290] {strides = array<i32>} : memref<2x3x8x224xf32, #tpu.memory_space<vmem>>, vector<16xf32>,
          tpu.vector_store %arg5[%swap3A_2287, %swap3A_2288, %swap3A_2289, %swap3A_2290], %mul3A_2280 {strides = array<i32>} : memref<2x3x8x224xf32, #tpu.memory_space<vmem>>, vector<16xf32>,
        }
        %scan3A_790 = arith.constant 7 : i32
        %add3A_791 = arith.constant 1 : i32
        %add3A_792 = arith.addi %scan3A_165, %add3A_791 : i32
        %jit3A_793 = arith.constant 16 : i32
        %eq3A_794 = arith.constant 0 : i32
        %eq3A_795 = arith.cmpi eq, %jit3A_793, %eq3A_794 : i32
        %jit3A_796 = arith.constant 1 : i32
        %select_n3A_797 = arith.select %eq3A_795, %jit3A_796, %jit3A_793 : i32
        %rem3A_798 = arith.remsi %add3A_792, %select_n3A_797 : i32
        %ne3A_799 = arith.constant 0 : i32
        %ne3A_800 = arith.cmpi ne, %rem3A_798, %ne3A_799 : i32
        %lt3A_801 = arith.constant 0 : i32
        %lt3A_802 = arith.cmpi slt, %rem3A_798, %lt3A_801 : i32
        %lt3A_803 = arith.constant 0 : i32
        %lt3A_804 = arith.cmpi slt, %select_n3A_797, %lt3A_803 : i32
        %ne3A_805 = arith.xori %lt3A_802, %lt3A_804 : i1
        %and3A_806 = arith.andi %ne3A_805, %ne3A_800 : i1
        %add3A_807 = arith.addi %rem3A_798, %select_n3A_797 : i32
        %select_n3A_808 = arith.select %and3A_806, %add3A_807, %rem3A_798 : i32
        %eq3A_809 = arith.constant 0 : i32
        %eq3A_810 = arith.cmpi eq, %select_n3A_808, %eq3A_809 : i32
        %convert_element_type3A_811 = arith.extui %eq3A_810 : i1 to i32
        %cond3A_812 = arith.constant 0 : i32
        %cond3A_813 = arith.cmpi ne, %convert_element_type3A_811, %cond3A_812 : i32
        scf.if %cond3A_813 {
          %dma_start3A = arith.constant 0 : i32
          %dma_start3A_814 = arith.constant 0 : i32
          %dma_start3A_815 = arith.constant 0 : i32
          %dma_start3A_816 = arith.constant 0 : i32
          %dma_start3A_817 = tpu.memref_slice %arg5[%select_n3A_189, %dma_start3A, %dma_start3A_815, %dma_start3A_816] : memref<2x3x8x224xf32, #tpu.memory_space<vmem>> -> memref<1x1x8x224xf32, #tpu.memory_space<vmem>>
          %dma_start3A_818 = tpu.memref_squeeze %dma_start3A_817 : memref<1x1x8x224xf32, #tpu.memory_space<vmem>> -> memref<8x224xf32, #tpu.memory_space<vmem>>
          %dma_start3A_819 = arith.constant 0 : i32
          %dma_start3A_820 = tpu.memref_slice %arg3[%select_n3A_232, %dma_start3A_814, %multiple_of3A_251, %dma_start3A_819] : memref<2x3x224x224xf32, #tpu.memory_space<hbm>> -> memref<1x1x8x224xf32, #tpu.memory_space<hbm>>
          %dma_start3A_821 = tpu.memref_squeeze %dma_start3A_820 : memref<1x1x8x224xf32, #tpu.memory_space<hbm>> -> memref<8x224xf32, #tpu.memory_space<hbm>>
          %dma_start3A_822 = arith.constant 0 : i32
          %dma_start3A_823 = tpu.memref_slice %arg3[%select_n3A_232, %dma_start3A_814, %multiple_of3A_251, %dma_start3A_822] : memref<2x3x224x224xf32, #tpu.memory_space<hbm>> -> memref<1x1x8x224xf32, #tpu.memory_space<hbm>>
          %dma_start3A_824 = tpu.memref_squeeze %dma_start3A_823 : memref<1x1x8x224xf32, #tpu.memory_space<hbm>> -> memref<8x224xf32, #tpu.memory_space<hbm>>
          %dma_start3A_825 = arith.constant 0 : i32
          %dma_start3A_826 = arith.constant 0 : i32
          %dma_start3A_827 = tpu.memref_slice %arg5[%select_n3A_189, %dma_start3A, %dma_start3A_825, %dma_start3A_826] : memref<2x3x8x224xf32, #tpu.memory_space<vmem>> -> memref<1x1x8x224xf32, #tpu.memory_space<vmem>>
          %dma_start3A_828 = tpu.memref_squeeze %dma_start3A_827 : memref<1x1x8x224xf32, #tpu.memory_space<vmem>> -> memref<8x224xf32, #tpu.memory_space<vmem>>
          tpu.enqueue_dma source(%dma_start3A_828 : memref<8x224xf32, #tpu.memory_space<vmem>>) target(%dma_start3A_824 : memref<8x224xf32, #tpu.memory_space<hbm>>) target_semaphore(%arg8 : memref<!tpu.dma_semaphore, #tpu.memory_space<semaphore_mem>>)
          %dma_start3A_829 = arith.constant 1 : i32
          %dma_start3A_830 = arith.constant 1 : i32
          %dma_start3A_831 = arith.constant 0 : i32
          %dma_start3A_832 = arith.constant 0 : i32
          %dma_start3A_833 = tpu.memref_slice %arg5[%select_n3A_189, %dma_start3A_829, %dma_start3A_831, %dma_start3A_832] : memref<2x3x8x224xf32, #tpu.memory_space<vmem>> -> memref<1x1x8x224xf32, #tpu.memory_space<vmem>>
          %dma_start3A_834 = tpu.memref_squeeze %dma_start3A_833 : memref<1x1x8x224xf32, #tpu.memory_space<vmem>> -> memref<8x224xf32, #tpu.memory_space<vmem>>
          %dma_start3A_835 = arith.constant 0 : i32
          %dma_start3A_836 = tpu.memref_slice %arg3[%select_n3A_232, %dma_start3A_830, %multiple_of3A_251, %dma_start3A_835] : memref<2x3x224x224xf32, #tpu.memory_space<hbm>> -> memref<1x1x8x224xf32, #tpu.memory_space<hbm>>
          %dma_start3A_837 = tpu.memref_squeeze %dma_start3A_836 : memref<1x1x8x224xf32, #tpu.memory_space<hbm>> -> memref<8x224xf32, #tpu.memory_space<hbm>>
          %dma_start3A_838 = arith.constant 0 : i32
          %dma_start3A_839 = tpu.memref_slice %arg3[%select_n3A_232, %dma_start3A_830, %multiple_of3A_251, %dma_start3A_838] : memref<2x3x224x224xf32, #tpu.memory_space<hbm>> -> memref<1x1x8x224xf32, #tpu.memory_space<hbm>>
          %dma_start3A_840 = tpu.memref_squeeze %dma_start3A_839 : memref<1x1x8x224xf32, #tpu.memory_space<hbm>> -> memref<8x224xf32, #tpu.memory_space<hbm>>
          %dma_start3A_841 = arith.constant 0 : i32
          %dma_start3A_842 = arith.constant 0 : i32
          %dma_start3A_843 = tpu.memref_slice %arg5[%select_n3A_189, %dma_start3A_829, %dma_start3A_841, %dma_start3A_842] : memref<2x3x8x224xf32, #tpu.memory_space<vmem>> -> memref<1x1x8x224xf32, #tpu.memory_space<vmem>>
          %dma_start3A_844 = tpu.memref_squeeze %dma_start3A_843 : memref<1x1x8x224xf32, #tpu.memory_space<vmem>> -> memref<8x224xf32, #tpu.memory_space<vmem>>
          tpu.enqueue_dma source(%dma_start3A_844 : memref<8x224xf32, #tpu.memory_space<vmem>>) target(%dma_start3A_840 : memref<8x224xf32, #tpu.memory_space<hbm>>) target_semaphore(%arg8 : memref<!tpu.dma_semaphore, #tpu.memory_space<semaphore_mem>>)
          %dma_start3A_845 = arith.constant 2 : i32
          %dma_start3A_846 = arith.constant 2 : i32
          %dma_start3A_847 = arith.constant 0 : i32
          %dma_start3A_848 = arith.constant 0 : i32
          %dma_start3A_849 = tpu.memref_slice %arg5[%select_n3A_189, %dma_start3A_845, %dma_start3A_847, %dma_start3A_848] : memref<2x3x8x224xf32, #tpu.memory_space<vmem>> -> memref<1x1x8x224xf32, #tpu.memory_space<vmem>>
          %dma_start3A_850 = tpu.memref_squeeze %dma_start3A_849 : memref<1x1x8x224xf32, #tpu.memory_space<vmem>> -> memref<8x224xf32, #tpu.memory_space<vmem>>
          %dma_start3A_851 = arith.constant 0 : i32
          %dma_start3A_852 = tpu.memref_slice %arg3[%select_n3A_232, %dma_start3A_846, %multiple_of3A_251, %dma_start3A_851] : memref<2x3x224x224xf32, #tpu.memory_space<hbm>> -> memref<1x1x8x224xf32, #tpu.memory_space<hbm>>
          %dma_start3A_853 = tpu.memref_squeeze %dma_start3A_852 : memref<1x1x8x224xf32, #tpu.memory_space<hbm>> -> memref<8x224xf32, #tpu.memory_space<hbm>>
          %dma_start3A_854 = arith.constant 0 : i32
          %dma_start3A_855 = tpu.memref_slice %arg3[%select_n3A_232, %dma_start3A_846, %multiple_of3A_251, %dma_start3A_854] : memref<2x3x224x224xf32, #tpu.memory_space<hbm>> -> memref<1x1x8x224xf32, #tpu.memory_space<hbm>>
          %dma_start3A_856 = tpu.memref_squeeze %dma_start3A_855 : memref<1x1x8x224xf32, #tpu.memory_space<hbm>> -> memref<8x224xf32, #tpu.memory_space<hbm>>
          %dma_start3A_857 = arith.constant 0 : i32
          %dma_start3A_858 = arith.constant 0 : i32
          %dma_start3A_859 = tpu.memref_slice %arg5[%select_n3A_189, %dma_start3A_845, %dma_start3A_857, %dma_start3A_858] : memref<2x3x8x224xf32, #tpu.memory_space<vmem>> -> memref<1x1x8x224xf32, #tpu.memory_space<vmem>>
          %dma_start3A_860 = tpu.memref_squeeze %dma_start3A_859 : memref<1x1x8x224xf32, #tpu.memory_space<vmem>> -> memref<8x224xf32, #tpu.memory_space<vmem>>
          tpu.enqueue_dma source(%dma_start3A_860 : memref<8x224xf32, #tpu.memory_space<vmem>>) target(%dma_start3A_856 : memref<8x224xf32, #tpu.memory_space<hbm>>) target_semaphore(%arg8 : memref<!tpu.dma_semaphore, #tpu.memory_space<semaphore_mem>>)
        } else {
        }
      } else {
      }
    }
    %scan3A_64 = arith.constant 32 : i32
    %add3A_65 = arith.constant 0 : i32
    %add3A_66 = arith.addi %add3A_65, %add3A : i32
    %jit3A_67 = arith.constant 28 : i32
    %div3A_68 = arith.divsi %add3A_66, %jit3A_67 : i32
    %sign3A_69 = arith.constant 0 : i32
    %sign3A_70 = arith.cmpi sgt, %add3A_66, %sign3A_69 : i32
    %sign3A_71 = arith.extui %sign3A_70 : i1 to i32
    %sign3A_72 = arith.constant 0 : i32
    %sign3A_73 = arith.cmpi slt, %add3A_66, %sign3A_72 : i32
    %sign3A_74 = arith.extui %sign3A_73 : i1 to i32
    %sign3A_75 = arith.subi %sign3A_71, %sign3A_74 : i32
    %sign3A_76 = arith.constant 0 : i32
    %sign3A_77 = arith.cmpi sgt, %jit3A_67, %sign3A_76 : i32
    %sign3A_78 = arith.extui %sign3A_77 : i1 to i32
    %sign3A_79 = arith.constant 0 : i32
    %sign3A_80 = arith.cmpi slt, %jit3A_67, %sign3A_79 : i32
    %sign3A_81 = arith.extui %sign3A_80 : i1 to i32
    %sign3A_82 = arith.subi %sign3A_78, %sign3A_81 : i32
    %ne3A_83 = arith.cmpi ne, %sign3A_75, %sign3A_82 : i32
    %rem3A_84 = arith.remsi %add3A_66, %jit3A_67 : i32
    %ne3A_85 = arith.constant 0 : i32
    %ne3A_86 = arith.cmpi ne, %rem3A_84, %ne3A_85 : i32
    %and3A_87 = arith.andi %ne3A_83, %ne3A_86 : i1
    %sub3A_88 = arith.constant 1 : i32
    %sub3A_89 = arith.subi %div3A_68, %sub3A_88 : i32
    %select_n3A_90 = arith.select %and3A_87, %sub3A_89, %div3A_68 : i32
    %jit3A_91 = arith.constant 28 : i32
    %eq3A_92 = arith.constant 0 : i32
    %eq3A_93 = arith.cmpi eq, %jit3A_91, %eq3A_92 : i32
    %jit3A_94 = arith.constant 1 : i32
    %select_n3A_95 = arith.select %eq3A_93, %jit3A_94, %jit3A_91 : i32
    %rem3A_96 = arith.remsi %add3A_66, %select_n3A_95 : i32
    %ne3A_97 = arith.constant 0 : i32
    %ne3A_98 = arith.cmpi ne, %rem3A_96, %ne3A_97 : i32
    %lt3A_99 = arith.constant 0 : i32
    %lt3A_100 = arith.cmpi slt, %rem3A_96, %lt3A_99 : i32
    %lt3A_101 = arith.constant 0 : i32
    %lt3A_102 = arith.cmpi slt, %select_n3A_95, %lt3A_101 : i32
    %ne3A_103 = arith.xori %lt3A_100, %lt3A_102 : i1
    %and3A_104 = arith.andi %ne3A_103, %ne3A_98 : i1
    %add3A_105 = arith.addi %rem3A_96, %select_n3A_95 : i32
    %select_n3A_106 = arith.select %and3A_104, %add3A_105, %rem3A_96 : i32
    %mul3A_107 = arith.constant 8 : i32
    %mul3A_108 = arith.muli %select_n3A_106, %mul3A_107 : i32
    %multiple_of3A_109 = tpu.assume_multiple %mul3A_108, 8 : i32
    %lt3A_110 = arith.constant 56 : i32
    %lt3A_111 = arith.cmpi slt, %add3A_66, %lt3A_110 : i32
    %convert_element_type3A_112 = arith.extui %lt3A_111 : i1 to i32
    %cond3A_113 = arith.constant 0 : i32
    %cond3A_114 = arith.cmpi ne, %convert_element_type3A_112, %cond3A_113 : i32
    scf.if %cond3A_114 {
      %dma_wait3A = arith.constant 0 : i32
      %dma_wait3A_165 = arith.constant 0 : i32
      %dma_wait3A_166 = arith.constant 0 : i32
      %dma_wait3A_167 = arith.constant 0 : i32
      %dma_wait3A_168 = arith.constant 0 : i32
      %dma_wait3A_169 = tpu.memref_slice %arg5[%dma_wait3A, %dma_wait3A_165, %dma_wait3A_167, %dma_wait3A_168] : memref<2x3x8x224xf32, #tpu.memory_space<vmem>> -> memref<1x1x8x224xf32, #tpu.memory_space<vmem>>
      %dma_wait3A_170 = tpu.memref_squeeze %dma_wait3A_169 : memref<1x1x8x224xf32, #tpu.memory_space<vmem>> -> memref<8x224xf32, #tpu.memory_space<vmem>>
      %dma_wait3A_171 = arith.constant 0 : i32
      %dma_wait3A_172 = tpu.memref_slice %arg3[%select_n3A_90, %dma_wait3A_166, %multiple_of3A_109, %dma_wait3A_171] : memref<2x3x224x224xf32, #tpu.memory_space<hbm>> -> memref<1x1x8x224xf32, #tpu.memory_space<hbm>>
      %dma_wait3A_173 = tpu.memref_squeeze %dma_wait3A_172 : memref<1x1x8x224xf32, #tpu.memory_space<hbm>> -> memref<8x224xf32, #tpu.memory_space<hbm>>
      %dma_wait3A_174 = arith.constant 0 : i32
      %dma_wait3A_175 = tpu.memref_slice %arg3[%select_n3A_90, %dma_wait3A_166, %multiple_of3A_109, %dma_wait3A_174] : memref<2x3x224x224xf32, #tpu.memory_space<hbm>> -> memref<1x1x8x224xf32, #tpu.memory_space<hbm>>
      %dma_wait3A_176 = tpu.memref_squeeze %dma_wait3A_175 : memref<1x1x8x224xf32, #tpu.memory_space<hbm>> -> memref<8x224xf32, #tpu.memory_space<hbm>>
      %dma_wait3A_177 = arith.constant 0 : i32
      %dma_wait3A_178 = arith.constant 0 : i32
      %dma_wait3A_179 = tpu.memref_slice %arg5[%dma_wait3A, %dma_wait3A_165, %dma_wait3A_177, %dma_wait3A_178] : memref<2x3x8x224xf32, #tpu.memory_space<vmem>> -> memref<1x1x8x224xf32, #tpu.memory_space<vmem>>
      %dma_wait3A_180 = tpu.memref_squeeze %dma_wait3A_179 : memref<1x1x8x224xf32, #tpu.memory_space<vmem>> -> memref<8x224xf32, #tpu.memory_space<vmem>>
      tpu.wait_dma2 semaphore(%arg8 : memref<!tpu.dma_semaphore, #tpu.memory_space<semaphore_mem>>) src(%dma_wait3A_180 : memref<8x224xf32, #tpu.memory_space<vmem>>) dst(%dma_wait3A_176 : memref<8x224xf32, #tpu.memory_space<hbm>>)
      %dma_wait3A_181 = arith.constant 0 : i32
      %dma_wait3A_182 = arith.constant 1 : i32
      %dma_wait3A_183 = arith.constant 1 : i32
      %dma_wait3A_184 = arith.constant 0 : i32
      %dma_wait3A_185 = arith.constant 0 : i32
      %dma_wait3A_186 = tpu.memref_slice %arg5[%dma_wait3A_181, %dma_wait3A_182, %dma_wait3A_184, %dma_wait3A_185] : memref<2x3x8x224xf32, #tpu.memory_space<vmem>> -> memref<1x1x8x224xf32, #tpu.memory_space<vmem>>
      %dma_wait3A_187 = tpu.memref_squeeze %dma_wait3A_186 : memref<1x1x8x224xf32, #tpu.memory_space<vmem>> -> memref<8x224xf32, #tpu.memory_space<vmem>>
      %dma_wait3A_188 = arith.constant 0 : i32
      %dma_wait3A_189 = tpu.memref_slice %arg3[%select_n3A_90, %dma_wait3A_183, %multiple_of3A_109, %dma_wait3A_188] : memref<2x3x224x224xf32, #tpu.memory_space<hbm>> -> memref<1x1x8x224xf32, #tpu.memory_space<hbm>>
      %dma_wait3A_190 = tpu.memref_squeeze %dma_wait3A_189 : memref<1x1x8x224xf32, #tpu.memory_space<hbm>> -> memref<8x224xf32, #tpu.memory_space<hbm>>
      %dma_wait3A_191 = arith.constant 0 : i32
      %dma_wait3A_192 = tpu.memref_slice %arg3[%select_n3A_90, %dma_wait3A_183, %multiple_of3A_109, %dma_wait3A_191] : memref<2x3x224x224xf32, #tpu.memory_space<hbm>> -> memref<1x1x8x224xf32, #tpu.memory_space<hbm>>
      %dma_wait3A_193 = tpu.memref_squeeze %dma_wait3A_192 : memref<1x1x8x224xf32, #tpu.memory_space<hbm>> -> memref<8x224xf32, #tpu.memory_space<hbm>>
      %dma_wait3A_194 = arith.constant 0 : i32
      %dma_wait3A_195 = arith.constant 0 : i32
      %dma_wait3A_196 = tpu.memref_slice %arg5[%dma_wait3A_181, %dma_wait3A_182, %dma_wait3A_194, %dma_wait3A_195] : memref<2x3x8x224xf32, #tpu.memory_space<vmem>> -> memref<1x1x8x224xf32, #tpu.memory_space<vmem>>
      %dma_wait3A_197 = tpu.memref_squeeze %dma_wait3A_196 : memref<1x1x8x224xf32, #tpu.memory_space<vmem>> -> memref<8x224xf32, #tpu.memory_space<vmem>>
      tpu.wait_dma2 semaphore(%arg8 : memref<!tpu.dma_semaphore, #tpu.memory_space<semaphore_mem>>) src(%dma_wait3A_197 : memref<8x224xf32, #tpu.memory_space<vmem>>) dst(%dma_wait3A_193 : memref<8x224xf32, #tpu.memory_space<hbm>>)
      %dma_wait3A_198 = arith.constant 0 : i32
      %dma_wait3A_199 = arith.constant 2 : i32
      %dma_wait3A_200 = arith.constant 2 : i32
      %dma_wait3A_201 = arith.constant 0 : i32
      %dma_wait3A_202 = arith.constant 0 : i32
      %dma_wait3A_203 = tpu.memref_slice %arg5[%dma_wait3A_198, %dma_wait3A_199, %dma_wait3A_201, %dma_wait3A_202] : memref<2x3x8x224xf32, #tpu.memory_space<vmem>> -> memref<1x1x8x224xf32, #tpu.memory_space<vmem>>
      %dma_wait3A_204 = tpu.memref_squeeze %dma_wait3A_203 : memref<1x1x8x224xf32, #tpu.memory_space<vmem>> -> memref<8x224xf32, #tpu.memory_space<vmem>>
      %dma_wait3A_205 = arith.constant 0 : i32
      %dma_wait3A_206 = tpu.memref_slice %arg3[%select_n3A_90, %dma_wait3A_200, %multiple_of3A_109, %dma_wait3A_205] : memref<2x3x224x224xf32, #tpu.memory_space<hbm>> -> memref<1x1x8x224xf32, #tpu.memory_space<hbm>>
      %dma_wait3A_207 = tpu.memref_squeeze %dma_wait3A_206 : memref<1x1x8x224xf32, #tpu.memory_space<hbm>> -> memref<8x224xf32, #tpu.memory_space<hbm>>
      %dma_wait3A_208 = arith.constant 0 : i32
      %dma_wait3A_209 = tpu.memref_slice %arg3[%select_n3A_90, %dma_wait3A_200, %multiple_of3A_109, %dma_wait3A_208] : memref<2x3x224x224xf32, #tpu.memory_space<hbm>> -> memref<1x1x8x224xf32, #tpu.memory_space<hbm>>
      %dma_wait3A_210 = tpu.memref_squeeze %dma_wait3A_209 : memref<1x1x8x224xf32, #tpu.memory_space<hbm>> -> memref<8x224xf32, #tpu.memory_space<hbm>>
      %dma_wait3A_211 = arith.constant 0 : i32
      %dma_wait3A_212 = arith.constant 0 : i32
      %dma_wait3A_213 = tpu.memref_slice %arg5[%dma_wait3A_198, %dma_wait3A_199, %dma_wait3A_211, %dma_wait3A_212] : memref<2x3x8x224xf32, #tpu.memory_space<vmem>> -> memref<1x1x8x224xf32, #tpu.memory_space<vmem>>
      %dma_wait3A_214 = tpu.memref_squeeze %dma_wait3A_213 : memref<1x1x8x224xf32, #tpu.memory_space<vmem>> -> memref<8x224xf32, #tpu.memory_space<vmem>>
      tpu.wait_dma2 semaphore(%arg8 : memref<!tpu.dma_semaphore, #tpu.memory_space<semaphore_mem>>) src(%dma_wait3A_214 : memref<8x224xf32, #tpu.memory_space<vmem>>) dst(%dma_wait3A_210 : memref<8x224xf32, #tpu.memory_space<hbm>>)
    } else {
    }
    %add3A_115 = arith.constant 32 : i32
    %add3A_116 = arith.addi %add3A_115, %add3A : i32
    %jit3A_117 = arith.constant 28 : i32
    %div3A_118 = arith.divsi %add3A_116, %jit3A_117 : i32
    %sign3A_119 = arith.constant 0 : i32
    %sign3A_120 = arith.cmpi sgt, %add3A_116, %sign3A_119 : i32
    %sign3A_121 = arith.extui %sign3A_120 : i1 to i32
    %sign3A_122 = arith.constant 0 : i32
    %sign3A_123 = arith.cmpi slt, %add3A_116, %sign3A_122 : i32
    %sign3A_124 = arith.extui %sign3A_123 : i1 to i32
    %sign3A_125 = arith.subi %sign3A_121, %sign3A_124 : i32
    %sign3A_126 = arith.constant 0 : i32
    %sign3A_127 = arith.cmpi sgt, %jit3A_117, %sign3A_126 : i32
    %sign3A_128 = arith.extui %sign3A_127 : i1 to i32
    %sign3A_129 = arith.constant 0 : i32
    %sign3A_130 = arith.cmpi slt, %jit3A_117, %sign3A_129 : i32
    %sign3A_131 = arith.extui %sign3A_130 : i1 to i32
    %sign3A_132 = arith.subi %sign3A_128, %sign3A_131 : i32
    %ne3A_133 = arith.cmpi ne, %sign3A_125, %sign3A_132 : i32
    %rem3A_134 = arith.remsi %add3A_116, %jit3A_117 : i32
    %ne3A_135 = arith.constant 0 : i32
    %ne3A_136 = arith.cmpi ne, %rem3A_134, %ne3A_135 : i32
    %and3A_137 = arith.andi %ne3A_133, %ne3A_136 : i1
    %sub3A_138 = arith.constant 1 : i32
    %sub3A_139 = arith.subi %div3A_118, %sub3A_138 : i32
    %select_n3A_140 = arith.select %and3A_137, %sub3A_139, %div3A_118 : i32
    %jit3A_141 = arith.constant 28 : i32
    %eq3A_142 = arith.constant 0 : i32
    %eq3A_143 = arith.cmpi eq, %jit3A_141, %eq3A_142 : i32
    %jit3A_144 = arith.constant 1 : i32
    %select_n3A_145 = arith.select %eq3A_143, %jit3A_144, %jit3A_141 : i32
    %rem3A_146 = arith.remsi %add3A_116, %select_n3A_145 : i32
    %ne3A_147 = arith.constant 0 : i32
    %ne3A_148 = arith.cmpi ne, %rem3A_146, %ne3A_147 : i32
    %lt3A_149 = arith.constant 0 : i32
    %lt3A_150 = arith.cmpi slt, %rem3A_146, %lt3A_149 : i32
    %lt3A_151 = arith.constant 0 : i32
    %lt3A_152 = arith.cmpi slt, %select_n3A_145, %lt3A_151 : i32
    %ne3A_153 = arith.xori %lt3A_150, %lt3A_152 : i1
    %and3A_154 = arith.andi %ne3A_153, %ne3A_148 : i1
    %add3A_155 = arith.addi %rem3A_146, %select_n3A_145 : i32
    %select_n3A_156 = arith.select %and3A_154, %add3A_155, %rem3A_146 : i32
    %mul3A_157 = arith.constant 8 : i32
    %mul3A_158 = arith.muli %select_n3A_156, %mul3A_157 : i32
    %multiple_of3A_159 = tpu.assume_multiple %mul3A_158, 8 : i32
    %lt3A_160 = arith.constant 56 : i32
    %lt3A_161 = arith.cmpi slt, %add3A_116, %lt3A_160 : i32
    %convert_element_type3A_162 = arith.extui %lt3A_161 : i1 to i32
    %cond3A_163 = arith.constant 0 : i32
    %cond3A_164 = arith.cmpi ne, %convert_element_type3A_162, %cond3A_163 : i32
    scf.if %cond3A_164 {
      %dma_wait3A = arith.constant 1 : i32
      %dma_wait3A_165 = arith.constant 0 : i32
      %dma_wait3A_166 = arith.constant 0 : i32
      %dma_wait3A_167 = arith.constant 0 : i32
      %dma_wait3A_168 = arith.constant 0 : i32
      %dma_wait3A_169 = tpu.memref_slice %arg5[%dma_wait3A, %dma_wait3A_165, %dma_wait3A_167, %dma_wait3A_168] : memref<2x3x8x224xf32, #tpu.memory_space<vmem>> -> memref<1x1x8x224xf32, #tpu.memory_space<vmem>>
      %dma_wait3A_170 = tpu.memref_squeeze %dma_wait3A_169 : memref<1x1x8x224xf32, #tpu.memory_space<vmem>> -> memref<8x224xf32, #tpu.memory_space<vmem>>
      %dma_wait3A_171 = arith.constant 0 : i32
      %dma_wait3A_172 = tpu.memref_slice %arg3[%select_n3A_140, %dma_wait3A_166, %multiple_of3A_159, %dma_wait3A_171] : memref<2x3x224x224xf32, #tpu.memory_space<hbm>> -> memref<1x1x8x224xf32, #tpu.memory_space<hbm>>
      %dma_wait3A_173 = tpu.memref_squeeze %dma_wait3A_172 : memref<1x1x8x224xf32, #tpu.memory_space<hbm>> -> memref<8x224xf32, #tpu.memory_space<hbm>>
      %dma_wait3A_174 = arith.constant 0 : i32
      %dma_wait3A_175 = tpu.memref_slice %arg3[%select_n3A_140, %dma_wait3A_166, %multiple_of3A_159, %dma_wait3A_174] : memref<2x3x224x224xf32, #tpu.memory_space<hbm>> -> memref<1x1x8x224xf32, #tpu.memory_space<hbm>>
      %dma_wait3A_176 = tpu.memref_squeeze %dma_wait3A_175 : memref<1x1x8x224xf32, #tpu.memory_space<hbm>> -> memref<8x224xf32, #tpu.memory_space<hbm>>
      %dma_wait3A_177 = arith.constant 0 : i32
      %dma_wait3A_178 = arith.constant 0 : i32
      %dma_wait3A_179 = tpu.memref_slice %arg5[%dma_wait3A, %dma_wait3A_165, %dma_wait3A_177, %dma_wait3A_178] : memref<2x3x8x224xf32, #tpu.memory_space<vmem>> -> memref<1x1x8x224xf32, #tpu.memory_space<vmem>>
      %dma_wait3A_180 = tpu.memref_squeeze %dma_wait3A_179 : memref<1x1x8x224xf32, #tpu.memory_space<vmem>> -> memref<8x224xf32, #tpu.memory_space<vmem>>
      tpu.wait_dma2 semaphore(%arg8 : memref<!tpu.dma_semaphore, #tpu.memory_space<semaphore_mem>>) src(%dma_wait3A_180 : memref<8x224xf32, #tpu.memory_space<vmem>>) dst(%dma_wait3A_176 : memref<8x224xf32, #tpu.memory_space<hbm>>)
      %dma_wait3A_181 = arith.constant 1 : i32
      %dma_wait3A_182 = arith.constant 1 : i32
      %dma_wait3A_183 = arith.constant 1 : i32
      %dma_wait3A_184 = arith.constant 0 : i32
      %dma_wait3A_185 = arith.constant 0 : i32
      %dma_wait3A_186 = tpu.memref_slice %arg5[%dma_wait3A_181, %dma_wait3A_182, %dma_wait3A_184, %dma_wait3A_185] : memref<2x3x8x224xf32, #tpu.memory_space<vmem>> -> memref<1x1x8x224xf32, #tpu.memory_space<vmem>>
      %dma_wait3A_187 = tpu.memref_squeeze %dma_wait3A_186 : memref<1x1x8x224xf32, #tpu.memory_space<vmem>> -> memref<8x224xf32, #tpu.memory_space<vmem>>
      %dma_wait3A_188 = arith.constant 0 : i32
      %dma_wait3A_189 = tpu.memref_slice %arg3[%select_n3A_140, %dma_wait3A_183, %multiple_of3A_159, %dma_wait3A_188] : memref<2x3x224x224xf32, #tpu.memory_space<hbm>> -> memref<1x1x8x224xf32, #tpu.memory_space<hbm>>
      %dma_wait3A_190 = tpu.memref_squeeze %dma_wait3A_189 : memref<1x1x8x224xf32, #tpu.memory_space<hbm>> -> memref<8x224xf32, #tpu.memory_space<hbm>>
      %dma_wait3A_191 = arith.constant 0 : i32
      %dma_wait3A_192 = tpu.memref_slice %arg3[%select_n3A_140, %dma_wait3A_183, %multiple_of3A_159, %dma_wait3A_191] : memref<2x3x224x224xf32, #tpu.memory_space<hbm>> -> memref<1x1x8x224xf32, #tpu.memory_space<hbm>>
      %dma_wait3A_193 = tpu.memref_squeeze %dma_wait3A_192 : memref<1x1x8x224xf32, #tpu.memory_space<hbm>> -> memref<8x224xf32, #tpu.memory_space<hbm>>
      %dma_wait3A_194 = arith.constant 0 : i32
      %dma_wait3A_195 = arith.constant 0 : i32
      %dma_wait3A_196 = tpu.memref_slice %arg5[%dma_wait3A_181, %dma_wait3A_182, %dma_wait3A_194, %dma_wait3A_195] : memref<2x3x8x224xf32, #tpu.memory_space<vmem>> -> memref<1x1x8x224xf32, #tpu.memory_space<vmem>>
      %dma_wait3A_197 = tpu.memref_squeeze %dma_wait3A_196 : memref<1x1x8x224xf32, #tpu.memory_space<vmem>> -> memref<8x224xf32, #tpu.memory_space<vmem>>
      tpu.wait_dma2 semaphore(%arg8 : memref<!tpu.dma_semaphore, #tpu.memory_space<semaphore_mem>>) src(%dma_wait3A_197 : memref<8x224xf32, #tpu.memory_space<vmem>>) dst(%dma_wait3A_193 : memref<8x224xf32, #tpu.memory_space<hbm>>)
      %dma_wait3A_198 = arith.constant 1 : i32
      %dma_wait3A_199 = arith.constant 2 : i32
      %dma_wait3A_200 = arith.constant 2 : i32
      %dma_wait3A_201 = arith.constant 0 : i32
      %dma_wait3A_202 = arith.constant 0 : i32
      %dma_wait3A_203 = tpu.memref_slice %arg5[%dma_wait3A_198, %dma_wait3A_199, %dma_wait3A_201, %dma_wait3A_202] : memref<2x3x8x224xf32, #tpu.memory_space<vmem>> -> memref<1x1x8x224xf32, #tpu.memory_space<vmem>>
      %dma_wait3A_204 = tpu.memref_squeeze %dma_wait3A_203 : memref<1x1x8x224xf32, #tpu.memory_space<vmem>> -> memref<8x224xf32, #tpu.memory_space<vmem>>
      %dma_wait3A_205 = arith.constant 0 : i32
      %dma_wait3A_206 = tpu.memref_slice %arg3[%select_n3A_140, %dma_wait3A_200, %multiple_of3A_159, %dma_wait3A_205] : memref<2x3x224x224xf32, #tpu.memory_space<hbm>> -> memref<1x1x8x224xf32, #tpu.memory_space<hbm>>
      %dma_wait3A_207 = tpu.memref_squeeze %dma_wait3A_206 : memref<1x1x8x224xf32, #tpu.memory_space<hbm>> -> memref<8x224xf32, #tpu.memory_space<hbm>>
      %dma_wait3A_208 = arith.constant 0 : i32
      %dma_wait3A_209 = tpu.memref_slice %arg3[%select_n3A_140, %dma_wait3A_200, %multiple_of3A_159, %dma_wait3A_208] : memref<2x3x224x224xf32, #tpu.memory_space<hbm>> -> memref<1x1x8x224xf32, #tpu.memory_space<hbm>>
      %dma_wait3A_210 = tpu.memref_squeeze %dma_wait3A_209 : memref<1x1x8x224xf32, #tpu.memory_space<hbm>> -> memref<8x224xf32, #tpu.memory_space<hbm>>
      %dma_wait3A_211 = arith.constant 0 : i32
      %dma_wait3A_212 = arith.constant 0 : i32
      %dma_wait3A_213 = tpu.memref_slice %arg5[%dma_wait3A_198, %dma_wait3A_199, %dma_wait3A_211, %dma_wait3A_212] : memref<2x3x8x224xf32, #tpu.memory_space<vmem>> -> memref<1x1x8x224xf32, #tpu.memory_space<vmem>>
      %dma_wait3A_214 = tpu.memref_squeeze %dma_wait3A_213 : memref<1x1x8x224xf32, #tpu.memory_space<vmem>> -> memref<8x224xf32, #tpu.memory_space<vmem>>
      tpu.wait_dma2 semaphore(%arg8 : memref<!tpu.dma_semaphore, #tpu.memory_space<semaphore_mem>>) src(%dma_wait3A_214 : memref<8x224xf32, #tpu.memory_space<vmem>>) dst(%dma_wait3A_210 : memref<8x224xf32, #tpu.memory_space<hbm>>)
    } else {
    }
    return
  }
}

</mosaic_0001>

<sc_bundles>
// kernel: kernel.3.cloned.1.call-start
scs
__scs_entry_jumppad:
0x0: {  	(pc) =	sbr.rel $0x88, $3  }
0x1: {  	(tag) =	ssettag $0x0;
	lr =	simm.s32 $0x1  }
0x2: {  	[smem:$0x3FA0] =	sst lr;
	_ =	strace $0xD0000000  }
0x3: {  	_ = 	snop  }
0x4: {  	_ = 	snop  }
0x5: {  	_ = 	snop  }
0x6: {  	_ = 	snop  }
0x7: {  	_ = 	snop  }
__scs_overlays_trampoline_lowered:
0x8: {  	[smem:$0x3FAF] =	sst s0  }
0x9: {  	[smem:$0x3FB0] =	sst s1  }
0xa: {  	[smem:$0x3FB1] =	sst s2  }
0xb: {  	[smem:$0x3FB2] =	sst s3  }
0xc: {  	[smem:$0x3FB3] =	sst s4  }
0xd: {  	[smem:$0x3FB4] =	sst s5  }
0xe: {  	[smem:$0x3FB5] =	sst s6  }
0xf: {  	[smem:$0x3FB6] =	sst s7  }
0x10: {  	[smem:$0x3FB7] =	sst s8  }
0x11: {  	[smem:$0x3FB8] =	sst s9;
	s0 =	simm.s32 @!p0 $0x0  }
0x12: {  	s1 =	sld [smem:$0x3F9E];
	s0 =	simm.s32 @p0 $0x1  }
0x13: {  	[smem:$0x3FB9] =	sst s0;
	s0 =	simm.s32 @!p1 $0x0  }
0x14: {  	s2 =	sld [smem:$0x3F9D];
	s0 =	simm.s32 @p1 $0x1  }
0x15: {  	[smem:$0x3FBA] =	sst s0;
	s0 =	simm.s32 @!p2 $0x0  }
0x16: {  	s3 =	sld [smem:$0x3FDB];
	s0 =	simm.s32 @p2 $0x1  }
0x17: {  	s4 =	simm.s32 $0x1BF5;
	[smem:$0x3FBC] =	sst s0  }
0x18: {  	s0 =	sld [smem:$0x3F9F];
	_ =	swait.ge [sflag:s4], $0x0  }
0x19: {  	s7 =	sld [smem:$0x3FA0]  }
0x1a: {  	s8 =	sadd.s32 $0xFFFFE003, lr  }
0x1b: {  	s9 =	sadd.s32 $0xFFFFFEF7, lr;
	s5 =	simm.s32 $0xFFFFFFFF;
	p2 =	slt.u32 s8, $0xFFFFF086  }
0x1c: {  	p1 =	slt.u32 s9, $0xF7A;
	s5 =	simm.s32 @!p2 $0x0  }
0x1d: {  	s5 =	simm.s32 @p1 $0x1;
	p0 =	seq.s32 s7, s2  }
0x1e: {  	s7 =	smul.u32 @!p0 $0xF7A, s2;
	p2 =	seq.s32 @!p0 s5, $0x0  }
0x1f: {  	s9 =	smul.u32 $0xF7A, s1;
	s8 =	simm.s32 @!p0 $0x1BF5;
	p2 =	por !p2, p0  }
0x20: {  	[sflag:s8] =	ssyncset.s32 @!p0 $0xFFFFF086;
	s6 =	sadd.s32 @!p0 s3, s7;
	s7 =	simm.s32 @!p0 $0x108  }
0x21: {  	s3 =	sadd.s32 s3, s9;
	s6 =	sadd.s32 @!p0 $0x88, s6;
	s7 =	simm.s32 @p2 $0x1082  }
0x22: {  	[simem:s7], [sflag:s8] =	dma.local @!p0 [hbm:s6], $0xF7A  }
0x23: {  	s9 =	sor.u32 $0xD0000000, s2;
	s6 =	simm.s32 $0x108;
	_ =	swait.ge @!p0 [sflag:s8], $0x0  }
0x24: {  	s3 =	sadd.s32 $0x88, s3;
	s6 =	simm.s32 @!p1 $0x1082;
	[sflag:s4] =	ssyncset.s32 $0xFFFFF086  }
0x25: {  	[simem:s6], [sflag:s4] =	dma.local [hbm:s3], $0xF7A  }
0x26: {  	[smem:$0x3FA0] =	sst s1;
	(tag) =	ssettag s2;
	_ =	strace s9  }
0x27: {  	s1 =	sld [smem:$0x3FB0]  }
0x28: {  	s2 =	sld [smem:$0x3FB1]  }
0x29: {  	s4 =	sld [smem:$0x3FB3]  }
0x2a: {  	p0 =	seq.s32 s5, $0x0;
	s5 =	sld [smem:$0x3FB4]  }
0x2b: {  	s6 =	sld [smem:$0x3FB5]  }
0x2c: {  	s7 =	sld [smem:$0x3FB6]  }
0x2d: {  	s3 =	simm.s32 $0x108;
	s8 =	sld [smem:$0x3FB7]  }
0x2e: {  	s3 =	simm.s32 @!p0 $0x1082;
	s9 =	sld [smem:$0x3FB8]  }
0x2f: {  	lr =	sadd.s32 s0, s3;
	s0 =	sld [smem:$0x3FAF]  }
0x30: {  	s3 =	sld [smem:$0x3FB2]  }
0x31: {  	[smem:$0x3FBB] =	sst s10  }
0x32: {  	s10 =	sld [smem:$0x3FB9];
	_ =	sdelay $0x3  }
0x33: {  	p0 =	seq.s32 s10, $0x1;
	s10 =	sld [smem:$0x3FBB];
	_ =	sdelay $0x3  }
0x34: {  	[smem:$0x3FBB] =	sst s10  }
0x35: {  	s10 =	sld [smem:$0x3FBA];
	_ =	sdelay $0x3  }
0x36: {  	p1 =	seq.s32 s10, $0x1;
	s10 =	sld [smem:$0x3FBB];
	_ =	sdelay $0x3  }
0x37: {  	[smem:$0x3FBB] =	sst s10  }
0x38: {  	s10 =	sld [smem:$0x3FBC]  }
0x39: {  	_ = 	snop;
	(pc) =	sbr.ind lr, $3  }
0x3a: {  	_ = 	snop  }
0x3b: {  	_ = 	snop  }
0x3c: {  	p2 =	seq.s32 s10, $0x1;
	s10 =	sld [smem:$0x3FBB]  }
0x3d: {  	_ =	shalt  }
0x3e: {  	_ =	shalt  }
0x3f: {  	_ =	shalt  }
0x40: {  	_ =	shalt  }
0x41: {  	_ =	shalt  }
0x42: {  	_ =	shalt  }
0x43: {  	_ =	shalt  }
0x44: {  	_ =	shalt  }
0x45: {  	_ =	shalt  }
0x46: {  	_ =	shalt  }
0x47: {  	_ =	shalt  }
0x48: {  	_ =	shalt  }
0x49: {  	_ =	shalt  }
0x4a: {  	_ =	shalt  }
0x4b: {  	_ =	shalt  }
0x4c: {  	_ =	shalt  }
0x4d: {  	_ =	shalt  }
0x4e: {  	_ =	shalt  }
0x4f: {  	_ =	shalt  }
0x50: {  	_ =	shalt  }
0x51: {  	_ =	shalt  }
0x52: {  	_ =	shalt  }
0x53: {  	_ =	shalt  }
0x54: {  	_ =	shalt  }
0x55: {  	_ =	shalt  }
0x56: {  	_ =	shalt  }
0x57: {  	_ =	shalt  }
0x58: {  	_ =	shalt  }
0x59: {  	_ =	shalt  }
0x5a: {  	_ =	shalt  }
0x5b: {  	_ =	shalt  }
0x5c: {  	_ =	shalt  }
0x5d: {  	_ =	shalt  }
0x5e: {  	_ =	shalt  }
0x5f: {  	_ =	shalt  }
0x60: {  	_ =	shalt  }
0x61: {  	_ =	shalt  }
0x62: {  	_ =	shalt  }
0x63: {  	_ =	shalt  }
0x64: {  	_ =	shalt  }
0x65: {  	_ =	shalt  }
0x66: {  	_ =	shalt  }
0x67: {  	_ =	shalt  }
0x68: {  	_ =	shalt  }
0x69: {  	_ =	shalt  }
0x6a: {  	_ =	shalt  }
0x6b: {  	_ =	shalt  }
0x6c: {  	_ =	shalt  }
0x6d: {  	_ =	shalt  }
0x6e: {  	_ =	shalt  }
0x6f: {  	_ =	shalt  }
0x70: {  	_ =	shalt  }
0x71: {  	_ =	shalt  }
0x72: {  	_ =	shalt  }
0x73: {  	_ =	shalt  }
0x74: {  	_ =	shalt  }
0x75: {  	_ =	shalt  }
0x76: {  	_ =	shalt  }
0x77: {  	_ =	shalt  }
0x78: {  	_ =	shalt  }
0x79: {  	_ =	shalt  }
0x7a: {  	_ =	shalt  }
0x7b: {  	_ =	shalt  }
0x7c: {  	_ =	shalt  }
0x7d: {  	_ =	shalt  }
0x7e: {  	_ =	shalt  }
0x7f: {  	_ =	shalt  }
0x80: {  	_ =	shalt  }
0x81: {  	_ =	shalt  }
0x82: {  	_ =	shalt  }
0x83: {  	_ =	shalt  }
0x84: {  	_ =	shalt  }
0x85: {  	_ =	shalt  }
0x86: {  	_ =	shalt  }
0x87: {  	_ =	shalt  }
.Lfunc_end0:
.L_simem_size_0:
called_computation_lowered:
.L_overlay_start_0:
0x88: {  	s2 =	sld [smem:$0x3FD9]  }
0x89: {  	s3 =	sld [smem:$0x3FFE];
	_ =	sdelay $0x1  }
0x8a: {  	s1 =	srdreg.scid  }
0x8b: {  	s0 =	sand.u32 $0x1, s1  }
0x8c: {  	s18 =	sshll.u32 s0, $0xA;
	s2 =	sadd.s32 s3, s2  }
0x8d: {  	s2 =	sadd.s32 s2, s18  }
0x8e: {  	[smem:$0x3FC7] =	sst s2  }
0x8f: {  	_ = 	snop  }
0x90: {  	s2 =	sld [smem:$0x3FC9]  }
0x91: {  	s19 =	sld [smem:$0x3FD0];
	(tm) =	ssettm $0x1  }
0x92: {  	s4 =	sld [smem:$0x3FFB];
	_ =	sdelay $0x3  }
0x93: {  	_ =	strace s4  }
0x94: {  	s4 =	sld [smem:$0x3FFC];
	_ =	sdelay $0x3  }
0x95: {  	_ =	strace s4  }
0x96: {  	s4 =	sld [smem:$0x3FFD];
	_ =	sdelay $0x3  }
0x97: {  	_ =	strace s4  }
0x98: {  	_ =	strace $0x8FFFFFFF  }
0x99: {  	s20 =	sld [smem:$0x3FDB];
	_ =	sdelay $0x1  }
0x9a: {  	s5 =	simm.s32 $_scs_section_size  }
0x9b: {  	s6 =	simm.s32 $_size__tile_overlayer_lowered;
	s7 =	simm.s32 $_tile_overlayer_lowered  }
0x9c: {  	s23 =	simm.s32 $0x1BFF;
	s22 =	sshll.u32 s7, $0x1;
	s4 =	sadd.s32 s5, s20  }
0x9d: {  	s8 =	simm.s32 $0x0;
	s21 =	sshll.u32 s6, $0x1;
	s6 =	sadd.s32 s22, s4  }
0x9e: {  	[timem:s8], [sflag:s23] =	dma.local [hbm:s6], s21  }
0x9f: {  	_ =	swait.ge [sflag:s23], s21  }
0xa0: {  	s5 =	ssub.s32 $0x0, s21;
	[sflag:s23] =	ssyncset.done $0x0  }
0xa1: {  	[sflag:s23] =	ssyncadd.s32 s5;
	_ =	sdelay $0x1  }
0xa2: {  	s24 =	simm.s32 $0x1B8B  }
0xa3: {  	_ =	swait.ge [sflag:s24], $0x1  }
0xa4: {  	[sflag:s24] =	ssyncset.done $0x0  }
0xa5: {  	s25 =	simm.s32 $0x1B8E;
	[sflag:s24] =	ssyncadd.s32 $0xFFFFFFFF  }
0xa6: {  	s26 =	simm.s32 $execute0_lowered;
	[smem:$0x3FD2] =	sst s25  }
0xa7: {  	s5 =	sshll.u32 s26, $0x1;
	_ =	strace $0x80000046;
	[dreg:$0x1] =	wrdreg $0xFFFFFFFF  }
0xa8: {  	s28 =	simm.s32 $_size_execute0_lowered;
	s4 =	sadd.s32 s4, s5;
	[dreg:$0x0] =	wrdreg $0x0  }
0xa9: {  	s5 =	sshll.u32 s28, $0x1;
	[dreg:$0x2] =	wrdreg s4  }
0xaa: {  	[dreg:$0x3] =	wrdreg s5  }
0xab: {  	[dreg:$0x4] =	wrdreg $0xC0  }
0xac: {  	_ =	task [dreg:s8], $0x5FFFF  }
0xad: {  	[dreg:$0x1] =	wrdreg $0xFFFFFFFF  }
0xae: {  	[dreg:$0x0] =	wrdreg $0x60  }
0xaf: {  	[dreg:$0x2] =	wrdreg s2  }
0xb0: {  	[dreg:$0x3] =	wrdreg s19  }
0xb1: {  	[dreg:$0x4] =	wrdreg $0x9  }
0xb2: {  	_ =	task.clear_ibuf [dreg:s8], $0x5FFFF;
	_ =	strace $0x90000046  }
0xb3: {  	s29 =	simm.s32 $0x9;
	_ =	strace $0x80000048  }
0xb4: {  	_ =	swait.ge [sflag:s29], $0x1  }
0xb5: {  	[sflag:s29] =	ssyncadd.s32 $0xFFFFFFFF  }
0xb6: {  	_ =	strace $0x90000048  }
0xb7: {  	_ =	sfence  }
0xb8: {  	s30 =	sld [smem:$0x0];
	_ =	sdelay $0x2  }
0xb9: {  	s31 =	sshll.u32 s1, $0xD;
	s1 =	sshrl.u32 s1, $0x2  }
0xba: {  	s3 =	sand.u32 $0x4000, s31;
	s1 =	sadd.s32 s1, s30  }
0xbb: {  	s0 =	sor.u32 s3, s0;
	s1 =	sshll.u32 s1, $0x11  }
0xbc: {  	s0 =	sor.u32 s1, s0  }
0xbd: {  	s0 =	sadd.s32 $0x8F2B, s0  }
0xbe: {  	[sflag:s0] =	ssyncadd.remote.s32 $0x1  }
0xbf: {  	_ =	sfence.sel $0xFFFF  }
0xc0: {  	[dreg:$0x0] =	wrdreg $0xFFFFFFFF;
	(pc) =	sbr.abs _section_cstart, $3  }
0xc1: {  	[dreg:$0x1] =	wrdreg $0xFFFFFFFF  }
0xc2: {  	_ =	task.clear_ibuf [dreg:s8], $0x2FFFF;
	_ =	strace $0x9FFFFFFF  }
0xc3: {  	(tm) =	ssettm $0x7FFFFFFF  }
tec
execute0_lowered:
.L_overlay_start_1:
0x0: {  	(tag) =	ssettag $0x1  }
0x1: {  	s0 =	srdreg.scid;
	s9 =	stileid.u32  }
0x2: {  	s0 =	sand.u32 $0x1, s0;
	s3 =	sshll.u32 s9, $0x1  }
0x3: {  	s1 =	sor.u32 s0, s3  }
0x4: {  	p0 =	slt.u32 s3, $0x1C;
	s5 =	sadd.s32 $0xFFFFFFE4, s1  }
0x5: {  	s5 =	smov.u32 @p0 s1  }
0x6: {  	s3 =	simm.s32 $0x2AE0000;
	p0 =	sgt.u32 s9, $0xD;
	s6 =	smul.u32 $0x188000, s5  }
0x7: {  	s2 =	rddreg [dreg:$0x0];
	s0 =	ssub.s32 $0x2, s0;
	s3 =	simm.s32 @!p0 $0x0  }
0x8: {  	s4 =	rddreg [dreg:$0x1];
	s8 =	sshrl.u32 s0, $0x1;
	s3 =	sadd.s32 s3, s6  }
0x9: {  	s0 =	ssub.s32 s0, s8;
	s5 =	simm.s32 $0x0;
	s3 =	sshrl.u32 s3, $0x3  }
0xa: {  	s0 =	smax.u32 s0, $0x1;
	[smem:$0x7FF] =	sst s5;
	s6 =	sadd.s32 s2, s3  }
0xb: {  	_ =	strace $0x80000047;
	[dreg:$0x4] =	wrdreg s0;
	s14 =	sadd.s32 $0x200, s6  }
0xc: {  	s15 =	sadd.s32 $0x380, s6;
	[dreg:$0x3] =	wrdreg s14  }
0xd: {  	s16 =	sadd.s32 $0x700, s6;
	[dreg:$0x5] =	wrdreg s15  }
0xe: {  	s17 =	sadd.s32 $0xA80, s6;
	[dreg:$0x6] =	wrdreg s16  }
0xf: {  	s18 =	sadd.s32 $0xE00, s6;
	[dreg:$0x7] =	wrdreg s17  }
0x10: {  	s19 =	sadd.s32 $0x1180, s6;
	[dreg:$0x8] =	wrdreg s18  }
0x11: {  	s20 =	sadd.s32 $0x1500, s6;
	[dreg:$0x9] =	wrdreg s19  }
0x12: {  	s21 =	sadd.s32 $0x1880, s6;
	[dreg:$0xa] =	wrdreg s20  }
0x13: {  	s22 =	sadd.s32 $0x1C00, s6;
	[dreg:$0xb] =	wrdreg s21  }
0x14: {  	s23 =	sadd.s32 $0x1F80, s6;
	[dreg:$0xc] =	wrdreg s22  }
0x15: {  	s24 =	sadd.s32 $0x2300, s6;
	[dreg:$0xd] =	wrdreg s23  }
0x16: {  	s25 =	sadd.s32 $0x2680, s6;
	[dreg:$0xe] =	wrdreg s24  }
0x17: {  	s7 =	sadd.s32 $0x100, s2;
	s26 =	sadd.s32 $0x2A00, s6;
	[dreg:$0xf] =	wrdreg s25  }
0x18: {  	s8 =	sadd.s32 s3, s7;
	s29 =	sadd.s32 $0x2D80, s6;
	[dreg:$0x10] =	wrdreg s26  }
0x19: {  	s30 =	sadd.s32 $0x380, s8;
	[dreg:$0x11] =	wrdreg s29  }
0x1a: {  	v0 =	vlaneseq.u32;
	s31 =	sadd.s32 $0x700, s8;
	[dreg:$0x12] =	wrdreg s30  }
0x1b: {  	v1 =	vand.u32 $0x7, v0;
	s3 =	sadd.s32 $0xA80, s8;
	[dreg:$0x13] =	wrdreg s31  }
0x1c: {  	v5 =	vmul.u32 $0x80, v1;
	p0 =	sgt.u32 s9, $0xB;
	s9 =	sadd.s32 $0xE00, s8;
	[dreg:$0x14] =	wrdreg s3  }
0x1d: {  	s10 =	sadd.s32 $0x1180, s8;
	[dreg:$0x15] =	wrdreg s9  }
0x1e: {  	v8 =	vmul.u32 $0x200, v0;
	v3 =	vor.u32 $0xC30, v5;
	s11 =	sadd.s32 $0x1500, s8;
	[dreg:$0x16] =	wrdreg s10  }
0x1f: {  	v4 =	vor.u32 $0xC31, v5;
	v23 =	vor.u32 $0xC32, v5;
	v0 =	vor.u32 $0xC34, v5;
	s12 =	sadd.s32 $0x1880, s8;
	[dreg:$0x17] =	wrdreg s11  }
0x20: {  	v13 =	vor.u32 $0xC33, v5;
	v2 =	vor.u32 $0xC37, v5;
	v12 =	vor.u32 $0xC38, v5;
	[tilespmem:$0x1FED0] =	vst v0;
	s13 =	sadd.s32 $0x1C00, s8;
	[dreg:$0x18] =	wrdreg s12  }
0x21: {  	v1 =	vor.u32 $0xC39, v5;
	v14 =	vor.u32 $0xC3C, v5;
	v18 =	vor.u32 $0xC3E, v5;
	[tilespmem:$0x1FEF0] =	vst v2;
	[dreg:$0x19] =	wrdreg s13;
	s14 =	sadd.s32 $0x1F80, s8  }
0x22: {  	v17 =	vor.u32 $0xC3F, v5;
	v20 =	vor.u32 $0xC41, v5;
	v57 =	vor.u32 $0xC42, v5;
	[tilespmem:$0x1FF00] =	vst v1;
	s15 =	sadd.s32 $0x2300, s8;
	[dreg:$0x1a] =	wrdreg s14  }
0x23: {  	v22 =	vor.u32 $0xC43, v5;
	v24 =	vor.u32 $0x85E, v5;
	v15 =	vor.u32 $0x85F, v5;
	[tilespmem:$0x1FF50] =	vst v13;
	s16 =	sadd.s32 $0x2680, s8;
	[dreg:$0x1b] =	wrdreg s15  }
0x24: {  	v25 =	vor.u32 $0x860, v5;
	v27 =	vor.u32 $0x861, v5;
	v29 =	vor.u32 $0x862, v5;
	[tilespmem:$0x1FF60] =	vst v23;
	s17 =	sadd.s32 $0x2A00, s8;
	[dreg:$0x1c] =	wrdreg s16  }
0x25: {  	v28 =	vor.u32 $0x863, v5;
	v38 =	vor.u32 $0x864, v5;
	v7 =	vor.u32 $0x865, v5;
	[tilespmem:$0x1FF70] =	vst v3;
	s18 =	sadd.s32 $0x2D80, s8;
	[dreg:$0x1d] =	wrdreg s17  }
0x26: {  	v31 =	vor.u32 $0x866, v5;
	v33 =	vor.u32 $0x867, v5;
	v32 =	vor.u32 $0x868, v5;
	[tilespmem:$0x1FF80] =	vst v8;
	s19 =	sadd.s32 $0x580, s6;
	[dreg:$0x1e] =	wrdreg s18  }
0x27: {  	v37 =	vor.u32 $0x869, v5;
	v36 =	vor.u32 $0x86A, v5;
	v39 =	vor.u32 $0x86B, v5;
	[tilespmem:$0x1FF90] =	vst v4;
	s20 =	sadd.s32 $0x900, s6;
	[dreg:$0x1f] =	wrdreg s19  }
0x28: {  	v40 =	vor.u32 $0x86C, v5;
	v41 =	vor.u32 $0x86D, v5;
	v30 =	vor.u32 $0x86E, v5;
	[tilespmem:$0x1FFB0] =	vst v14;
	s21 =	sadd.s32 $0xC80, s6;
	[smem:$0x7F4] =	sst s20  }
0x29: {  	v63 =	vor.u32 $0x86F, v5;
	v42 =	vor.u32 $0x870, v5;
	v16 =	vor.u32 $0x871, v5;
	[tilespmem:$0x1FFC0] =	vst v17;
	s22 =	sadd.s32 $0x1000, s6;
	[smem:$0x7F5] =	sst s21  }
0x2a: {  	v46 =	vor.u32 $0x78, v5;
	v45 =	vor.u32 $0x79, v5;
	v44 =	vor.u32 $0x7A, v5;
	[tilespmem:$0x1FFD0] =	vst v57;
	s23 =	sadd.s32 $0x1380, s6;
	[smem:$0x7F6] =	sst s22  }
0x2b: {  	v49 =	vor.u32 $0x7B, v5;
	v48 =	vor.u32 $0x7C, v5;
	v50 =	vor.u32 $0x400, v5;
	[tilespmem:$0x1FFE0] =	vst v12;
	s24 =	sadd.s32 $0x1700, s6;
	[smem:$0x7F7] =	sst s23  }
0x2c: {  	v47 =	vor.u32 $0x7D, v5;
	v43 =	vor.u32 $0x7E, v5;
	v0 =	vor.u32 $0xC35, v5;
	[tilespmem:$0x1FFF0] =	vst v50;
	s25 =	sadd.s32 $0x1A80, s6;
	[smem:$0x7F8] =	sst s24  }
0x2d: {  	v51 =	vor.u32 $0x7F, v5;
	v61 =	vor.u32 $0x401, v5;
	v2 =	vor.u32 $0xC3A, v5;
	[tilespmem:$0x1FEE0] =	vst v0;
	s26 =	sadd.s32 $0x1E00, s6;
	[smem:$0x7F9] =	sst s25  }
.Ltmp0:
0x2e: {  	v54 =	vor.u32 $0x402, v5;
	v1 =	vor.u32 $0xC3B, v5;
	[tilespmem:$0x1FF10] =	vst v2;
	s29 =	sadd.s32 $0x2180, s6;
	[smem:$0x7FA] =	sst s26;
	(pc) =	sbr.rel .LBB2_1-.Ltmp0, $4  }
0x2f: {  	v26 =	vor.u32 $0x403, v5;
	v10 =	vor.u32 $0x404, v5;
	[tilespmem:$0x1FF20] =	vst v1;
	v2 =	vor.u32 $0xC3D, v5;
	s30 =	sadd.s32 $0x2500, s6;
	[smem:$0x7FB] =	sst s29  }
0x30: {  	v52 =	vor.u32 $0x405, v5;
	v60 =	vor.u32 $0x406, v5;
	v1 =	vor.u32 $0xC40, v5;
	[tilespmem:$0x1FF30] =	vst v2;
	s31 =	sadd.s32 $0x2880, s6;
	[smem:$0x7FC] =	sst s30  }
0x31: {  	s28 =	simm.s32 $0x0;
	v6 =	vor.u32 $0x407, v5;
	v11 =	vor.u32 $0x409, v5;
	v0 =	vor.u32 $0xC36, v5;
	[tilespmem:$0x1FF40] =	vst v1;
	[smem:$0x7FD] =	sst s31  }
0x32: {  	v9 =	vor.u32 $0x40A, v5;
	v58 =	vor.u32 $0x40B, v5;
	v2 =	vor.u32 $0x408, v5;
	[tilespmem:$0x1FFA0] =	vst v0;
	s24 =	sadd.s32 $0x2C00, s6;
	s25 =	sadd.s32 $0x2F80, s6;
	s26 =	simm.s32 $0x3  }
.LBB2_12:
0x33: {  	_ =	swait.ge [sflag:s26], $0x800  }
0x34: {  	[sflag:s26] =	ssyncset.done $0x0  }
0x35: {  	[sflag:s26] =	ssyncadd.s32 $0xFFFFF800  }
0x36: {  	_ =	swait.ge [sflag:s26], $0x800  }
0x37: {  	[sflag:s26] =	ssyncset.done $0x0  }
0x38: {  	[sflag:s26] =	ssyncadd.s32 $0xFFFFF800  }
0x39: {  	_ =	swait.ge [sflag:s26], $0x800  }
0x3a: {  	[sflag:s26] =	ssyncset.done $0x0  }
0x3b: {  	s0 =	simm.s32 @!p0 $0x3;
	[sflag:s26] =	ssyncadd.s32 $0xFFFFF800  }
0x3c: {  	_ =	swait.ge @!p0 [sflag:s0], $0x800  }
0x3d: {  	[sflag:s0] =	ssyncset.done @!p0 $0x0  }
0x3e: {  	[sflag:s0] =	ssyncadd.s32 @!p0 $0xFFFFF800  }
0x3f: {  	_ =	swait.ge @!p0 [sflag:s0], $0x800  }
0x40: {  	[sflag:s0] =	ssyncset.done @!p0 $0x0  }
0x41: {  	[sflag:s0] =	ssyncadd.s32 @!p0 $0xFFFFF800  }
0x42: {  	_ =	swait.ge @!p0 [sflag:s0], $0x800  }
0x43: {  	s28 =	sadd.s32 $0x1, s28;
	s3 =	rddreg [dreg:$0x4]  }
0x44: {  	p1 =	sne.s32 s28, s3  }
.Ltmp1:
0x45: {  	_ = 	snop;
	(pc) =	sbr.rel @!p1 .LBB2_13-.Ltmp1, $3  }
0x46: {  	_ =	sdelay $0x1  }
0x47: {  	[sflag:s0] =	ssyncset.done @!p0 $0x0  }
0x48: {  	[sflag:s0] =	ssyncadd.s32 @!p0 $0xFFFFF800  }
.LBB2_1:
0x49: {  	[tilespmem:s5], [sflag:$0x1] =	stream.linear.gather [hbm4b:s6+s5], $0x800, $0x38;
	[tilespmem:$0x1F000] =	vst v63  }
0x4a: {  	s0 =	rddreg [dreg:$0x5];
	s3 =	simm.s32 $0x1000  }
0x4b: {  	[tilespmem:s3], [sflag:$0x1] =	stream.linear.gather [hbm4b:s0+s5], $0x800, $0x38;
	[tilespmem:$0x1F000] =	vst v63  }
0x4c: {  	s23 =	rddreg [dreg:$0x6];
	s29 =	simm.s32 $0x2000  }
0x4d: {  	[tilespmem:s29], [sflag:$0x1] =	stream.linear.gather [hbm4b:s23+s5], $0x800, $0x38;
	[tilespmem:$0x1F000] =	vst v63  }
0x4e: {  	s30 =	rddreg [dreg:$0x7];
	s31 =	simm.s32 $0x3000  }
0x4f: {  	[tilespmem:s31], [sflag:$0x1] =	stream.linear.gather [hbm4b:s30+s5], $0x800, $0x38;
	[tilespmem:$0x1F000] =	vst v63  }
0x50: {  	s9 =	rddreg [dreg:$0x8];
	s10 =	simm.s32 $0x4000  }
0x51: {  	[tilespmem:s10], [sflag:$0x1] =	stream.linear.gather [hbm4b:s9+s5], $0x800, $0x38;
	[tilespmem:$0x1F000] =	vst v63  }
0x52: {  	s11 =	rddreg [dreg:$0x9];
	s12 =	simm.s32 $0x5000  }
0x53: {  	[tilespmem:s12], [sflag:$0x1] =	stream.linear.gather [hbm4b:s11+s5], $0x800, $0x38;
	[tilespmem:$0x1F000] =	vst v63  }
0x54: {  	s13 =	rddreg [dreg:$0xa];
	s14 =	simm.s32 $0x6000  }
0x55: {  	[tilespmem:s14], [sflag:$0x1] =	stream.linear.gather [hbm4b:s13+s5], $0x800, $0x38;
	[tilespmem:$0x1F000] =	vst v63  }
0x56: {  	s15 =	rddreg [dreg:$0xb];
	s16 =	simm.s32 $0x7000  }
0x57: {  	[tilespmem:s16], [sflag:$0x1] =	stream.linear.gather [hbm4b:s15+s5], $0x800, $0x38;
	[tilespmem:$0x1F000] =	vst v63  }
0x58: {  	s17 =	rddreg [dreg:$0xc];
	s18 =	simm.s32 $0x8000  }
0x59: {  	[tilespmem:s18], [sflag:$0x1] =	stream.linear.gather [hbm4b:s17+s5], $0x800, $0x38;
	[tilespmem:$0x1F000] =	vst v63  }
0x5a: {  	s19 =	rddreg [dreg:$0xd];
	s20 =	simm.s32 $0x9000  }
0x5b: {  	[tilespmem:s20], [sflag:$0x1] =	stream.linear.gather [hbm4b:s19+s5], $0x800, $0x38;
	[tilespmem:$0x1F000] =	vst v63  }
0x5c: {  	s21 =	rddreg [dreg:$0xe];
	s22 =	simm.s32 $0xA000  }
0x5d: {  	[tilespmem:s22], [sflag:$0x1] =	stream.linear.gather [hbm4b:s21+s5], $0x800, $0x38;
	[tilespmem:$0x1F000] =	vst v63  }
0x5e: {  	s23 =	rddreg [dreg:$0xf];
	s29 =	simm.s32 $0xB000  }
0x5f: {  	[tilespmem:s29], [sflag:$0x1] =	stream.linear.gather [hbm4b:s23+s5], $0x800, $0x38;
	[tilespmem:$0x1F000] =	vst v63  }
0x60: {  	s30 =	rddreg [dreg:$0x10];
	s31 =	simm.s32 $0xC000  }
0x61: {  	[tilespmem:s31], [sflag:$0x1] =	stream.linear.gather [hbm4b:s30+s5], $0x800, $0x38;
	[tilespmem:$0x1F000] =	vst v63  }
0x62: {  	s3 =	rddreg [dreg:$0x11];
	s9 =	simm.s32 $0xD000  }
0x63: {  	[tilespmem:s9], [sflag:$0x1] =	stream.linear.gather [hbm4b:s3+s5], $0x800, $0x38;
	[tilespmem:$0x1F000] =	vst v63  }
0x64: {  	s10 =	simm.s32 $0x800;
	s11 =	rddreg [dreg:$0x12]  }
0x65: {  	[tilespmem:s10], [sflag:$0x1] =	stream.linear.gather [hbm4b:s8+s5], $0x400, $0x38;
	[tilespmem:$0x1F000] =	vst v63  }
0x66: {  	s12 =	simm.s32 $0x1800;
	s13 =	rddreg [dreg:$0x13]  }
0x67: {  	[tilespmem:s12], [sflag:$0x1] =	stream.linear.gather [hbm4b:s11+s5], $0x400, $0x38;
	[tilespmem:$0x1F000] =	vst v63  }
0x68: {  	s14 =	simm.s32 $0x2800;
	s15 =	rddreg [dreg:$0x14]  }
0x69: {  	[tilespmem:s14], [sflag:$0x1] =	stream.linear.gather [hbm4b:s13+s5], $0x400, $0x38;
	[tilespmem:$0x1F000] =	vst v63  }
0x6a: {  	s16 =	simm.s32 $0x3800;
	s17 =	rddreg [dreg:$0x15]  }
0x6b: {  	[tilespmem:s16], [sflag:$0x1] =	stream.linear.gather [hbm4b:s15+s5], $0x400, $0x38;
	[tilespmem:$0x1F000] =	vst v63  }
0x6c: {  	s18 =	simm.s32 $0x4800;
	s19 =	rddreg [dreg:$0x16]  }
0x6d: {  	[tilespmem:s18], [sflag:$0x1] =	stream.linear.gather [hbm4b:s17+s5], $0x400, $0x38;
	[tilespmem:$0x1F000] =	vst v63  }
0x6e: {  	s20 =	simm.s32 $0x5800;
	s21 =	rddreg [dreg:$0x17]  }
0x6f: {  	[tilespmem:s20], [sflag:$0x1] =	stream.linear.gather [hbm4b:s19+s5], $0x400, $0x38;
	[tilespmem:$0x1F000] =	vst v63  }
0x70: {  	s22 =	simm.s32 $0x6800;
	s23 =	rddreg [dreg:$0x18]  }
0x71: {  	[tilespmem:s22], [sflag:$0x1] =	stream.linear.gather [hbm4b:s21+s5], $0x400, $0x38;
	[tilespmem:$0x1F000] =	vst v63  }
0x72: {  	s29 =	simm.s32 $0x7800;
	s30 =	rddreg [dreg:$0x19]  }
0x73: {  	[tilespmem:s29], [sflag:$0x1] =	stream.linear.gather [hbm4b:s23+s5], $0x400, $0x38;
	[tilespmem:$0x1F000] =	vst v63  }
0x74: {  	s31 =	simm.s32 $0x8800;
	s9 =	rddreg [dreg:$0x1a]  }
0x75: {  	[tilespmem:s31], [sflag:$0x1] =	stream.linear.gather [hbm4b:s30+s5], $0x400, $0x38;
	[tilespmem:$0x1F000] =	vst v63  }
0x76: {  	s10 =	simm.s32 $0x9800;
	s11 =	rddreg [dreg:$0x1b]  }
0x77: {  	[tilespmem:s10], [sflag:$0x1] =	stream.linear.gather [hbm4b:s9+s5], $0x400, $0x38;
	[tilespmem:$0x1F000] =	vst v63  }
0x78: {  	s12 =	simm.s32 $0xA800;
	s13 =	rddreg [dreg:$0x1c]  }
0x79: {  	[tilespmem:s12], [sflag:$0x1] =	stream.linear.gather [hbm4b:s11+s5], $0x400, $0x38;
	[tilespmem:$0x1F000] =	vst v63  }
0x7a: {  	s14 =	simm.s32 $0xB800;
	s15 =	rddreg [dreg:$0x1d]  }
0x7b: {  	[tilespmem:s14], [sflag:$0x1] =	stream.linear.gather [hbm4b:s13+s5], $0x400, $0x38;
	[tilespmem:$0x1F000] =	vst v63  }
0x7c: {  	s16 =	simm.s32 $0xC800;
	s17 =	rddreg [dreg:$0x1e]  }
0x7d: {  	[tilespmem:s16], [sflag:$0x1] =	stream.linear.gather [hbm4b:s15+s5], $0x400, $0x38;
	[tilespmem:$0x1F000] =	vst v63  }
0x7e: {  	s18 =	simm.s32 $0xD800;
	s19 =	rddreg [dreg:$0x3]  }
0x7f: {  	[tilespmem:s18], [sflag:$0x1] =	stream.linear.gather [hbm4b:s17+s5], $0x400, $0x38;
	[tilespmem:$0x1F000] =	vst v63  }
0x80: {  	s20 =	simm.s32 $0xC00;
	s21 =	rddreg [dreg:$0x1f]  }
0x81: {  	[tilespmem:s20], [sflag:$0x1] =	stream.linear.gather [hbm4b:s19+s5], $0x400, $0x38;
	[tilespmem:$0x1F000] =	vst v63  }
0x82: {  	s22 =	simm.s32 $0x1C00;
	s23 =	sld [smem:$0x7F4]  }
0x83: {  	[tilespmem:s22], [sflag:$0x1] =	stream.linear.gather [hbm4b:s21+s5], $0x400, $0x38;
	[tilespmem:$0x1F000] =	vst v63  }
0x84: {  	s29 =	simm.s32 $0x2C00;
	s30 =	sld [smem:$0x7F5]  }
0x85: {  	[tilespmem:s29], [sflag:$0x1] =	stream.linear.gather [hbm4b:s23+s5], $0x400, $0x38;
	[tilespmem:$0x1F000] =	vst v63  }
0x86: {  	s31 =	simm.s32 $0x3C00;
	s9 =	sld [smem:$0x7F6]  }
0x87: {  	[tilespmem:s31], [sflag:$0x1] =	stream.linear.gather [hbm4b:s30+s5], $0x400, $0x38;
	[tilespmem:$0x1F000] =	vst v63  }
0x88: {  	s10 =	simm.s32 $0x4C00;
	s11 =	sld [smem:$0x7F7]  }
0x89: {  	[tilespmem:s10], [sflag:$0x1] =	stream.linear.gather [hbm4b:s9+s5], $0x400, $0x38;
	[tilespmem:$0x1F000] =	vst v63  }
0x8a: {  	s12 =	simm.s32 $0x5C00;
	s13 =	sld [smem:$0x7F8]  }
0x8b: {  	[tilespmem:s12], [sflag:$0x1] =	stream.linear.gather [hbm4b:s11+s5], $0x400, $0x38;
	[tilespmem:$0x1F000] =	vst v63  }
0x8c: {  	s14 =	simm.s32 $0x6C00;
	s15 =	sld [smem:$0x7F9]  }
0x8d: {  	[tilespmem:s14], [sflag:$0x1] =	stream.linear.gather [hbm4b:s13+s5], $0x400, $0x38;
	[tilespmem:$0x1F000] =	vst v63  }
0x8e: {  	s16 =	simm.s32 $0x7C00;
	s17 =	sld [smem:$0x7FA]  }
0x8f: {  	[tilespmem:s16], [sflag:$0x1] =	stream.linear.gather [hbm4b:s15+s5], $0x400, $0x38;
	[tilespmem:$0x1F000] =	vst v63  }
0x90: {  	s18 =	simm.s32 $0x8C00;
	s19 =	sld [smem:$0x7FB]  }
0x91: {  	[tilespmem:s18], [sflag:$0x1] =	stream.linear.gather [hbm4b:s17+s5], $0x400, $0x38;
	[tilespmem:$0x1F000] =	vst v63  }
0x92: {  	s20 =	simm.s32 $0x9C00;
	s21 =	sld [smem:$0x7FC]  }
0x93: {  	[tilespmem:s20], [sflag:$0x1] =	stream.linear.gather [hbm4b:s19+s5], $0x400, $0x38;
	[tilespmem:$0x1F000] =	vst v63  }
0x94: {  	s22 =	simm.s32 $0xAC00;
	s23 =	sld [smem:$0x7FD]  }
0x95: {  	[tilespmem:s22], [sflag:$0x1] =	stream.linear.gather [hbm4b:s21+s5], $0x400, $0x38;
	[tilespmem:$0x1F000] =	vst v63  }
0x96: {  	s29 =	simm.s32 $0xBC00  }
0x97: {  	[tilespmem:s29], [sflag:$0x1] =	stream.linear.gather [hbm4b:s23+s5], $0x400, $0x38;
	[tilespmem:$0x1F000] =	vst v63  }
.Ltmp2:
0x98: {  	_ = 	snop;
	(pc) =	sbr.rel .LBB2_2-.Ltmp2, $4  }
0x99: {  	s30 =	simm.s32 $0xCC00  }
0x9a: {  	[tilespmem:s30], [sflag:$0x1] =	stream.linear.gather [hbm4b:s24+s5], $0x400, $0x38;
	[tilespmem:$0x1F000] =	vst v63  }
0x9b: {  	s0 =	simm.s32 $0x0;
	s31 =	simm.s32 $0xDC00  }
0x9c: {  	[tilespmem:s31], [sflag:$0x1] =	stream.linear.gather [hbm4b:s25+s5], $0x400, $0x38;
	[tilespmem:$0x1F000] =	vst v63  }
.LBB2_11:
0x9d: {  	p1 =	sne.s32 s29, $0x20  }
.Ltmp3:
0x9e: {  	_ = 	snop;
	(pc) =	sbr.rel @!p1 .LBB2_12-.Ltmp3, $2  }
0x9f: {  	_ =	sdelay $0x2  }
0xa0: {  	s0 =	smov.u32 s29  }
.LBB2_2:
0xa1: {  	s29 =	sadd.s32 $0x1, s0  }
0xa2: {  	s3 =	sshll.u32 s29, $0x1  }
0xa3: {  	s3 =	sand.u32 $0x60, s3  }
0xa4: {  	s3 =	sor.u32 s1, s3  }
0xa5: {  	p1 =	sgt.u32 s3, $0x37  }
.Ltmp4:
0xa6: {  	_ = 	snop;
	(pc) =	sbr.rel @p1 .LBB2_7-.Ltmp4, $2  }
0xa7: {  	_ =	sdelay $0x2  }
0xa8: {  	s30 =	sand.u32 $0xF, s29  }
0xa9: {  	s9 =	sshrl.u32 s3, $0x2  }
0xaa: {  	s9 =	smulhi.u32 $0x24924925, s9;
	_ =	sdelay $0x1  }
0xab: {  	s10 =	smul.u32 $0x1C, s9  }
0xac: {  	s11 =	sand.u32 $0x1, s29  }
0xad: {  	s12 =	smul.u32 $0x38000, s11;
	p1 =	seq.s32 s11, $0x0;
	s23 =	ssub.s32 s3, s10  }
.Ltmp5:
0xae: {  	s31 =	sshrl.u32 s30, $0x1;
	s3 =	sshll.u32 s23, $0x3;
	(pc) =	sbr.rel @p1 .LBB2_5-.Ltmp5, $3  }
0xaf: {  	s9 =	smul.u32 $0x2AE0000, s9;
	s3 =	sor.u32 s31, s3  }
0xb0: {  	s10 =	smul.u32 $0x31000, s3;
	_ =	sdelay $0x1  }
0xb1: {  	s3 =	sshrl.u32 s12, $0x2;
	s11 =	sadd.s32 s9, s10  }
0xb2: {  	s12 =	sadd.s32 $0x18800, s11  }
0xb3: {  	s12 =	sshrl.u32 s12, $0x3  }
0xb4: {  	s12 =	sadd.s32 s2, s12  }
0xb5: {  	[tilespmem:s3], [sflag:$0x2] =	stream.linear.gather [hbm4b:s12+s5], $0x800, $0x38;
	[tilespmem:$0x1F000] =	vst v63  }
0xb6: {  	s14 =	sadd.s32 $0x1000, s3;
	s13 =	sadd.s32 $0x380, s12  }
0xb7: {  	[tilespmem:s14], [sflag:$0x2] =	stream.linear.gather [hbm4b:s13+s5], $0x800, $0x38;
	[tilespmem:$0x1F000] =	vst v63  }
0xb8: {  	s20 =	sadd.s32 $0x2000, s3;
	s19 =	sadd.s32 $0x700, s12  }
0xb9: {  	[tilespmem:s20], [sflag:$0x2] =	stream.linear.gather [hbm4b:s19+s5], $0x800, $0x38;
	[tilespmem:$0x1F000] =	vst v63  }
0xba: {  	s22 =	sadd.s32 $0x3000, s3;
	s21 =	sadd.s32 $0xA80, s12  }
0xbb: {  	[tilespmem:s22], [sflag:$0x2] =	stream.linear.gather [hbm4b:s21+s5], $0x800, $0x38;
	[tilespmem:$0x1F000] =	vst v63  }
0xbc: {  	s31 =	sadd.s32 $0x4000, s3;
	s23 =	sadd.s32 $0xE00, s12  }
0xbd: {  	[tilespmem:s31], [sflag:$0x2] =	stream.linear.gather [hbm4b:s23+s5], $0x800, $0x38;
	[tilespmem:$0x1F000] =	vst v63  }
0xbe: {  	s16 =	sadd.s32 $0x5000, s3;
	s15 =	sadd.s32 $0x1180, s12  }
0xbf: {  	[tilespmem:s16], [sflag:$0x2] =	stream.linear.gather [hbm4b:s15+s5], $0x800, $0x38;
	[tilespmem:$0x1F000] =	vst v63  }
0xc0: {  	s18 =	sadd.s32 $0x6000, s3;
	s17 =	sadd.s32 $0x1500, s12  }
0xc1: {  	[tilespmem:s18], [sflag:$0x2] =	stream.linear.gather [hbm4b:s17+s5], $0x800, $0x38;
	[tilespmem:$0x1F000] =	vst v63  }
0xc2: {  	s19 =	sadd.s32 $0x1880, s12;
	s20 =	sadd.s32 $0x7000, s3  }
0xc3: {  	[tilespmem:s20], [sflag:$0x2] =	stream.linear.gather [hbm4b:s19+s5], $0x800, $0x38;
	[tilespmem:$0x1F000] =	vst v63  }
0xc4: {  	s21 =	sadd.s32 $0x1C00, s12;
	s22 =	sadd.s32 $0x8000, s3  }
0xc5: {  	[tilespmem:s22], [sflag:$0x2] =	stream.linear.gather [hbm4b:s21+s5], $0x800, $0x38;
	[tilespmem:$0x1F000] =	vst v63  }
0xc6: {  	s23 =	sadd.s32 $0x1F80, s12;
	s31 =	sadd.s32 $0x9000, s3  }
0xc7: {  	[tilespmem:s31], [sflag:$0x2] =	stream.linear.gather [hbm4b:s23+s5], $0x800, $0x38;
	[tilespmem:$0x1F000] =	vst v63  }
0xc8: {  	s14 =	sadd.s32 $0x2300, s12;
	s15 =	sadd.s32 $0xA000, s3  }
0xc9: {  	[tilespmem:s15], [sflag:$0x2] =	stream.linear.gather [hbm4b:s14+s5], $0x800, $0x38;
	[tilespmem:$0x1F000] =	vst v63  }
0xca: {  	s16 =	sadd.s32 $0x2680, s12;
	s17 =	sadd.s32 $0xB000, s3  }
0xcb: {  	[tilespmem:s17], [sflag:$0x2] =	stream.linear.gather [hbm4b:s16+s5], $0x800, $0x38;
	[tilespmem:$0x1F000] =	vst v63  }
0xcc: {  	s18 =	sadd.s32 $0x2A00, s12;
	s19 =	sadd.s32 $0xC000, s3;
	s21 =	sadd.s32 $0x19000, s11  }
0xcd: {  	[tilespmem:s19], [sflag:$0x2] =	stream.linear.gather [hbm4b:s18+s5], $0x800, $0x38;
	[tilespmem:$0x1F000] =	vst v63  }
0xce: {  	s12 =	sadd.s32 $0x2D80, s12;
	s20 =	sadd.s32 $0xD000, s3;
	s11 =	sshrl.u32 s21, $0x3  }
0xcf: {  	[tilespmem:s20], [sflag:$0x2] =	stream.linear.gather [hbm4b:s12+s5], $0x800, $0x38;
	[tilespmem:$0x1F000] =	vst v63  }
0xd0: {  	s22 =	sadd.s32 $0x800, s3;
	s11 =	sadd.s32 s2, s11  }
0xd1: {  	[tilespmem:s22], [sflag:$0x2] =	stream.linear.gather [hbm4b:s11+s5], $0x400, $0x38;
	[tilespmem:$0x1F000] =	vst v63  }
0xd2: {  	s31 =	sadd.s32 $0x1800, s3;
	s23 =	sadd.s32 $0x380, s11  }
0xd3: {  	[tilespmem:s31], [sflag:$0x2] =	stream.linear.gather [hbm4b:s23+s5], $0x400, $0x38;
	[tilespmem:$0x1F000] =	vst v63  }
0xd4: {  	s13 =	sadd.s32 $0x700, s11;
	s14 =	sadd.s32 $0x2800, s3  }
0xd5: {  	[tilespmem:s14], [sflag:$0x2] =	stream.linear.gather [hbm4b:s13+s5], $0x400, $0x38;
	[tilespmem:$0x1F000] =	vst v63  }
0xd6: {  	s15 =	sadd.s32 $0xA80, s11;
	s16 =	sadd.s32 $0x3800, s3  }
0xd7: {  	[tilespmem:s16], [sflag:$0x2] =	stream.linear.gather [hbm4b:s15+s5], $0x400, $0x38;
	[tilespmem:$0x1F000] =	vst v63  }
0xd8: {  	s17 =	sadd.s32 $0xE00, s11;
	s18 =	sadd.s32 $0x4800, s3  }
0xd9: {  	[tilespmem:s18], [sflag:$0x2] =	stream.linear.gather [hbm4b:s17+s5], $0x400, $0x38;
	[tilespmem:$0x1F000] =	vst v63  }
0xda: {  	s19 =	sadd.s32 $0x1180, s11;
	s20 =	sadd.s32 $0x5800, s3  }
0xdb: {  	[tilespmem:s20], [sflag:$0x2] =	stream.linear.gather [hbm4b:s19+s5], $0x400, $0x38;
	[tilespmem:$0x1F000] =	vst v63  }
0xdc: {  	s21 =	sadd.s32 $0x1500, s11;
	s22 =	sadd.s32 $0x6800, s3  }
0xdd: {  	[tilespmem:s22], [sflag:$0x2] =	stream.linear.gather [hbm4b:s21+s5], $0x400, $0x38;
	[tilespmem:$0x1F000] =	vst v63  }
0xde: {  	s23 =	sadd.s32 $0x1880, s11;
	s31 =	sadd.s32 $0x7800, s3  }
0xdf: {  	[tilespmem:s31], [sflag:$0x2] =	stream.linear.gather [hbm4b:s23+s5], $0x400, $0x38;
	[tilespmem:$0x1F000] =	vst v63  }
0xe0: {  	s14 =	sadd.s32 $0x1C00, s11;
	s15 =	sadd.s32 $0x8800, s3  }
0xe1: {  	[tilespmem:s15], [sflag:$0x2] =	stream.linear.gather [hbm4b:s14+s5], $0x400, $0x38;
	[tilespmem:$0x1F000] =	vst v63  }
0xe2: {  	s16 =	sadd.s32 $0x1F80, s11;
	s17 =	sadd.s32 $0x9800, s3  }
0xe3: {  	[tilespmem:s17], [sflag:$0x2] =	stream.linear.gather [hbm4b:s16+s5], $0x400, $0x38;
	[tilespmem:$0x1F000] =	vst v63  }
0xe4: {  	s18 =	sadd.s32 $0x2300, s11;
	s19 =	sadd.s32 $0xA800, s3  }
0xe5: {  	[tilespmem:s19], [sflag:$0x2] =	stream.linear.gather [hbm4b:s18+s5], $0x400, $0x38;
	[tilespmem:$0x1F000] =	vst v63  }
0xe6: {  	s20 =	sadd.s32 $0x2680, s11;
	s21 =	sadd.s32 $0xB800, s3  }
0xe7: {  	[tilespmem:s21], [sflag:$0x2] =	stream.linear.gather [hbm4b:s20+s5], $0x400, $0x38;
	[tilespmem:$0x1F000] =	vst v63  }
.Ltmp6:
0xe8: {  	s22 =	sadd.s32 $0x2A00, s11;
	s23 =	sadd.s32 $0xC800, s3;
	(pc) =	sbr.rel .LBB2_6-.Ltmp6, $4  }
0xe9: {  	[tilespmem:s23], [sflag:$0x2] =	stream.linear.gather [hbm4b:s22+s5], $0x400, $0x38;
	[tilespmem:$0x1F000] =	vst v63  }
0xea: {  	s11 =	sadd.s32 $0x2D80, s11;
	s31 =	sadd.s32 $0xD800, s3  }
0xeb: {  	[tilespmem:s31], [sflag:$0x2] =	stream.linear.gather [hbm4b:s11+s5], $0x400, $0x38;
	[tilespmem:$0x1F000] =	vst v63  }
0xec: {  	s11 =	simm.s32 $0x19800  }
.LBB2_5:
0xed: {  	s12 =	sshrl.u32 s11, $0x3  }
0xee: {  	s13 =	sadd.s32 s2, s12  }
0xef: {  	[tilespmem:s3], [sflag:$0x1] =	stream.linear.gather [hbm4b:s13+s5], $0x800, $0x38;
	[tilespmem:$0x1F000] =	vst v63  }
0xf0: {  	s15 =	sadd.s32 $0x1000, s3;
	s14 =	sadd.s32 $0x380, s13  }
0xf1: {  	[tilespmem:s15], [sflag:$0x1] =	stream.linear.gather [hbm4b:s14+s5], $0x800, $0x38;
	[tilespmem:$0x1F000] =	vst v63  }
0xf2: {  	s31 =	sadd.s32 $0x2000, s3;
	s23 =	sadd.s32 $0x700, s13  }
0xf3: {  	[tilespmem:s31], [sflag:$0x1] =	stream.linear.gather [hbm4b:s23+s5], $0x800, $0x38;
	[tilespmem:$0x1F000] =	vst v63  }
0xf4: {  	s16 =	sadd.s32 $0x3000, s3;
	s15 =	sadd.s32 $0xA80, s13  }
0xf5: {  	[tilespmem:s16], [sflag:$0x1] =	stream.linear.gather [hbm4b:s15+s5], $0x800, $0x38;
	[tilespmem:$0x1F000] =	vst v63  }
0xf6: {  	s18 =	sadd.s32 $0x4000, s3;
	s17 =	sadd.s32 $0xE00, s13  }
0xf7: {  	[tilespmem:s18], [sflag:$0x1] =	stream.linear.gather [hbm4b:s17+s5], $0x800, $0x38;
	[tilespmem:$0x1F000] =	vst v63  }
0xf8: {  	s20 =	sadd.s32 $0x5000, s3;
	s19 =	sadd.s32 $0x1180, s13  }
0xf9: {  	[tilespmem:s20], [sflag:$0x1] =	stream.linear.gather [hbm4b:s19+s5], $0x800, $0x38;
	[tilespmem:$0x1F000] =	vst v63  }
0xfa: {  	s22 =	sadd.s32 $0x6000, s3;
	s21 =	sadd.s32 $0x1500, s13  }
0xfb: {  	[tilespmem:s22], [sflag:$0x1] =	stream.linear.gather [hbm4b:s21+s5], $0x800, $0x38;
	[tilespmem:$0x1F000] =	vst v63  }
0xfc: {  	s23 =	sadd.s32 $0x1880, s13;
	s31 =	sadd.s32 $0x7000, s3  }
0xfd: {  	[tilespmem:s31], [sflag:$0x1] =	stream.linear.gather [hbm4b:s23+s5], $0x800, $0x38;
	[tilespmem:$0x1F000] =	vst v63  }
0xfe: {  	s15 =	sadd.s32 $0x1C00, s13;
	s16 =	sadd.s32 $0x8000, s3  }
0xff: {  	[tilespmem:s16], [sflag:$0x1] =	stream.linear.gather [hbm4b:s15+s5], $0x800, $0x38;
	[tilespmem:$0x1F000] =	vst v63  }
0x100: {  	s17 =	sadd.s32 $0x1F80, s13;
	s18 =	sadd.s32 $0x9000, s3  }
0x101: {  	[tilespmem:s18], [sflag:$0x1] =	stream.linear.gather [hbm4b:s17+s5], $0x800, $0x38;
	[tilespmem:$0x1F000] =	vst v63  }
0x102: {  	s19 =	sadd.s32 $0x2300, s13;
	s20 =	sadd.s32 $0xA000, s3  }
0x103: {  	[tilespmem:s20], [sflag:$0x1] =	stream.linear.gather [hbm4b:s19+s5], $0x800, $0x38;
	[tilespmem:$0x1F000] =	vst v63  }
0x104: {  	s21 =	sadd.s32 $0x2680, s13;
	s22 =	sadd.s32 $0xB000, s3  }
0x105: {  	[tilespmem:s22], [sflag:$0x1] =	stream.linear.gather [hbm4b:s21+s5], $0x800, $0x38;
	[tilespmem:$0x1F000] =	vst v63  }
0x106: {  	s23 =	sadd.s32 $0x2A00, s13;
	s31 =	sadd.s32 $0xC000, s3  }
0x107: {  	[tilespmem:s31], [sflag:$0x1] =	stream.linear.gather [hbm4b:s23+s5], $0x800, $0x38;
	[tilespmem:$0x1F000] =	vst v63  }
0x108: {  	s13 =	sadd.s32 $0x2D80, s13;
	s15 =	sadd.s32 $0xD000, s3  }
0x109: {  	[tilespmem:s15], [sflag:$0x1] =	stream.linear.gather [hbm4b:s13+s5], $0x800, $0x38;
	[tilespmem:$0x1F000] =	vst v63  }
0x10a: {  	s12 =	sadd.s32 s12, s7;
	s16 =	sadd.s32 $0x800, s3  }
0x10b: {  	[tilespmem:s16], [sflag:$0x1] =	stream.linear.gather [hbm4b:s12+s5], $0x400, $0x38;
	[tilespmem:$0x1F000] =	vst v63  }
0x10c: {  	s17 =	sadd.s32 $0x380, s12;
	s18 =	sadd.s32 $0x1800, s3  }
0x10d: {  	[tilespmem:s18], [sflag:$0x1] =	stream.linear.gather [hbm4b:s17+s5], $0x400, $0x38;
	[tilespmem:$0x1F000] =	vst v63  }
0x10e: {  	s19 =	sadd.s32 $0x700, s12;
	s20 =	sadd.s32 $0x2800, s3  }
0x10f: {  	[tilespmem:s20], [sflag:$0x1] =	stream.linear.gather [hbm4b:s19+s5], $0x400, $0x38;
	[tilespmem:$0x1F000] =	vst v63  }
0x110: {  	s21 =	sadd.s32 $0xA80, s12;
	s22 =	sadd.s32 $0x3800, s3  }
0x111: {  	[tilespmem:s22], [sflag:$0x1] =	stream.linear.gather [hbm4b:s21+s5], $0x400, $0x38;
	[tilespmem:$0x1F000] =	vst v63  }
0x112: {  	s23 =	sadd.s32 $0xE00, s12;
	s31 =	sadd.s32 $0x4800, s3  }
0x113: {  	[tilespmem:s31], [sflag:$0x1] =	stream.linear.gather [hbm4b:s23+s5], $0x400, $0x38;
	[tilespmem:$0x1F000] =	vst v63  }
0x114: {  	s15 =	sadd.s32 $0x1180, s12;
	s16 =	sadd.s32 $0x5800, s3  }
0x115: {  	[tilespmem:s16], [sflag:$0x1] =	stream.linear.gather [hbm4b:s15+s5], $0x400, $0x38;
	[tilespmem:$0x1F000] =	vst v63  }
0x116: {  	s17 =	sadd.s32 $0x1500, s12;
	s18 =	sadd.s32 $0x6800, s3  }
0x117: {  	[tilespmem:s18], [sflag:$0x1] =	stream.linear.gather [hbm4b:s17+s5], $0x400, $0x38;
	[tilespmem:$0x1F000] =	vst v63  }
0x118: {  	s19 =	sadd.s32 $0x1880, s12;
	s20 =	sadd.s32 $0x7800, s3  }
0x119: {  	[tilespmem:s20], [sflag:$0x1] =	stream.linear.gather [hbm4b:s19+s5], $0x400, $0x38;
	[tilespmem:$0x1F000] =	vst v63  }
0x11a: {  	s21 =	sadd.s32 $0x1C00, s12;
	s22 =	sadd.s32 $0x8800, s3  }
0x11b: {  	[tilespmem:s22], [sflag:$0x1] =	stream.linear.gather [hbm4b:s21+s5], $0x400, $0x38;
	[tilespmem:$0x1F000] =	vst v63  }
0x11c: {  	s23 =	sadd.s32 $0x1F80, s12;
	s31 =	sadd.s32 $0x9800, s3  }
0x11d: {  	[tilespmem:s31], [sflag:$0x1] =	stream.linear.gather [hbm4b:s23+s5], $0x400, $0x38;
	[tilespmem:$0x1F000] =	vst v63  }
0x11e: {  	s14 =	sadd.s32 $0x2300, s12;
	s15 =	sadd.s32 $0xA800, s3  }
0x11f: {  	[tilespmem:s15], [sflag:$0x1] =	stream.linear.gather [hbm4b:s14+s5], $0x400, $0x38;
	[tilespmem:$0x1F000] =	vst v63  }
0x120: {  	s16 =	sadd.s32 $0x2680, s12;
	s17 =	sadd.s32 $0xB800, s3  }
0x121: {  	[tilespmem:s17], [sflag:$0x1] =	stream.linear.gather [hbm4b:s16+s5], $0x400, $0x38;
	[tilespmem:$0x1F000] =	vst v63  }
0x122: {  	s18 =	sadd.s32 $0x2A00, s12;
	s19 =	sadd.s32 $0xC800, s3;
	s21 =	sadd.s32 $0x1000, s11  }
0x123: {  	[tilespmem:s19], [sflag:$0x1] =	stream.linear.gather [hbm4b:s18+s5], $0x400, $0x38;
	[tilespmem:$0x1F000] =	vst v63  }
0x124: {  	s12 =	sadd.s32 $0x2D80, s12;
	s20 =	sadd.s32 $0xD800, s3;
	s11 =	sshrl.u32 s21, $0x3  }
0x125: {  	[tilespmem:s20], [sflag:$0x1] =	stream.linear.gather [hbm4b:s12+s5], $0x400, $0x38;
	[tilespmem:$0x1F000] =	vst v63  }
0x126: {  	s22 =	sadd.s32 $0xC00, s3;
	s11 =	sadd.s32 s2, s11  }
0x127: {  	[tilespmem:s22], [sflag:$0x1] =	stream.linear.gather [hbm4b:s11+s5], $0x400, $0x38;
	[tilespmem:$0x1F000] =	vst v63  }
0x128: {  	s31 =	sadd.s32 $0x1C00, s3;
	s23 =	sadd.s32 $0x380, s11  }
0x129: {  	[tilespmem:s31], [sflag:$0x1] =	stream.linear.gather [hbm4b:s23+s5], $0x400, $0x38;
	[tilespmem:$0x1F000] =	vst v63  }
0x12a: {  	s13 =	sadd.s32 $0x700, s11;
	s14 =	sadd.s32 $0x2C00, s3  }
0x12b: {  	[tilespmem:s14], [sflag:$0x1] =	stream.linear.gather [hbm4b:s13+s5], $0x400, $0x38;
	[tilespmem:$0x1F000] =	vst v63  }
0x12c: {  	s15 =	sadd.s32 $0xA80, s11;
	s16 =	sadd.s32 $0x3C00, s3  }
0x12d: {  	[tilespmem:s16], [sflag:$0x1] =	stream.linear.gather [hbm4b:s15+s5], $0x400, $0x38;
	[tilespmem:$0x1F000] =	vst v63  }
0x12e: {  	s17 =	sadd.s32 $0xE00, s11;
	s18 =	sadd.s32 $0x4C00, s3  }
0x12f: {  	[tilespmem:s18], [sflag:$0x1] =	stream.linear.gather [hbm4b:s17+s5], $0x400, $0x38;
	[tilespmem:$0x1F000] =	vst v63  }
0x130: {  	s19 =	sadd.s32 $0x1180, s11;
	s20 =	sadd.s32 $0x5C00, s3  }
0x131: {  	[tilespmem:s20], [sflag:$0x1] =	stream.linear.gather [hbm4b:s19+s5], $0x400, $0x38;
	[tilespmem:$0x1F000] =	vst v63  }
0x132: {  	s21 =	sadd.s32 $0x1500, s11;
	s22 =	sadd.s32 $0x6C00, s3  }
0x133: {  	[tilespmem:s22], [sflag:$0x1] =	stream.linear.gather [hbm4b:s21+s5], $0x400, $0x38;
	[tilespmem:$0x1F000] =	vst v63  }
0x134: {  	s23 =	sadd.s32 $0x1880, s11;
	s31 =	sadd.s32 $0x7C00, s3  }
0x135: {  	[tilespmem:s31], [sflag:$0x1] =	stream.linear.gather [hbm4b:s23+s5], $0x400, $0x38;
	[tilespmem:$0x1F000] =	vst v63  }
0x136: {  	s14 =	sadd.s32 $0x1C00, s11;
	s15 =	sadd.s32 $0x8C00, s3  }
0x137: {  	[tilespmem:s15], [sflag:$0x1] =	stream.linear.gather [hbm4b:s14+s5], $0x400, $0x38;
	[tilespmem:$0x1F000] =	vst v63  }
0x138: {  	s16 =	sadd.s32 $0x1F80, s11;
	s17 =	sadd.s32 $0x9C00, s3  }
0x139: {  	[tilespmem:s17], [sflag:$0x1] =	stream.linear.gather [hbm4b:s16+s5], $0x400, $0x38;
	[tilespmem:$0x1F000] =	vst v63  }
0x13a: {  	s18 =	sadd.s32 $0x2300, s11;
	s19 =	sadd.s32 $0xAC00, s3  }
0x13b: {  	[tilespmem:s19], [sflag:$0x1] =	stream.linear.gather [hbm4b:s18+s5], $0x400, $0x38;
	[tilespmem:$0x1F000] =	vst v63  }
0x13c: {  	s20 =	sadd.s32 $0x2680, s11;
	s21 =	sadd.s32 $0xBC00, s3  }
0x13d: {  	[tilespmem:s21], [sflag:$0x1] =	stream.linear.gather [hbm4b:s20+s5], $0x400, $0x38;
	[tilespmem:$0x1F000] =	vst v63  }
.Ltmp7:
0x13e: {  	s22 =	sadd.s32 $0x2A00, s11;
	s23 =	sadd.s32 $0xCC00, s3;
	(pc) =	sbr.rel @p1 .LBB2_7-.Ltmp7, $4  }
0x13f: {  	[tilespmem:s23], [sflag:$0x1] =	stream.linear.gather [hbm4b:s22+s5], $0x400, $0x38;
	[tilespmem:$0x1F000] =	vst v63  }
0x140: {  	s11 =	sadd.s32 $0x2D80, s11;
	s31 =	sadd.s32 $0xDC00, s3  }
0x141: {  	[tilespmem:s31], [sflag:$0x1] =	stream.linear.gather [hbm4b:s11+s5], $0x400, $0x38;
	[tilespmem:$0x1F000] =	vst v63  }
0x142: {  	s11 =	simm.s32 $0x1000  }
.LBB2_6:
0x143: {  	s9 =	sor.u32 s9, s11  }
0x144: {  	s9 =	sadd.s32 s10, s9  }
0x145: {  	s9 =	sshrl.u32 s9, $0x3  }
0x146: {  	s12 =	sadd.s32 $0xC00, s3;
	s9 =	sadd.s32 s2, s9  }
0x147: {  	[tilespmem:s12], [sflag:$0x2] =	stream.linear.gather [hbm4b:s9+s5], $0x400, $0x38;
	[tilespmem:$0x1F000] =	vst v63  }
0x148: {  	s14 =	sadd.s32 $0x1C00, s3;
	s13 =	sadd.s32 $0x380, s9  }
0x149: {  	[tilespmem:s14], [sflag:$0x2] =	stream.linear.gather [hbm4b:s13+s5], $0x400, $0x38;
	[tilespmem:$0x1F000] =	vst v63  }
0x14a: {  	s16 =	sadd.s32 $0x2C00, s3;
	s15 =	sadd.s32 $0x700, s9  }
0x14b: {  	[tilespmem:s16], [sflag:$0x2] =	stream.linear.gather [hbm4b:s15+s5], $0x400, $0x38;
	[tilespmem:$0x1F000] =	vst v63  }
0x14c: {  	s18 =	sadd.s32 $0x3C00, s3;
	s17 =	sadd.s32 $0xA80, s9  }
0x14d: {  	[tilespmem:s18], [sflag:$0x2] =	stream.linear.gather [hbm4b:s17+s5], $0x400, $0x38;
	[tilespmem:$0x1F000] =	vst v63  }
0x14e: {  	s20 =	sadd.s32 $0x4C00, s3;
	s19 =	sadd.s32 $0xE00, s9  }
0x14f: {  	[tilespmem:s20], [sflag:$0x2] =	stream.linear.gather [hbm4b:s19+s5], $0x400, $0x38;
	[tilespmem:$0x1F000] =	vst v63  }
0x150: {  	s22 =	sadd.s32 $0x5C00, s3;
	s21 =	sadd.s32 $0x1180, s9  }
0x151: {  	[tilespmem:s22], [sflag:$0x2] =	stream.linear.gather [hbm4b:s21+s5], $0x400, $0x38;
	[tilespmem:$0x1F000] =	vst v63  }
0x152: {  	s31 =	sadd.s32 $0x6C00, s3;
	s23 =	sadd.s32 $0x1500, s9  }
0x153: {  	[tilespmem:s31], [sflag:$0x2] =	stream.linear.gather [hbm4b:s23+s5], $0x400, $0x38;
	[tilespmem:$0x1F000] =	vst v63  }
0x154: {  	s12 =	sadd.s32 $0x1880, s9;
	s13 =	sadd.s32 $0x7C00, s3  }
0x155: {  	[tilespmem:s13], [sflag:$0x2] =	stream.linear.gather [hbm4b:s12+s5], $0x400, $0x38;
	[tilespmem:$0x1F000] =	vst v63  }
0x156: {  	s14 =	sadd.s32 $0x1C00, s9;
	s15 =	sadd.s32 $0x8C00, s3  }
0x157: {  	[tilespmem:s15], [sflag:$0x2] =	stream.linear.gather [hbm4b:s14+s5], $0x400, $0x38;
	[tilespmem:$0x1F000] =	vst v63  }
0x158: {  	s16 =	sadd.s32 $0x1F80, s9;
	s17 =	sadd.s32 $0x9C00, s3  }
0x159: {  	[tilespmem:s17], [sflag:$0x2] =	stream.linear.gather [hbm4b:s16+s5], $0x400, $0x38;
	[tilespmem:$0x1F000] =	vst v63  }
0x15a: {  	s18 =	sadd.s32 $0x2300, s9;
	s19 =	sadd.s32 $0xAC00, s3  }
0x15b: {  	[tilespmem:s19], [sflag:$0x2] =	stream.linear.gather [hbm4b:s18+s5], $0x400, $0x38;
	[tilespmem:$0x1F000] =	vst v63  }
0x15c: {  	s20 =	sadd.s32 $0x2680, s9;
	s21 =	sadd.s32 $0xBC00, s3  }
0x15d: {  	[tilespmem:s21], [sflag:$0x2] =	stream.linear.gather [hbm4b:s20+s5], $0x400, $0x38;
	[tilespmem:$0x1F000] =	vst v63  }
0x15e: {  	s22 =	sadd.s32 $0x2A00, s9;
	s23 =	sadd.s32 $0xCC00, s3  }
0x15f: {  	[tilespmem:s23], [sflag:$0x2] =	stream.linear.gather [hbm4b:s22+s5], $0x400, $0x38;
	[tilespmem:$0x1F000] =	vst v63  }
0x160: {  	s9 =	sadd.s32 $0x2D80, s9;
	s31 =	sadd.s32 $0xDC00, s3  }
0x161: {  	[tilespmem:s31], [sflag:$0x2] =	stream.linear.gather [hbm4b:s9+s5], $0x400, $0x38;
	[tilespmem:$0x1F000] =	vst v63  }
.LBB2_7:
0x162: {  	s3 =	sshrl.u32 s0, $0x4  }
0x163: {  	s9 =	sshll.u32 s3, $0x5  }
0x164: {  	s16 =	sor.u32 s1, s9  }
0x165: {  	p1 =	sgt.u32 s16, $0x37  }
.Ltmp8:
0x166: {  	_ = 	snop;
	(pc) =	sbr.rel @p1 .LBB2_11-.Ltmp8, $1  }
0x167: {  	_ =	sdelay $0x3  }
0x168: {  	s9 =	sand.u32 $0x1, s0  }
0x169: {  	p1 =	seq.s32 s9, $0x1;
	s9 =	simm.s32 $0x2  }
0x16a: {  	s10 =	simm.s32 $0x0;
	s9 =	simm.s32 @!p1 $0x1  }
0x16b: {  	v56 =	vmovc v54;
	v54 =	vmov v12;
	v12 =	vmov v0;
	v0 =	vmov s10;
	_ =	swait.ge [sflag:s9], $0x7000  }
0x16c: {  	v0 =	vshll.u32 v0, $0x9;
	[sflag:s9] =	ssyncset.done $0x0  }
0x16d: {  	v0 =	vor.u32 v8, v0;
	[sflag:s9] =	ssyncadd.s32 $0xFFFF9000  }
0x16e: {  	v5 =	vmov v61;
	v61 =	vand.u32 $0xF000, v0;
	_ =	swait.ge [sflag:s9], $0x3800  }
0x16f: {  	v0 =	vor.u32 v3, v61;
	[sflag:s9] =	ssyncset.done $0x0  }
0x170: {  	[sflag:s9] =	ssyncadd.s32 $0xFFFFC800  }
0x171: {  	_ =	swait.ge [sflag:s9], $0x3800  }
0x172: {  	s31 =	simm.s32 $0xE000;
	[sflag:s9] =	ssyncset.done $0x0  }
0x173: {  	v21 =	vmov v15;
	s31 =	simm.s32 @!p1 $0x0;
	v15 =	vld [tilespmem:$0x1FEE0];
	[sflag:s9] =	ssyncadd.s32 $0xFFFFC800  }
0x174: {  	v1 =	vor.u32 v4, v61;
	v0 =	vld.idx.msk [tilespmem:v0+s31+$0x0], $0xffff;
	_ =	sdelay $0x4  }
0x175: {  	v1 =	vld.idx.msk [tilespmem:v1+s31+$0x0], $0xffff;
	v55 =	vor.u32 v15, v61;
	[tilespmem:$0x1FEB0] =	vst v0  }
0x176: {  	[tilespmem:$0x1FEC0] =	vst v55;
	v55 =	vld [tilespmem:$0x1FEB0]  }
0x177: {  	v62 =	vor.u32 v23, v61;
	v23 =	vmovc v4;
	v4 =	vmov v3;
	v3 =	vmov v9;
	v9 =	vld [tilespmem:$0x1FED0];
	_ =	sdelay $0x1  }
0x178: {  	v0 =	vmov v13  }
0x179: {  	v59 =	vmovc v52;
	v52 =	vmov v43;
	v43 =	vmov v63;
	v63 =	vor.u32 v0, v61  }
0x17a: {  	v1 =	vadd.f32 v1, v55;
	v55 =	vor.u32 v12, v61;
	v12 =	vld [tilespmem:$0x1FEC0]  }
0x17b: {  	v62 =	vld.idx.msk [tilespmem:v62+s31+$0x0], $0xffff;
	v0 =	vor.u32 v9, v61  }
0x17c: {  	v13 =	vld [tilespmem:$0x1FEF0];
	_ =	sdelay $0x1  }
0x17d: {  	v63 =	vld.idx.msk [tilespmem:v63+s31+$0x0], $0xffff  }
0x17e: {  	v35 =	vmov v33;
	v33 =	vmov v7;
	v7 =	vld [tilespmem:$0x1FF00]  }
0x17f: {  	v50 =	vmov v48;
	v48 =	vmov v18;
	v0 =	vld.idx.msk [tilespmem:v0+s31+$0x0], $0xffff  }
0x180: {  	v18 =	vmovc v47;
	v47 =	vmovc v45;
	v45 =	vmov v16;
	v16 =	vld [tilespmem:$0x1FF10];
	v1 =	vadd.f32 v62, v1;
	v62 =	vor.u32 v13, v61  }
0x181: {  	v12 =	vld.idx.msk [tilespmem:v12+s31+$0x0], $0xffff  }
0x182: {  	v53 =	vmov v17;
	v17 =	vld [tilespmem:$0x1FF20];
	v1 =	vadd.f32 v63, v1;
	v63 =	vor.u32 v54, v61  }
0x183: {  	v54 =	vld.idx.msk [tilespmem:v55+s31+$0x0], $0xffff  }
0x184: {  	v0 =	vadd.f32 v0, v1;
	v1 =	vor.u32 v7, v61  }
0x185: {  	v62 =	vld.idx.msk [tilespmem:v62+s31+$0x0], $0xffff  }
0x186: {  	v19 =	vld [tilespmem:$0x1FF30];
	v7 =	vor.u32 v16, v61;
	v0 =	vadd.f32 v12, v0  }
0x187: {  	v63 =	vld.idx.msk [tilespmem:v63+s31+$0x0], $0xffff  }
0x188: {  	v12 =	vor.u32 v17, v61;
	v0 =	vadd.f32 v54, v0  }
0x189: {  	v1 =	vld.idx.msk [tilespmem:v1+s31+$0x0], $0xffff  }
0x18a: {  	v55 =	vor.u32 v14, v61;
	v0 =	vadd.f32 v62, v0  }
0x18b: {  	v34 =	vmov v31;
	v7 =	vld.idx.msk [tilespmem:v7+s31+$0x0], $0xffff  }
0x18c: {  	v31 =	vmovc v28;
	v28 =	vmovc v25;
	v25 =	vmov v22;
	v22 =	vld [tilespmem:$0x1FF40];
	v54 =	vor.u32 v19, v61;
	v0 =	vadd.f32 v63, v0  }
0x18d: {  	v12 =	vld.idx.msk [tilespmem:v12+s31+$0x0], $0xffff  }
0x18e: {  	v0 =	vadd.f32 v1, v0;
	v1 =	vor.u32 v48, v61  }
0x18f: {  	v62 =	vld.idx.msk [tilespmem:v55+s31+$0x0], $0xffff  }
0x190: {  	v0 =	vadd.f32 v7, v0;
	v7 =	vor.u32 v53, v61  }
0x191: {  	v63 =	vld.idx.msk [tilespmem:v54+s31+$0x0], $0xffff  }
0x192: {  	v0 =	vadd.f32 v12, v0;
	v12 =	vor.u32 v22, v61  }
0x193: {  	v1 =	vld.idx.msk [tilespmem:v1+s31+$0x0], $0xffff  }
0x194: {  	v14 =	vor.u32 v20, v61;
	v0 =	vadd.f32 v62, v0  }
0x195: {  	v7 =	vld.idx.msk [tilespmem:v7+s31+$0x0], $0xffff  }
0x196: {  	v55 =	vor.u32 v57, v61;
	v0 =	vadd.f32 v63, v0  }
0x197: {  	v12 =	vld.idx.msk [tilespmem:v12+s31+$0x0], $0xffff  }
0x198: {  	v0 =	vadd.f32 v1, v0;
	v1 =	vor.u32 v25, v61  }
0x199: {  	v57 =	vld.idx.msk [tilespmem:v14+s31+$0x0], $0xffff  }
0x19a: {  	v0 =	vadd.f32 v7, v0  }
0x19b: {  	v63 =	vld.idx.msk [tilespmem:v55+s31+$0x0], $0xffff  }
0x19c: {  	v0 =	vadd.f32 v12, v0  }
0x19d: {  	v1 =	vld.idx.msk [tilespmem:v1+s31+$0x0], $0xffff  }
0x19e: {  	v0 =	vadd.f32 v57, v0  }
0x19f: {  	s3 =	smul.u32 $0x6000, s3  }
0x1a0: {  	s9 =	simm.s32 $0x70;
	v0 =	vadd.f32 v63, v0  }
0x1a1: {  	s22 =	sshll.u32 s0, $0x6;
	s23 =	sshra.s32 s3, $0x2;
	s9 =	simm.s32 @!p1 $0x0  }
0x1a2: {  	s15 =	sand.u32 $0x380, s22;
	s3 =	sadd.s32 $0x1C000, s23;
	s14 =	sshll.u32 s9, $0x3;
	v0 =	vadd.f32 v1, v0;
	v1 =	vor.u32 v24, v61  }
0x1a3: {  	s11 =	sor.u32 s15, s3;
	s19 =	sadd.s32 $0x0, s9;
	s18 =	sand.u32 $0x400, s14;
	v53 =	vor.u32 v21, v61  }
0x1a4: {  	s19 =	sand.u32 $0x70, s19;
	s20 =	sadd.s32 s18, s11;
	v0 =	vmul.f32 $5.000000070e-02, v0  }
0x1a5: {  	s0 =	sadd.s32 s19, s20;
	v54 =	vor.u32 v28, v61  }
0x1a6: {  	[tilespmem:s0+$0x0] =	vst v0  }
0x1a7: {  	v7 =	vld.idx.msk [tilespmem:v1+s31+$0x0], $0xffff;
	v1 =	vor.u32 v27, v61  }
0x1a8: {  	v62 =	vld.idx.msk [tilespmem:v53+s31+$0x0], $0xffff  }
0x1a9: {  	v0 =	vor.u32 v29, v61  }
0x1aa: {  	v63 =	vld.idx.msk [tilespmem:v54+s31+$0x0], $0xffff  }
0x1ab: {  	v14 =	vor.u32 v31, v61  }
0x1ac: {  	v1 =	vld.idx.msk [tilespmem:v1+s31+$0x0], $0xffff  }
0x1ad: {  	v62 =	vadd.f32 v62, v7;
	v7 =	vor.u32 v38, v61  }
0x1ae: {  	v0 =	vld.idx.msk [tilespmem:v0+s31+$0x0], $0xffff  }
0x1af: {  	v55 =	vor.u32 v33, v61;
	v62 =	vadd.f32 v63, v62  }
0x1b0: {  	v14 =	vld.idx.msk [tilespmem:v14+s31+$0x0], $0xffff  }
0x1b1: {  	v57 =	vor.u32 v34, v61;
	v1 =	vadd.f32 v1, v62  }
0x1b2: {  	v7 =	vld.idx.msk [tilespmem:v7+s31+$0x0], $0xffff  }
0x1b3: {  	v0 =	vadd.f32 v0, v1;
	v1 =	vor.u32 v35, v61  }
0x1b4: {  	v63 =	vld.idx.msk [tilespmem:v55+s31+$0x0], $0xffff  }
0x1b5: {  	v0 =	vadd.f32 v14, v0;
	v14 =	vor.u32 v32, v61  }
0x1b6: {  	v62 =	vld.idx.msk [tilespmem:v57+s31+$0x0], $0xffff  }
0x1b7: {  	v0 =	vadd.f32 v7, v0;
	v7 =	vor.u32 v37, v61  }
0x1b8: {  	v1 =	vld.idx.msk [tilespmem:v1+s31+$0x0], $0xffff  }
0x1b9: {  	v12 =	vmovc v29;
	v29 =	vmov v32;
	v32 =	vor.u32 v36, v61;
	v0 =	vadd.f32 v63, v0  }
0x1ba: {  	v14 =	vld.idx.msk [tilespmem:v14+s31+$0x0], $0xffff  }
0x1bb: {  	v53 =	vor.u32 v39, v61;
	v0 =	vadd.f32 v62, v0  }
0x1bc: {  	v7 =	vld.idx.msk [tilespmem:v7+s31+$0x0], $0xffff  }
0x1bd: {  	v0 =	vadd.f32 v1, v0;
	v1 =	vor.u32 v40, v61  }
0x1be: {  	v63 =	vld.idx.msk [tilespmem:v32+s31+$0x0], $0xffff  }
0x1bf: {  	v0 =	vadd.f32 v14, v0;
	v14 =	vor.u32 v41, v61  }
0x1c0: {  	v62 =	vld.idx.msk [tilespmem:v53+s31+$0x0], $0xffff  }
0x1c1: {  	v0 =	vadd.f32 v7, v0;
	v7 =	vor.u32 v30, v61  }
0x1c2: {  	v1 =	vld.idx.msk [tilespmem:v1+s31+$0x0], $0xffff  }
0x1c3: {  	v55 =	vmov v30;
	v30 =	vor.u32 v43, v61;
	v0 =	vadd.f32 v63, v0  }
0x1c4: {  	v14 =	vld.idx.msk [tilespmem:v14+s31+$0x0], $0xffff  }
0x1c5: {  	v54 =	vor.u32 v42, v61;
	v0 =	vadd.f32 v62, v0  }
0x1c6: {  	v7 =	vld.idx.msk [tilespmem:v7+s31+$0x0], $0xffff  }
0x1c7: {  	v57 =	vor.u32 v45, v61;
	v0 =	vadd.f32 v1, v0  }
0x1c8: {  	v53 =	vld.idx.msk [tilespmem:v30+s31+$0x0], $0xffff  }
0x1c9: {  	v0 =	vadd.f32 v14, v0  }
0x1ca: {  	v1 =	vld.idx.msk [tilespmem:v54+s31+$0x0], $0xffff  }
0x1cb: {  	v0 =	vadd.f32 v7, v0  }
0x1cc: {  	v63 =	vld.idx.msk [tilespmem:v57+s31+$0x0], $0xffff  }
0x1cd: {  	v0 =	vadd.f32 v53, v0;
	_ =	sdelay $0x1  }
0x1ce: {  	v0 =	vadd.f32 v1, v0;
	_ =	sdelay $0x1  }
0x1cf: {  	s0 =	sadd.s32 $0x1C800, s23;
	v1 =	vor.u32 v46, v61;
	v0 =	vadd.f32 v63, v0  }
0x1d0: {  	s13 =	sor.u32 s15, s0;
	v54 =	vor.u32 v47, v61  }
0x1d1: {  	s12 =	sadd.s32 s18, s13;
	v0 =	vmul.f32 $5.000000070e-02, v0  }
0x1d2: {  	s12 =	sadd.s32 s19, s12;
	v7 =	vor.u32 v44, v61  }
0x1d3: {  	[tilespmem:s12+$0x0] =	vst v0  }
0x1d4: {  	v0 =	vor.u32 v49, v61;
	v1 =	vld.idx.msk [tilespmem:v1+s31+$0x0], $0xffff  }
0x1d5: {  	v62 =	vld.idx.msk [tilespmem:v54+s31+$0x0], $0xffff  }
0x1d6: {  	v57 =	vor.u32 v50, v61  }
0x1d7: {  	v14 =	vld.idx.msk [tilespmem:v7+s31+$0x0], $0xffff  }
0x1d8: {  	v7 =	vor.u32 v18, v61;
	v54 =	vld [tilespmem:$0x1FFF0]  }
0x1d9: {  	v0 =	vld.idx.msk [tilespmem:v0+s31+$0x0], $0xffff  }
0x1da: {  	v32 =	vor.u32 v52, v61;
	v1 =	vadd.f32 v62, v1  }
0x1db: {  	v63 =	vld.idx.msk [tilespmem:v57+s31+$0x0], $0xffff  }
0x1dc: {  	v1 =	vadd.f32 v14, v1;
	v14 =	vor.u32 v51, v61  }
0x1dd: {  	v7 =	vld.idx.msk [tilespmem:v7+s31+$0x0], $0xffff  }
0x1de: {  	v0 =	vadd.f32 v0, v1;
	v1 =	vor.u32 v54, v61  }
0x1df: {  	v62 =	vld.idx.msk [tilespmem:v32+s31+$0x0], $0xffff  }
0x1e0: {  	v30 =	vmov v44;
	v44 =	vor.u32 v5, v61;
	v0 =	vadd.f32 v63, v0  }
0x1e1: {  	v14 =	vld.idx.msk [tilespmem:v14+s31+$0x0], $0xffff  }
0x1e2: {  	v0 =	vadd.f32 v7, v0;
	v7 =	vor.u32 v56, v61  }
0x1e3: {  	v1 =	vld.idx.msk [tilespmem:v1+s31+$0x0], $0xffff  }
0x1e4: {  	v53 =	vor.u32 v26, v61;
	v0 =	vadd.f32 v62, v0  }
0x1e5: {  	v63 =	vld.idx.msk [tilespmem:v44+s31+$0x0], $0xffff  }
0x1e6: {  	v0 =	vadd.f32 v14, v0;
	v14 =	vor.u32 v10, v61  }
0x1e7: {  	v7 =	vld.idx.msk [tilespmem:v7+s31+$0x0], $0xffff  }
0x1e8: {  	v0 =	vadd.f32 v1, v0;
	v1 =	vor.u32 v59, v61  }
0x1e9: {  	v62 =	vld.idx.msk [tilespmem:v53+s31+$0x0], $0xffff  }
0x1ea: {  	v57 =	vor.u32 v60, v61;
	v0 =	vadd.f32 v63, v0  }
0x1eb: {  	v14 =	vld.idx.msk [tilespmem:v14+s31+$0x0], $0xffff  }
0x1ec: {  	v0 =	vadd.f32 v7, v0;
	v7 =	vor.u32 v6, v61  }
0x1ed: {  	v32 =	vld.idx.msk [tilespmem:v1+s31+$0x0], $0xffff  }
0x1ee: {  	v53 =	vor.u32 v2, v61;
	v0 =	vadd.f32 v62, v0  }
0x1ef: {  	v63 =	vld.idx.msk [tilespmem:v57+s31+$0x0], $0xffff  }
0x1f0: {  	v1 =	vor.u32 v11, v61;
	v0 =	vadd.f32 v14, v0  }
0x1f1: {  	v57 =	vld.idx.msk [tilespmem:v7+s31+$0x0], $0xffff  }
0x1f2: {  	v7 =	vor.u32 v3, v61;
	v0 =	vadd.f32 v32, v0  }
0x1f3: {  	v14 =	vld.idx.msk [tilespmem:v53+s31+$0x0], $0xffff  }
0x1f4: {  	v53 =	vor.u32 v58, v61;
	v0 =	vadd.f32 v63, v0  }
0x1f5: {  	v1 =	vld.idx.msk [tilespmem:v1+s31+$0x0], $0xffff  }
0x1f6: {  	v44 =	vmov v42;
	v42 =	vmov v55;
	v55 =	vld [tilespmem:$0x1FF00];
	v0 =	vadd.f32 v57, v0  }
0x1f7: {  	s21 =	sshrl.u32 s16, $0x2;
	s17 =	simm.s32 $0x10;
	v7 =	vld.idx.msk [tilespmem:v7+s31+$0x0], $0xffff  }
0x1f8: {  	s12 =	smulhi.u32 $0x24924925, s21;
	v32 =	vmov v24;
	v24 =	vld [tilespmem:$0x1FFE0];
	v57 =	vmov s17;
	v0 =	vadd.f32 v14, v0  }
0x1f9: {  	v63 =	vld.idx.msk [tilespmem:v53+s31+$0x0], $0xffff  }
0x1fa: {  	s10 =	sadd.s32 $0x1D000, s23;
	s20 =	smul.u32 $0x1C, s12;
	v53 =	vmov v16;
	v16 =	vld [tilespmem:$0x1FFB0];
	v61 =	vshll.u32 v57, $0x9;
	v0 =	vadd.f32 v1, v0  }
0x1fb: {  	s15 =	sor.u32 s15, s10;
	v14 =	vmovc v58;
	v58 =	vmovc v27;
	v27 =	vmov v21;
	v21 =	vld [tilespmem:$0x1FFD0];
	v57 =	vmov v48;
	v1 =	vor.u32 v8, v61  }
0x1fc: {  	s23 =	sadd.s32 s18, s15;
	s22 =	ssub.s32 s16, s20;
	v48 =	vmovc v30;
	v30 =	vmovc v29;
	v29 =	vmov v12;
	v12 =	vld [tilespmem:$0x1FFC0];
	v61 =	vand.u32 $0xF000, v1;
	v1 =	vadd.f32 v7, v0  }
0x1fd: {  	s18 =	simm.s32 $0x20;
	s19 =	sadd.s32 s19, s23;
	s16 =	sshll.u32 s22, $0xB;
	v8 =	vld [tilespmem:$0x1FFA0];
	v0 =	vor.u32 v4, v61;
	v62 =	vor.u32 v23, v61;
	v7 =	vmovc v2;
	v23 =	vmov v3  }
.LBB2_9:
0x1fe: {  	v1 =	vadd.f32 v63, v1;
	_ =	sdelay $0x1  }
0x1ff: {  	v2 =	vld [tilespmem:$0x1FF60];
	v1 =	vmul.f32 $5.000000070e-02, v1;
	_ =	sdelay $0x1  }
0x200: {  	[tilespmem:s19+$0x0] =	vst v1;
	v1 =	vld [tilespmem:$0x1FF50];
	_ =	sdelay $0x2  }
0x201: {  	v63 =	vor.u32 v2, v61;
	_ =	sdelay $0x1  }
0x202: {  	v0 =	vld.idx.msk [tilespmem:v0+s31+$0x0], $0xffff;
	v1 =	vor.u32 v1, v61  }
0x203: {  	v62 =	vld.idx.msk [tilespmem:v62+s31+$0x0], $0xffff  }
0x204: {  	v2 =	vor.u32 v9, v61  }
0x205: {  	v63 =	vld.idx.msk [tilespmem:v63+s31+$0x0], $0xffff  }
0x206: {  	v3 =	vor.u32 v15, v61  }
0x207: {  	v1 =	vld.idx.msk [tilespmem:v1+s31+$0x0], $0xffff  }
0x208: {  	v4 =	vor.u32 v8, v61;
	v0 =	vadd.f32 v62, v0  }
0x209: {  	v2 =	vld.idx.msk [tilespmem:v2+s31+$0x0], $0xffff  }
0x20a: {  	v62 =	vor.u32 v13, v61;
	v0 =	vadd.f32 v63, v0  }
0x20b: {  	v3 =	vld.idx.msk [tilespmem:v3+s31+$0x0], $0xffff  }
0x20c: {  	v63 =	vor.u32 v24, v61;
	v0 =	vadd.f32 v1, v0  }
0x20d: {  	v1 =	vld.idx.msk [tilespmem:v4+s31+$0x0], $0xffff  }
0x20e: {  	v4 =	vor.u32 v55, v61;
	v0 =	vadd.f32 v2, v0  }
0x20f: {  	v2 =	vld.idx.msk [tilespmem:v62+s31+$0x0], $0xffff  }
0x210: {  	v62 =	vor.u32 v53, v61;
	v0 =	vadd.f32 v3, v0  }
0x211: {  	v3 =	vld.idx.msk [tilespmem:v63+s31+$0x0], $0xffff  }
0x212: {  	v63 =	vor.u32 v17, v61;
	v0 =	vadd.f32 v1, v0  }
0x213: {  	v1 =	vld.idx.msk [tilespmem:v4+s31+$0x0], $0xffff  }
0x214: {  	v4 =	vor.u32 v16, v61;
	v0 =	vadd.f32 v2, v0  }
0x215: {  	v2 =	vld.idx.msk [tilespmem:v62+s31+$0x0], $0xffff  }
0x216: {  	v62 =	vor.u32 v19, v61;
	v0 =	vadd.f32 v3, v0  }
0x217: {  	v3 =	vld.idx.msk [tilespmem:v63+s31+$0x0], $0xffff  }
0x218: {  	v63 =	vor.u32 v57, v61;
	v0 =	vadd.f32 v1, v0  }
0x219: {  	v1 =	vld.idx.msk [tilespmem:v4+s31+$0x0], $0xffff  }
0x21a: {  	v4 =	vor.u32 v12, v61;
	v0 =	vadd.f32 v2, v0  }
0x21b: {  	v2 =	vld.idx.msk [tilespmem:v62+s31+$0x0], $0xffff  }
0x21c: {  	v62 =	vor.u32 v22, v61;
	v0 =	vadd.f32 v3, v0  }
0x21d: {  	v3 =	vld.idx.msk [tilespmem:v63+s31+$0x0], $0xffff  }
0x21e: {  	v63 =	vor.u32 v20, v61;
	v0 =	vadd.f32 v1, v0  }
0x21f: {  	v1 =	vld.idx.msk [tilespmem:v4+s31+$0x0], $0xffff  }
0x220: {  	v4 =	vor.u32 v21, v61;
	v0 =	vadd.f32 v2, v0  }
0x221: {  	v2 =	vld.idx.msk [tilespmem:v62+s31+$0x0], $0xffff  }
0x222: {  	v62 =	vor.u32 v25, v61;
	v0 =	vadd.f32 v3, v0  }
0x223: {  	v3 =	vld.idx.msk [tilespmem:v63+s31+$0x0], $0xffff  }
0x224: {  	v0 =	vadd.f32 v1, v0  }
0x225: {  	v1 =	vld.idx.msk [tilespmem:v4+s31+$0x0], $0xffff  }
0x226: {  	v0 =	vadd.f32 v2, v0  }
0x227: {  	v2 =	vld.idx.msk [tilespmem:v62+s31+$0x0], $0xffff  }
0x228: {  	v0 =	vadd.f32 v3, v0;
	_ =	sdelay $0x1  }
0x229: {  	v0 =	vadd.f32 v1, v0;
	_ =	sdelay $0x1  }
0x22a: {  	s14 =	sadd.s32 $0x80, s14;
	v1 =	vor.u32 v32, v61;
	v0 =	vadd.f32 v2, v0  }
0x22b: {  	s21 =	smov.u32 s18;
	s22 =	sadd.s32 s17, s9;
	s20 =	sand.u32 $0x400, s14;
	v2 =	vor.u32 v27, v61  }
0x22c: {  	s17 =	smov.u32 s21;
	s21 =	sand.u32 $0x70, s22;
	s23 =	sadd.s32 s20, s11;
	v0 =	vmul.f32 $5.000000070e-02, v0  }
0x22d: {  	s23 =	sadd.s32 s21, s23;
	v3 =	vor.u32 v28, v61  }
0x22e: {  	[tilespmem:s23+$0x0] =	vst v0  }
0x22f: {  	v0 =	vld.idx.msk [tilespmem:v1+s31+$0x0], $0xffff;
	v1 =	vor.u32 v58, v61  }
0x230: {  	v2 =	vld.idx.msk [tilespmem:v2+s31+$0x0], $0xffff  }
0x231: {  	v4 =	vor.u32 v29, v61  }
0x232: {  	v3 =	vld.idx.msk [tilespmem:v3+s31+$0x0], $0xffff  }
0x233: {  	v62 =	vor.u32 v31, v61  }
0x234: {  	v1 =	vld.idx.msk [tilespmem:v1+s31+$0x0], $0xffff  }
0x235: {  	v63 =	vor.u32 v38, v61;
	v0 =	vadd.f32 v2, v0  }
0x236: {  	v2 =	vld.idx.msk [tilespmem:v4+s31+$0x0], $0xffff  }
0x237: {  	v4 =	vor.u32 v33, v61;
	v0 =	vadd.f32 v3, v0  }
0x238: {  	v3 =	vld.idx.msk [tilespmem:v62+s31+$0x0], $0xffff  }
0x239: {  	v62 =	vor.u32 v34, v61;
	v0 =	vadd.f32 v1, v0  }
0x23a: {  	v1 =	vld.idx.msk [tilespmem:v63+s31+$0x0], $0xffff  }
0x23b: {  	v63 =	vor.u32 v35, v61;
	v0 =	vadd.f32 v2, v0  }
0x23c: {  	v2 =	vld.idx.msk [tilespmem:v4+s31+$0x0], $0xffff  }
0x23d: {  	v4 =	vor.u32 v30, v61;
	v0 =	vadd.f32 v3, v0  }
0x23e: {  	v3 =	vld.idx.msk [tilespmem:v62+s31+$0x0], $0xffff  }
0x23f: {  	v62 =	vor.u32 v37, v61;
	v0 =	vadd.f32 v1, v0  }
0x240: {  	v1 =	vld.idx.msk [tilespmem:v63+s31+$0x0], $0xffff  }
0x241: {  	v63 =	vor.u32 v36, v61;
	v0 =	vadd.f32 v2, v0  }
0x242: {  	v2 =	vld.idx.msk [tilespmem:v4+s31+$0x0], $0xffff  }
0x243: {  	v4 =	vor.u32 v39, v61;
	v0 =	vadd.f32 v3, v0  }
0x244: {  	v3 =	vld.idx.msk [tilespmem:v62+s31+$0x0], $0xffff  }
0x245: {  	v62 =	vor.u32 v40, v61;
	v0 =	vadd.f32 v1, v0  }
0x246: {  	v1 =	vld.idx.msk [tilespmem:v63+s31+$0x0], $0xffff  }
0x247: {  	v63 =	vor.u32 v41, v61;
	v0 =	vadd.f32 v2, v0  }
0x248: {  	v2 =	vld.idx.msk [tilespmem:v4+s31+$0x0], $0xffff  }
0x249: {  	v4 =	vor.u32 v42, v61;
	v0 =	vadd.f32 v3, v0  }
0x24a: {  	v3 =	vld.idx.msk [tilespmem:v62+s31+$0x0], $0xffff  }
0x24b: {  	v62 =	vor.u32 v43, v61;
	v0 =	vadd.f32 v1, v0  }
0x24c: {  	v1 =	vld.idx.msk [tilespmem:v63+s31+$0x0], $0xffff  }
0x24d: {  	v63 =	vor.u32 v44, v61;
	v0 =	vadd.f32 v2, v0  }
0x24e: {  	v2 =	vld.idx.msk [tilespmem:v4+s31+$0x0], $0xffff  }
0x24f: {  	v4 =	vor.u32 v45, v61;
	v0 =	vadd.f32 v3, v0  }
0x250: {  	v3 =	vld.idx.msk [tilespmem:v62+s31+$0x0], $0xffff  }
0x251: {  	v0 =	vadd.f32 v1, v0  }
0x252: {  	v1 =	vld.idx.msk [tilespmem:v63+s31+$0x0], $0xffff  }
0x253: {  	v0 =	vadd.f32 v2, v0  }
0x254: {  	v2 =	vld.idx.msk [tilespmem:v4+s31+$0x0], $0xffff  }
0x255: {  	v0 =	vadd.f32 v3, v0;
	_ =	sdelay $0x1  }
0x256: {  	v0 =	vadd.f32 v1, v0;
	_ =	sdelay $0x1  }
0x257: {  	v1 =	vor.u32 v46, v61;
	v0 =	vadd.f32 v2, v0  }
0x258: {  	v2 =	vor.u32 v47, v61  }
0x259: {  	s22 =	sadd.s32 s20, s15;
	s20 =	sadd.s32 s20, s13;
	v0 =	vmul.f32 $5.000000070e-02, v0  }
0x25a: {  	s20 =	sadd.s32 s21, s20;
	v3 =	vor.u32 v48, v61  }
0x25b: {  	[tilespmem:s20+$0x0] =	vst v0  }
0x25c: {  	v0 =	vor.u32 v49, v61;
	v1 =	vld.idx.msk [tilespmem:v1+s31+$0x0], $0xffff  }
0x25d: {  	v2 =	vld.idx.msk [tilespmem:v2+s31+$0x0], $0xffff  }
0x25e: {  	v4 =	vor.u32 v50, v61  }
0x25f: {  	v3 =	vld.idx.msk [tilespmem:v3+s31+$0x0], $0xffff  }
0x260: {  	v62 =	vor.u32 v18, v61  }
0x261: {  	v0 =	vld.idx.msk [tilespmem:v0+s31+$0x0], $0xffff  }
0x262: {  	v63 =	vor.u32 v52, v61;
	v1 =	vadd.f32 v2, v1  }
0x263: {  	v4 =	vld.idx.msk [tilespmem:v4+s31+$0x0], $0xffff  }
0x264: {  	v2 =	vor.u32 v51, v61;
	v1 =	vadd.f32 v3, v1  }
0x265: {  	v62 =	vld.idx.msk [tilespmem:v62+s31+$0x0], $0xffff  }
0x266: {  	v3 =	vor.u32 v54, v61;
	v0 =	vadd.f32 v0, v1  }
0x267: {  	v63 =	vld.idx.msk [tilespmem:v63+s31+$0x0], $0xffff  }
0x268: {  	v1 =	vor.u32 v5, v61;
	v0 =	vadd.f32 v4, v0  }
0x269: {  	v2 =	vld.idx.msk [tilespmem:v2+s31+$0x0], $0xffff  }
0x26a: {  	v4 =	vor.u32 v56, v61;
	v0 =	vadd.f32 v62, v0  }
0x26b: {  	v3 =	vld.idx.msk [tilespmem:v3+s31+$0x0], $0xffff  }
0x26c: {  	v62 =	vor.u32 v26, v61;
	v0 =	vadd.f32 v63, v0  }
0x26d: {  	v1 =	vld.idx.msk [tilespmem:v1+s31+$0x0], $0xffff  }
0x26e: {  	v63 =	vor.u32 v10, v61;
	v0 =	vadd.f32 v2, v0  }
0x26f: {  	v4 =	vld.idx.msk [tilespmem:v4+s31+$0x0], $0xffff  }
0x270: {  	v2 =	vor.u32 v59, v61;
	v0 =	vadd.f32 v3, v0  }
0x271: {  	v62 =	vld.idx.msk [tilespmem:v62+s31+$0x0], $0xffff  }
0x272: {  	v0 =	vadd.f32 v1, v0  }
0x273: {  	v63 =	vld.idx.msk [tilespmem:v63+s31+$0x0], $0xffff  }
0x274: {  	v3 =	vor.u32 v60, v61;
	v0 =	vadd.f32 v4, v0  }
0x275: {  	v2 =	vld.idx.msk [tilespmem:v2+s31+$0x0], $0xffff  }
0x276: {  	v1 =	vor.u32 v6, v61;
	v0 =	vadd.f32 v62, v0  }
0x277: {  	v4 =	vor.u32 v7, v61  }
0x278: {  	v62 =	vor.u32 v11, v61;
	v0 =	vadd.f32 v63, v0  }
0x279: {  	v3 =	vld.idx.msk [tilespmem:v3+s31+$0x0], $0xffff;
	v63 =	vor.u32 v23, v61  }
0x27a: {  	v0 =	vadd.f32 v2, v0;
	v2 =	vor.u32 v14, v61  }
0x27b: {  	v1 =	vld.idx.msk [tilespmem:v1+s31+$0x0], $0xffff  }
0x27c: {  	v4 =	vld.idx.msk [tilespmem:v4+s31+$0x0], $0xffff  }
0x27d: {  	v61 =	vld.idx.msk [tilespmem:v62+s31+$0x0], $0xffff  }
0x27e: {  	v0 =	vadd.f32 v3, v0;
	v3 =	vld.idx.msk [tilespmem:v63+s31+$0x0], $0xffff  }
0x27f: {  	v63 =	vld.idx.msk [tilespmem:v2+s31+$0x0], $0xffff  }
0x280: {  	v0 =	vadd.f32 v1, v0;
	v2 =	vld [tilespmem:$0x1FF80];
	_ =	sdelay $0x1  }
0x281: {  	v0 =	vadd.f32 v4, v0  }
0x282: {  	v1 =	vmov s17  }
0x283: {  	v1 =	vshll.u32 v1, $0x9;
	v0 =	vadd.f32 v61, v0  }
0x284: {  	v1 =	vor.u32 v2, v1;
	v2 =	vld [tilespmem:$0x1FF90]  }
0x285: {  	p1 =	sne.s32 s18, $0x60;
	v61 =	vand.u32 $0xF000, v1;
	v1 =	vadd.f32 v3, v0;
	v0 =	vld [tilespmem:$0x1FF70]  }
.Ltmp9:
0x286: {  	_ = 	snop;
	(pc) =	sbr.rel @p1 .LBB2_9-.Ltmp9, $2  }
0x287: {  	_ =	sdelay $0x2  }
0x288: {  	s18 =	sadd.s32 $0x10, s18;
	s19 =	sadd.s32 s21, s22;
	v62 =	vor.u32 v2, v61;
	v0 =	vor.u32 v0, v61  }
0x289: {  	v1 =	vadd.f32 v63, v1;
	_ =	sdelay $0x1  }
0x28a: {  	v2 =	vld [tilespmem:$0x1FF60];
	v1 =	vmul.f32 $5.000000070e-02, v1;
	_ =	sdelay $0x1  }
0x28b: {  	[tilespmem:s19+$0x0] =	vst v1;
	v1 =	vld [tilespmem:$0x1FF50];
	_ =	sdelay $0x2  }
0x28c: {  	v2 =	vor.u32 v2, v61;
	_ =	sdelay $0x1  }
0x28d: {  	v0 =	vld.idx.msk [tilespmem:v0+s31+$0x0], $0xffff;
	v1 =	vor.u32 v1, v61  }
0x28e: {  	v3 =	vld.idx.msk [tilespmem:v62+s31+$0x0], $0xffff  }
0x28f: {  	v4 =	vor.u32 v9, v61  }
0x290: {  	v2 =	vld.idx.msk [tilespmem:v2+s31+$0x0], $0xffff  }
0x291: {  	v62 =	vor.u32 v15, v61  }
0x292: {  	v1 =	vld.idx.msk [tilespmem:v1+s31+$0x0], $0xffff  }
0x293: {  	v0 =	vadd.f32 v3, v0;
	v3 =	vor.u32 v8, v61  }
0x294: {  	v4 =	vld.idx.msk [tilespmem:v4+s31+$0x0], $0xffff  }
0x295: {  	v0 =	vadd.f32 v2, v0;
	v2 =	vor.u32 v13, v61  }
0x296: {  	v62 =	vld.idx.msk [tilespmem:v62+s31+$0x0], $0xffff  }
0x297: {  	v0 =	vadd.f32 v1, v0;
	v1 =	vor.u32 v24, v61  }
0x298: {  	v3 =	vld.idx.msk [tilespmem:v3+s31+$0x0], $0xffff  }
0x299: {  	v0 =	vadd.f32 v4, v0;
	v4 =	vor.u32 v55, v61  }
0x29a: {  	v2 =	vld.idx.msk [tilespmem:v2+s31+$0x0], $0xffff  }
0x29b: {  	v55 =	vor.u32 v53, v61;
	v0 =	vadd.f32 v62, v0  }
0x29c: {  	v1 =	vld.idx.msk [tilespmem:v1+s31+$0x0], $0xffff  }
0x29d: {  	v0 =	vadd.f32 v3, v0;
	v3 =	vor.u32 v17, v61  }
0x29e: {  	v4 =	vld.idx.msk [tilespmem:v4+s31+$0x0], $0xffff  }
0x29f: {  	v0 =	vadd.f32 v2, v0;
	v2 =	vor.u32 v16, v61  }
0x2a0: {  	v62 =	vld.idx.msk [tilespmem:v55+s31+$0x0], $0xffff  }
0x2a1: {  	v0 =	vadd.f32 v1, v0;
	v1 =	vor.u32 v19, v61  }
0x2a2: {  	v3 =	vld.idx.msk [tilespmem:v3+s31+$0x0], $0xffff  }
0x2a3: {  	v0 =	vadd.f32 v4, v0;
	v4 =	vor.u32 v57, v61  }
0x2a4: {  	v2 =	vld.idx.msk [tilespmem:v2+s31+$0x0], $0xffff  }
0x2a5: {  	v53 =	vor.u32 v12, v61;
	v0 =	vadd.f32 v62, v0  }
0x2a6: {  	v1 =	vld.idx.msk [tilespmem:v1+s31+$0x0], $0xffff  }
0x2a7: {  	v0 =	vadd.f32 v3, v0;
	v3 =	vor.u32 v22, v61  }
0x2a8: {  	v4 =	vld.idx.msk [tilespmem:v4+s31+$0x0], $0xffff  }
0x2a9: {  	v0 =	vadd.f32 v2, v0;
	v2 =	vor.u32 v20, v61  }
0x2aa: {  	v62 =	vld.idx.msk [tilespmem:v53+s31+$0x0], $0xffff  }
0x2ab: {  	v0 =	vadd.f32 v1, v0;
	v1 =	vor.u32 v21, v61  }
0x2ac: {  	v3 =	vld.idx.msk [tilespmem:v3+s31+$0x0], $0xffff  }
0x2ad: {  	v0 =	vadd.f32 v4, v0;
	v4 =	vor.u32 v25, v61  }
0x2ae: {  	v2 =	vld.idx.msk [tilespmem:v2+s31+$0x0], $0xffff  }
0x2af: {  	v0 =	vadd.f32 v62, v0  }
0x2b0: {  	v1 =	vld.idx.msk [tilespmem:v1+s31+$0x0], $0xffff  }
0x2b1: {  	v0 =	vadd.f32 v3, v0  }
0x2b2: {  	v3 =	vld.idx.msk [tilespmem:v4+s31+$0x0], $0xffff  }
0x2b3: {  	v0 =	vadd.f32 v2, v0;
	_ =	sdelay $0x1  }
0x2b4: {  	v0 =	vadd.f32 v1, v0;
	_ =	sdelay $0x1  }
0x2b5: {  	s14 =	sadd.s32 $0x80, s14;
	v1 =	vor.u32 v32, v61;
	v0 =	vadd.f32 v3, v0  }
0x2b6: {  	s17 =	sadd.s32 s17, s9;
	s21 =	sand.u32 $0x400, s14;
	v2 =	vor.u32 v27, v61  }
0x2b7: {  	s22 =	sand.u32 $0x70, s17;
	s11 =	sadd.s32 s21, s11;
	v0 =	vmul.f32 $5.000000070e-02, v0  }
0x2b8: {  	s11 =	sadd.s32 s22, s11;
	v3 =	vor.u32 v28, v61  }
0x2b9: {  	[tilespmem:s11+$0x0] =	vst v0  }
0x2ba: {  	v0 =	vld.idx.msk [tilespmem:v1+s31+$0x0], $0xffff;
	v1 =	vor.u32 v58, v61  }
0x2bb: {  	v2 =	vld.idx.msk [tilespmem:v2+s31+$0x0], $0xffff  }
0x2bc: {  	v4 =	vor.u32 v29, v61  }
0x2bd: {  	v3 =	vld.idx.msk [tilespmem:v3+s31+$0x0], $0xffff  }
0x2be: {  	v55 =	vor.u32 v31, v61  }
0x2bf: {  	v1 =	vld.idx.msk [tilespmem:v1+s31+$0x0], $0xffff  }
0x2c0: {  	v0 =	vadd.f32 v2, v0;
	v2 =	vor.u32 v38, v61  }
0x2c1: {  	v4 =	vld.idx.msk [tilespmem:v4+s31+$0x0], $0xffff  }
0x2c2: {  	v0 =	vadd.f32 v3, v0;
	v3 =	vor.u32 v33, v61  }
0x2c3: {  	v62 =	vld.idx.msk [tilespmem:v55+s31+$0x0], $0xffff  }
0x2c4: {  	v0 =	vadd.f32 v1, v0;
	v1 =	vor.u32 v34, v61  }
0x2c5: {  	v2 =	vld.idx.msk [tilespmem:v2+s31+$0x0], $0xffff  }
0x2c6: {  	v0 =	vadd.f32 v4, v0;
	v4 =	vor.u32 v35, v61  }
0x2c7: {  	v3 =	vld.idx.msk [tilespmem:v3+s31+$0x0], $0xffff  }
0x2c8: {  	v9 =	vmov v58;
	v58 =	vor.u32 v30, v61;
	v0 =	vadd.f32 v62, v0  }
0x2c9: {  	v1 =	vld.idx.msk [tilespmem:v1+s31+$0x0], $0xffff  }
0x2ca: {  	v0 =	vadd.f32 v2, v0;
	v2 =	vor.u32 v37, v61  }
0x2cb: {  	v4 =	vld.idx.msk [tilespmem:v4+s31+$0x0], $0xffff  }
0x2cc: {  	v0 =	vadd.f32 v3, v0;
	v3 =	vor.u32 v36, v61  }
0x2cd: {  	v62 =	vld.idx.msk [tilespmem:v58+s31+$0x0], $0xffff  }
0x2ce: {  	v0 =	vadd.f32 v1, v0;
	v1 =	vor.u32 v39, v61  }
0x2cf: {  	v2 =	vld.idx.msk [tilespmem:v2+s31+$0x0], $0xffff  }
0x2d0: {  	v0 =	vadd.f32 v4, v0;
	v4 =	vor.u32 v40, v61  }
0x2d1: {  	v3 =	vld.idx.msk [tilespmem:v3+s31+$0x0], $0xffff  }
0x2d2: {  	v15 =	vmovc v57;
	v57 =	vmovc v21;
	v21 =	vmov v34;
	v34 =	vor.u32 v41, v61;
	v0 =	vadd.f32 v62, v0  }
0x2d3: {  	v1 =	vld.idx.msk [tilespmem:v1+s31+$0x0], $0xffff  }
0x2d4: {  	v0 =	vadd.f32 v2, v0;
	v2 =	vor.u32 v42, v61  }
0x2d5: {  	v4 =	vld.idx.msk [tilespmem:v4+s31+$0x0], $0xffff  }
0x2d6: {  	v0 =	vadd.f32 v3, v0;
	v3 =	vor.u32 v43, v61  }
0x2d7: {  	v62 =	vld.idx.msk [tilespmem:v34+s31+$0x0], $0xffff  }
0x2d8: {  	v0 =	vadd.f32 v1, v0;
	v1 =	vor.u32 v44, v61  }
0x2d9: {  	v2 =	vld.idx.msk [tilespmem:v2+s31+$0x0], $0xffff  }
0x2da: {  	v0 =	vadd.f32 v4, v0;
	v4 =	vor.u32 v45, v61  }
0x2db: {  	v3 =	vld.idx.msk [tilespmem:v3+s31+$0x0], $0xffff  }
0x2dc: {  	v0 =	vadd.f32 v62, v0  }
0x2dd: {  	v1 =	vld.idx.msk [tilespmem:v1+s31+$0x0], $0xffff  }
0x2de: {  	v0 =	vadd.f32 v2, v0  }
0x2df: {  	v2 =	vld.idx.msk [tilespmem:v4+s31+$0x0], $0xffff  }
0x2e0: {  	v0 =	vadd.f32 v3, v0;
	_ =	sdelay $0x1  }
0x2e1: {  	v0 =	vadd.f32 v1, v0;
	_ =	sdelay $0x1  }
0x2e2: {  	v1 =	vor.u32 v46, v61;
	v0 =	vadd.f32 v2, v0  }
0x2e3: {  	v2 =	vor.u32 v47, v61  }
0x2e4: {  	s23 =	sadd.s32 s21, s13;
	v0 =	vmul.f32 $5.000000070e-02, v0  }
0x2e5: {  	s11 =	sadd.s32 s22, s23;
	v3 =	vor.u32 v48, v61  }
0x2e6: {  	[tilespmem:s11+$0x0] =	vst v0  }
0x2e7: {  	v0 =	vor.u32 v49, v61;
	v1 =	vld.idx.msk [tilespmem:v1+s31+$0x0], $0xffff  }
0x2e8: {  	v2 =	vld.idx.msk [tilespmem:v2+s31+$0x0], $0xffff  }
0x2e9: {  	v4 =	vor.u32 v50, v61  }
0x2ea: {  	v3 =	vld.idx.msk [tilespmem:v3+s31+$0x0], $0xffff  }
0x2eb: {  	v53 =	vor.u32 v18, v61  }
0x2ec: {  	v0 =	vld.idx.msk [tilespmem:v0+s31+$0x0], $0xffff  }
0x2ed: {  	v1 =	vadd.f32 v2, v1;
	v2 =	vor.u32 v52, v61  }
0x2ee: {  	v4 =	vld.idx.msk [tilespmem:v4+s31+$0x0], $0xffff  }
0x2ef: {  	v1 =	vadd.f32 v3, v1;
	v3 =	vor.u32 v51, v61  }
0x2f0: {  	v62 =	vld.idx.msk [tilespmem:v53+s31+$0x0], $0xffff  }
0x2f1: {  	v0 =	vadd.f32 v0, v1;
	v1 =	vor.u32 v54, v61  }
0x2f2: {  	v2 =	vld.idx.msk [tilespmem:v2+s31+$0x0], $0xffff  }
0x2f3: {  	v0 =	vadd.f32 v4, v0;
	v4 =	vor.u32 v5, v61  }
0x2f4: {  	v3 =	vld.idx.msk [tilespmem:v3+s31+$0x0], $0xffff  }
0x2f5: {  	v54 =	vor.u32 v56, v61;
	v0 =	vadd.f32 v62, v0  }
0x2f6: {  	v1 =	vld.idx.msk [tilespmem:v1+s31+$0x0], $0xffff  }
0x2f7: {  	v0 =	vadd.f32 v2, v0;
	v2 =	vor.u32 v26, v61  }
0x2f8: {  	v4 =	vld.idx.msk [tilespmem:v4+s31+$0x0], $0xffff  }
0x2f9: {  	v0 =	vadd.f32 v3, v0;
	v3 =	vor.u32 v10, v61  }
0x2fa: {  	v62 =	vld.idx.msk [tilespmem:v54+s31+$0x0], $0xffff  }
0x2fb: {  	v0 =	vadd.f32 v1, v0;
	v1 =	vor.u32 v59, v61  }
0x2fc: {  	v2 =	vld.idx.msk [tilespmem:v2+s31+$0x0], $0xffff  }
0x2fd: {  	v0 =	vadd.f32 v4, v0;
	v4 =	vor.u32 v60, v61  }
0x2fe: {  	v3 =	vld.idx.msk [tilespmem:v3+s31+$0x0], $0xffff  }
0x2ff: {  	v55 =	vor.u32 v6, v61;
	v0 =	vadd.f32 v62, v0  }
0x300: {  	v1 =	vld.idx.msk [tilespmem:v1+s31+$0x0], $0xffff  }
0x301: {  	v0 =	vadd.f32 v2, v0;
	v2 =	vor.u32 v7, v61  }
0x302: {  	v4 =	vld.idx.msk [tilespmem:v4+s31+$0x0], $0xffff  }
0x303: {  	v0 =	vadd.f32 v3, v0;
	v3 =	vor.u32 v11, v61  }
0x304: {  	v62 =	vld.idx.msk [tilespmem:v55+s31+$0x0], $0xffff  }
0x305: {  	v0 =	vadd.f32 v1, v0;
	v1 =	vor.u32 v23, v61  }
0x306: {  	v2 =	vld.idx.msk [tilespmem:v2+s31+$0x0], $0xffff  }
0x307: {  	v0 =	vadd.f32 v4, v0;
	v4 =	vor.u32 v14, v61  }
0x308: {  	v3 =	vld.idx.msk [tilespmem:v3+s31+$0x0], $0xffff  }
0x309: {  	v0 =	vadd.f32 v62, v0  }
0x30a: {  	v1 =	vld.idx.msk [tilespmem:v1+s31+$0x0], $0xffff  }
0x30b: {  	v0 =	vadd.f32 v2, v0  }
0x30c: {  	v2 =	vld.idx.msk [tilespmem:v4+s31+$0x0], $0xffff  }
0x30d: {  	v0 =	vadd.f32 v3, v0;
	_ =	sdelay $0x1  }
0x30e: {  	v0 =	vadd.f32 v1, v0  }
0x30f: {  	p1 =	sne.s32 s30, $0x0  }
0x310: {  	s11 =	smul.u32 @!p1 $0x2A000, s12;
	v0 =	vadd.f32 v2, v0;
	_ =	sdelay $0x1  }
0x311: {  	s9 =	sadd.s32 s21, s15;
	s11 =	sadd.s32 @!p1 s16, s11;
	v0 =	vmul.f32 $5.000000070e-02, v0  }
0x312: {  	s9 =	sadd.s32 s22, s9;
	s11 =	sshrl.u32 @!p1 s11, $0x3  }
0x313: {  	v63 =	vmov v43;
	v8 =	vld [tilespmem:$0x1FF80];
	[tilespmem:s9+$0x0] =	vst v0;
	s9 =	sadd.s32 @!p1 s4, s11;
	s11 =	simm.s32 @!p1 $0x0  }
0x314: {  	v13 =	vmovc v47;
	v24 =	vmovc v32;
	v17 =	vmov v12;
	v12 =	vld [tilespmem:$0x1FFE0];
	v22 =	vmov v25;
	v25 =	vmov v28;
	[hbm4b:s9+s11] =	stream.linear.scatter @!p1 [tilespmem:s3], [sflag:$0x3], $0x800, $0x38  }
.Ltmp10:
0x315: {  	v32 =	vmovc v30;
	v28 =	vmovc v31;
	v31 =	vmov v21;
	v30 =	vmov v42;
	v34 =	vmov v23;
	v23 =	vld [tilespmem:$0x1FF60];
	(pc) =	sbr.rel .LBB2_11-.Ltmp10, $4  }
0x316: {  	v58 =	vmovc v14;
	v42 =	vmovc v44;
	v14 =	vmov v16;
	v16 =	vmov v45;
	v45 =	vmov v13;
	v13 =	vld [tilespmem:$0x1FF50];
	s3 =	sadd.s32 @!p1 $0x1C00, s9  }
0x317: {  	v43 =	vmovc v52;
	v44 =	vmovc v48;
	v48 =	vmov v50;
	v47 =	vmov v18;
	v18 =	vmov v15;
	v4 =	vld [tilespmem:$0x1FF90];
	[hbm4b:s3+s11] =	stream.linear.scatter @!p1 [tilespmem:s0], [sflag:$0x3], $0x800, $0x38  }
0x318: {  	v15 =	vmovc v27;
	v27 =	vmovc v9;
	v9 =	vmov v34;
	v52 =	vmov v59;
	v59 =	vmov v7;
	v3 =	vld [tilespmem:$0x1FF70];
	s0 =	sadd.s32 @!p1 $0x3800, s9  }
0x319: {  	v54 =	vmovc v56;
	v7 =	vmovc v33;
	v33 =	vmov v35;
	v61 =	vmov v5;
	v2 =	vmov v59;
	v0 =	vld [tilespmem:$0x1FFA0];
	[hbm4b:s0+s11] =	stream.linear.scatter @!p1 [tilespmem:s10], [sflag:$0x3], $0x800, $0x38  }
.LBB2_13:
0x31a: {  	_ =	sfence.sel $0x180000  }
0x31b: {  	[bflag:$0x0] =	sbarrier.arrive $0xFFFF  }
0x31c: {  	_ =	strace $0x90000047  }
0x31d: {  	s0 =	stileid.u32;
	[bflag:$0x2] =	sbarrier.arrive $0xFFFF  }
0x31e: {  	p0 =	sne.s32 s0, $0x0;
	s0 =	rddreg [dreg:$0x2]  }
0x31f: {  	s0 =	sadd.s32 @!p0 $0x100000, s0  }
0x320: {  	[sflag:s0] =	ssyncadd.tile.s32 @!p0 $0x1;
	_ =	shalt  }
.Lfunc_end2:
_tile_overlayer_lowered:
.L_overlay_start_2:
0x321: {  	(tag) =	ssettag $0x2  }
0x322: {  	s0 =	rddreg [dreg:$0x0];
	s2 =	stileid.u32  }
0x323: {  	s1 =	rddreg [dreg:$0x1];
	p0 =	sne.s32 s2, $0x0  }
0x324: {  	s3 =	rddreg [dreg:$0x2];
	[bflag:$0x3] =	sbarrier.arrive $0xFFFF;
	s2 =	simm.s32 @!p0 $0x1C04  }
0x325: {  	[timem:s3], [sflag:s2] =	dma.local @!p0 [hbm:s0], s1  }
0x326: {  	s0 =	simm.s32 @!p0 $0x4  }
0x327: {  	_ =	swait.ge @!p0 [sflag:s0], s1  }
0x328: {  	s1 =	ssub.s32 @!p0 $0x0, s1;
	[sflag:s0] =	ssyncset.done @!p0 $0x0  }
0x329: {  	[sflag:s0] =	ssyncadd.s32 @!p0 s1  }
0x32a: {  	[bflag:$0x3] =	sbarrier.arrive $0xFFFF  }
0x32b: {  	_ =	shalt  }

</sc_bundles>
